<compile_context>
chip_gen: v7x
topology: tpu7x:2x2x1
jax: 0.10.2.dev20260603
libtpu: 0.0.44.dev20260713+nightly
codegen_flags: <defaults>
</compile_context>

<pallas_src>
import jax
import jax.numpy as jnp
from jax import lax
from jax.experimental import pallas as pl
from jax.experimental.pallas import tpu as pltpu
from jax.experimental.pallas import tpu_sc as plsc

NC, NS, L = 2, 16, 16
NW = NC * NS
B = 16384
RPW = B // NW
TB = 128
NTB = RPW // TB

_SQRT_MAGIC = 0x1FBD1DF5


def _sqrt16(q):
    qi = lax.bitcast_convert_type(q, jnp.int32)
    y = lax.bitcast_convert_type(
        _SQRT_MAGIC + lax.shift_right_arithmetic(qi, 1), jnp.float32)
    y = 0.5 * (y + q / y)
    y = 0.5 * (y + q / y)
    return y


def _sc_body(idx_hbm, g1_hbm, g0_hbm, ew_hbm, out_hbm,
             idx_v0, idx_v1, g1_v0, g1_v1, g0_v0, g0_v1, ew_v, out_v,
             sin0, sin1):
    idx_b = [idx_v0, idx_v1]
    g1_b = [g1_v0, g1_v1]
    g0_b = [g0_v0, g0_v1]
    sin = [sin0, sin1]
    wid = lax.axis_index("s") * NC + lax.axis_index("c")
    base = wid * RPW
    pltpu.sync_copy(ew_hbm, ew_v)

    iota = lax.iota(jnp.int32, L)
    col = [jnp.full((L,), j, jnp.int32) for j in range(5)]
    zeros, ones = col[0], col[1]
    wm0 = ew_v[pl.ds(256, L)]
    wm1 = ew_v[pl.ds(256 + L, L)]

    def make_chunk(idx_v, g1_v, g0_v):
      def chunk(i, carry):
        row = i * L + iota
        w1a = plsc.load_gather(g1_v, [row, zeros])
        w1b = plsc.load_gather(g1_v, [row, ones])
        w0a = plsc.load_gather(g0_v, [row, zeros])
        w0b = plsc.load_gather(g0_v, [row, ones])
        c0 = w0a * w1a
        c1 = w0a * w1b
        c2 = w0b * w1a
        c3 = w0b * w1b
        z = []
        for j in range(5):
            o = plsc.load_gather(idx_v, [row, col[j]]) * 2
            e0a = plsc.load_gather(ew_v, [o])
            e0b = plsc.load_gather(ew_v, [o + 1])
            e1a = plsc.load_gather(ew_v, [o + 62])
            e1b = plsc.load_gather(ew_v, [o + 63])
            e2a = plsc.load_gather(ew_v, [o + 124])
            e2b = plsc.load_gather(ew_v, [o + 125])
            e3a = plsc.load_gather(ew_v, [o + 186])
            e3b = plsc.load_gather(ew_v, [o + 187])
            z.append((c0 * e0a + c1 * e1a + c2 * e2a + c3 * e3a,
                      c0 * e0b + c1 * e1b + c2 * e2b + c3 * e3b))
        qa, qb = z[0]
        s = []
        for r in range(1, 5):
            dx = qa - z[r][0]
            dy = qb - z[r][1]
            s.append(jnp.exp(-10.0 * _sqrt16(wm0 * dx * dx + wm1 * dy * dy)))
        inv = 1.0 / (s[0] + s[1] + s[2] + s[3])
        for r in range(4):
            plsc.store_scatter(out_v, [row, col[r]], s[r] * inv)
        return carry
      return chunk

    def fire_in(t, slot):
        tb = base + t * TB
        return [
            pltpu.async_copy(idx_hbm.at[pl.ds(tb, TB), :], idx_b[slot],
                             sin[slot]),
            pltpu.async_copy(g1_hbm.at[pl.ds(tb, TB), :], g1_b[slot],
                             sin[slot]),
            pltpu.async_copy(g0_hbm.at[pl.ds(tb, TB), :], g0_b[slot],
                             sin[slot]),
        ]

    in_pend = [None, None]
    in_pend[0] = fire_in(0, 0)
    for t in range(NTB):
        slot = t % 2
        if t + 1 < NTB:
            in_pend[1 - slot] = fire_in(t + 1, 1 - slot)
        for h in in_pend[slot]:
            h.wait()
        lax.fori_loop(0, TB // L,
                      make_chunk(idx_b[slot], g1_b[slot], g0_b[slot]), 0)
        pltpu.sync_copy(out_v, out_hbm.at[pl.ds(base + t * TB, TB), :])


_rank_sc = pl.kernel(
    _sc_body,
    out_type=jax.ShapeDtypeStruct((B, 4), jnp.float32),
    mesh=plsc.VectorSubcoreMesh(core_axis_name="c", subcore_axis_name="s"),
    compiler_params=pltpu.CompilerParams(
        needs_layout_passes=False, use_tc_tiling_on_sc=True),
    scratch_types=[
        pltpu.VMEM((TB, 5), jnp.int32),
        pltpu.VMEM((TB, 5), jnp.int32),
        pltpu.VMEM((TB, 2), jnp.float32),
        pltpu.VMEM((TB, 2), jnp.float32),
        pltpu.VMEM((TB, 2), jnp.float32),
        pltpu.VMEM((TB, 2), jnp.float32),
        pltpu.VMEM((288,), jnp.float32),
        pltpu.VMEM((TB, 4), jnp.float32),
        pltpu.SemaphoreType.DMA,
        pltpu.SemaphoreType.DMA,
    ],
)


def kernel(given4rank1_stimulus_set, percept_gate_weights_1,
           percept_gate_weights_0, E0, E1, E2, E3, w_mink):
    ew = jnp.concatenate([
        E0.reshape(-1), E1.reshape(-1), E2.reshape(-1), E3.reshape(-1),
        jnp.zeros((8,), jnp.float32),
        jnp.broadcast_to(w_mink[:, None], (2, 16)).reshape(-1),
    ])
    return _rank_sc(given4rank1_stimulus_set.astype(jnp.int32),
                    percept_gate_weights_1, percept_gate_weights_0, ew)

# --- scband reference (transcript-rebuilt; emitter-appended) ---
"""Pipeline reference for scband-rank-model-d-39273180954754 (READ-ONLY COPY).

The authoritative reference and input builder live on the scoring server;
editing this copy changes nothing except your own understanding.
"""

import jax, jax.numpy as jnp
import numpy as np

N_STIMULI = 30
N_DIM = 2
BATCH = 16384


def setup_inputs(seed: int = 0) -> dict:
    key = jax.random.key(seed)
    k1, k2, k3, k4, k5, k6, k7 = jax.random.split(key, 7)
    # stimulus indices in [1, 30] so the mask_zero placeholder (0) is never hit
    stimulus_set = jax.random.randint(k1, (BATCH, 5), 1, N_STIMULI + 1).astype(jnp.int64)
    gw1 = jax.random.uniform(k2, (BATCH, 2), dtype=jnp.float32)
    gw1 = gw1 / jnp.sum(gw1, axis=-1, keepdims=True)
    gw0 = jax.random.uniform(k3, (BATCH, 2), dtype=jnp.float32)
    gw0 = gw0 / jnp.sum(gw0, axis=-1, keepdims=True)
    # four percept embedding tables, (n_stimuli+1, n_dim), keras uniform(-0.05, 0.05)
    E0 = jax.random.uniform(k4, (N_STIMULI + 1, N_DIM), jnp.float32, -0.05, 0.05)
    E1 = jax.random.uniform(k5, (N_STIMULI + 1, N_DIM), jnp.float32, -0.05, 0.05)
    E2 = jax.random.uniform(k6, (N_STIMULI + 1, N_DIM), jnp.float32, -0.05, 0.05)
    E3 = jax.random.uniform(k7, (N_STIMULI + 1, N_DIM), jnp.float32, -0.05, 0.05)
    w_mink = jnp.array([1.2, 0.8], dtype=jnp.float32)
    return {
        "given4rank1_stimulus_set": stimulus_set,
        "percept_gate_weights_1": gw1,
        "percept_gate_weights_0": gw0,
        "E0": E0, "E1": E1, "E2": E2, "E3": E3,
        "w_mink": w_mink,
    }


def reference(given4rank1_stimulus_set, percept_gate_weights_1, percept_gate_weights_0,
              E0, E1, E2, E3, w_mink):
    idx = given4rank1_stimulus_set
    # four embedding lookups -> [B, 5, 2] each (SparseCore gather)
    z0 = jnp.take(E0, idx, axis=0)
    z1 = jnp.take(E1, idx, axis=0)
    z2 = jnp.take(E2, idx, axis=0)
    z3 = jnp.take(E3, idx, axis=0)
    # inner BraidGates: gated mixture controlled by percept_gate_weights_1
    w1a = percept_gate_weights_1[:, 0][:, None, None]
    w1b = percept_gate_weights_1[:, 1][:, None, None]
    z01 = w1a * z0 + w1b * z1
    z23 = w1a * z2 + w1b * z3
    # outer BraidGate: gated mixture controlled by percept_gate_weights_0
    w0a = percept_gate_weights_0[:, 0][:, None, None]
    w0b = percept_gate_weights_0[:, 1][:, None, None]
    z = w0a * z01 + w0b * z23  # [B, 5, 2]
    # split into query and 4 references along stimuli axis (axis=1)
    z_q = z[:, :1, :]   # [B, 1, 2]
    z_r = z[:, 1:, :]   # [B, 4, 2]
    # weighted Minkowski distance, rho=2 (rho non-trainable)
    rho = 2.0
    d = jnp.power(
        jnp.sum(w_mink[None, None, :] * jnp.power(jnp.abs(z_q - z_r), rho), axis=-1),
        1.0 / rho,
    )  # [B, 4]
    # ExponentialSimilarity: exp(-beta * d^tau) + gamma, beta=10, tau=1, gamma=0
    s = jnp.exp(-10.0 * jnp.power(d, 1.0)) + 0.0
    # SoftRank with n_select=1: outcome probability of picking each reference first
    prob = s / jnp.sum(s, axis=-1, keepdims=True)  # [B, 4]
    return prob

if __name__ == "__main__":
    import jax
    _d = setup_inputs()
    print(jax.jit(kernel)(*tuple(_d.values())))

</pallas_src>

<mosaic_0001>
#map = affine_map<(d0, d1) -> (0, 0)>
#map1 = affine_map<(d0, d1) -> (0)>
module attributes {stable_mosaic.version = 14 : i64} {
  func.func @_sc_body(%arg0: i32, %arg1: i32, %arg2: memref<16384x5xi32, #tpu.memory_space<hbm>>, %arg3: memref<16384x2xf32, #tpu.memory_space<hbm>>, %arg4: memref<16384x2xf32, #tpu.memory_space<hbm>>, %arg5: memref<288xf32, #tpu.memory_space<hbm>>, %arg6: memref<16384x4xf32, #tpu.memory_space<hbm>>, %arg7: memref<128x5xi32, #tpu.memory_space<vmem>>, %arg8: memref<128x5xi32, #tpu.memory_space<vmem>>, %arg9: memref<128x2xf32, #tpu.memory_space<vmem>>, %arg10: memref<128x2xf32, #tpu.memory_space<vmem>>, %arg11: memref<128x2xf32, #tpu.memory_space<vmem>>, %arg12: memref<128x2xf32, #tpu.memory_space<vmem>>, %arg13: memref<288xf32, #tpu.memory_space<vmem>>, %arg14: memref<128x4xf32, #tpu.memory_space<vmem>>, %arg15: memref<!tpu.dma_semaphore, #tpu.memory_space<semaphore_mem>>, %arg16: memref<!tpu.dma_semaphore, #tpu.memory_space<semaphore_mem>>) attributes {dimension_semantics = [#tpu.dimension_semantics<core_parallel>, #tpu.dimension_semantics<subcore_parallel>], iteration_bounds = array<i64: 2, 16>, scalar_prefetch = 0 : i64, scratch_operands = 10 : i64, tpu.core_type = #tpu.core_type<sc_vector_subcore>, window_params = [{transform_indices = #map}, {transform_indices = #map}, {transform_indices = #map}, {transform_indices = #map1}, {transform_indices = #map}]} {
    %mul3A = arith.constant 2 : i32
    %mul3A_0 = arith.muli %arg1, %mul3A : i32
    %add3A = arith.addi %mul3A_0, %arg0 : i32
    %mul3A_1 = arith.constant 512 : i32
    %mul3A_2 = arith.muli %add3A, %mul3A_1 : i32
    "tpu.region"() ({
      %run_scoped3A = tpu.sem_alloc : memref<!tpu.dma_semaphore, #tpu.memory_space<semaphore_mem>>
      tpu.enqueue_dma source(%arg5 : memref<288xf32, #tpu.memory_space<hbm>>) target(%arg13 : memref<288xf32, #tpu.memory_space<vmem>>) target_semaphore(%run_scoped3A : memref<!tpu.dma_semaphore, #tpu.memory_space<semaphore_mem>>)
      tpu.wait_dma2 semaphore(%run_scoped3A : memref<!tpu.dma_semaphore, #tpu.memory_space<semaphore_mem>>) src(%arg5 : memref<288xf32, #tpu.memory_space<hbm>>) dst(%arg13 : memref<288xf32, #tpu.memory_space<vmem>>)
      tpu.yield
    }) : () -> ()
    %iota3A = tpu.iota {dimensions = array<i32: 0>} : vector<16xi32>
    %broadcast_in_dim3A = arith.constant 0 : i32
    %broadcast_in_dim3A_3 = vector.broadcast %broadcast_in_dim3A : i32 to vector<16xi32>
    %broadcast_in_dim3A_4 = arith.constant 1 : i32
    %broadcast_in_dim3A_5 = vector.broadcast %broadcast_in_dim3A_4 : i32 to vector<16xi32>
    %broadcast_in_dim3A_6 = arith.constant 2 : i32
    %broadcast_in_dim3A_7 = vector.broadcast %broadcast_in_dim3A_6 : i32 to vector<16xi32>
    %broadcast_in_dim3A_8 = arith.constant 3 : i32
    %broadcast_in_dim3A_9 = vector.broadcast %broadcast_in_dim3A_8 : i32 to vector<16xi32>
    %broadcast_in_dim3A_10 = arith.constant 4 : i32
    %broadcast_in_dim3A_11 = vector.broadcast %broadcast_in_dim3A_10 : i32 to vector<16xi32>
    %get3A = arith.constant 256 : index
    %get3A_12 = tpu.vector_load %arg13[%get3A] {strides = array<i32>} : memref<288xf32, #tpu.memory_space<vmem>>, vector<16xf32>,
    %get3A_13 = arith.constant 272 : index
    %get3A_14 = tpu.vector_load %arg13[%get3A_13] {strides = array<i32>} : memref<288xf32, #tpu.memory_space<vmem>>, vector<16xf32>,
    %add3A_15 = arith.constant 0 : i32
    %add3A_16 = arith.addi %mul3A_2, %add3A_15 : i32
    %dma_start3A = arith.constant 0 : i32
    %dma_start3A_17 = tpu.memref_slice %arg2[%add3A_16, %dma_start3A] : memref<16384x5xi32, #tpu.memory_space<hbm>> -> memref<128x5xi32, #tpu.memory_space<hbm>>
    %dma_start3A_18 = arith.constant 0 : i32
    %dma_start3A_19 = tpu.memref_slice %arg2[%add3A_16, %dma_start3A_18] : memref<16384x5xi32, #tpu.memory_space<hbm>> -> memref<128x5xi32, #tpu.memory_space<hbm>>
    tpu.enqueue_dma source(%dma_start3A_19 : memref<128x5xi32, #tpu.memory_space<hbm>>) target(%arg7 : memref<128x5xi32, #tpu.memory_space<vmem>>) target_semaphore(%arg15 : memref<!tpu.dma_semaphore, #tpu.memory_space<semaphore_mem>>)
    %dma_start3A_20 = arith.constant 0 : i32
    %dma_start3A_21 = tpu.memref_slice %arg3[%add3A_16, %dma_start3A_20] : memref<16384x2xf32, #tpu.memory_space<hbm>> -> memref<128x2xf32, #tpu.memory_space<hbm>>
    %dma_start3A_22 = arith.constant 0 : i32
    %dma_start3A_23 = tpu.memref_slice %arg3[%add3A_16, %dma_start3A_22] : memref<16384x2xf32, #tpu.memory_space<hbm>> -> memref<128x2xf32, #tpu.memory_space<hbm>>
    tpu.enqueue_dma source(%dma_start3A_23 : memref<128x2xf32, #tpu.memory_space<hbm>>) target(%arg9 : memref<128x2xf32, #tpu.memory_space<vmem>>) target_semaphore(%arg15 : memref<!tpu.dma_semaphore, #tpu.memory_space<semaphore_mem>>)
    %dma_start3A_24 = arith.constant 0 : i32
    %dma_start3A_25 = tpu.memref_slice %arg4[%add3A_16, %dma_start3A_24] : memref<16384x2xf32, #tpu.memory_space<hbm>> -> memref<128x2xf32, #tpu.memory_space<hbm>>
    %dma_start3A_26 = arith.constant 0 : i32
    %dma_start3A_27 = tpu.memref_slice %arg4[%add3A_16, %dma_start3A_26] : memref<16384x2xf32, #tpu.memory_space<hbm>> -> memref<128x2xf32, #tpu.memory_space<hbm>>
    tpu.enqueue_dma source(%dma_start3A_27 : memref<128x2xf32, #tpu.memory_space<hbm>>) target(%arg11 : memref<128x2xf32, #tpu.memory_space<vmem>>) target_semaphore(%arg15 : memref<!tpu.dma_semaphore, #tpu.memory_space<semaphore_mem>>)
    %add3A_28 = arith.constant 128 : i32
    %add3A_29 = arith.addi %mul3A_2, %add3A_28 : i32
    %dma_start3A_30 = arith.constant 0 : i32
    %dma_start3A_31 = tpu.memref_slice %arg2[%add3A_29, %dma_start3A_30] : memref<16384x5xi32, #tpu.memory_space<hbm>> -> memref<128x5xi32, #tpu.memory_space<hbm>>
    %dma_start3A_32 = arith.constant 0 : i32
    %dma_start3A_33 = tpu.memref_slice %arg2[%add3A_29, %dma_start3A_32] : memref<16384x5xi32, #tpu.memory_space<hbm>> -> memref<128x5xi32, #tpu.memory_space<hbm>>
    tpu.enqueue_dma source(%dma_start3A_33 : memref<128x5xi32, #tpu.memory_space<hbm>>) target(%arg8 : memref<128x5xi32, #tpu.memory_space<vmem>>) target_semaphore(%arg16 : memref<!tpu.dma_semaphore, #tpu.memory_space<semaphore_mem>>)
    %dma_start3A_34 = arith.constant 0 : i32
    %dma_start3A_35 = tpu.memref_slice %arg3[%add3A_29, %dma_start3A_34] : memref<16384x2xf32, #tpu.memory_space<hbm>> -> memref<128x2xf32, #tpu.memory_space<hbm>>
    %dma_start3A_36 = arith.constant 0 : i32
    %dma_start3A_37 = tpu.memref_slice %arg3[%add3A_29, %dma_start3A_36] : memref<16384x2xf32, #tpu.memory_space<hbm>> -> memref<128x2xf32, #tpu.memory_space<hbm>>
    tpu.enqueue_dma source(%dma_start3A_37 : memref<128x2xf32, #tpu.memory_space<hbm>>) target(%arg10 : memref<128x2xf32, #tpu.memory_space<vmem>>) target_semaphore(%arg16 : memref<!tpu.dma_semaphore, #tpu.memory_space<semaphore_mem>>)
    %dma_start3A_38 = arith.constant 0 : i32
    %dma_start3A_39 = tpu.memref_slice %arg4[%add3A_29, %dma_start3A_38] : memref<16384x2xf32, #tpu.memory_space<hbm>> -> memref<128x2xf32, #tpu.memory_space<hbm>>
    %dma_start3A_40 = arith.constant 0 : i32
    %dma_start3A_41 = tpu.memref_slice %arg4[%add3A_29, %dma_start3A_40] : memref<16384x2xf32, #tpu.memory_space<hbm>> -> memref<128x2xf32, #tpu.memory_space<hbm>>
    tpu.enqueue_dma source(%dma_start3A_41 : memref<128x2xf32, #tpu.memory_space<hbm>>) target(%arg12 : memref<128x2xf32, #tpu.memory_space<vmem>>) target_semaphore(%arg16 : memref<!tpu.dma_semaphore, #tpu.memory_space<semaphore_mem>>)
    %dma_wait3A = arith.constant 0 : i32
    %dma_wait3A_42 = tpu.memref_slice %arg2[%add3A_16, %dma_wait3A] : memref<16384x5xi32, #tpu.memory_space<hbm>> -> memref<128x5xi32, #tpu.memory_space<hbm>>
    %dma_wait3A_43 = arith.constant 0 : i32
    %dma_wait3A_44 = tpu.memref_slice %arg2[%add3A_16, %dma_wait3A_43] : memref<16384x5xi32, #tpu.memory_space<hbm>> -> memref<128x5xi32, #tpu.memory_space<hbm>>
    tpu.wait_dma2 semaphore(%arg15 : memref<!tpu.dma_semaphore, #tpu.memory_space<semaphore_mem>>) src(%dma_wait3A_44 : memref<128x5xi32, #tpu.memory_space<hbm>>) dst(%arg7 : memref<128x5xi32, #tpu.memory_space<vmem>>)
    %dma_wait3A_45 = arith.constant 0 : i32
    %dma_wait3A_46 = tpu.memref_slice %arg3[%add3A_16, %dma_wait3A_45] : memref<16384x2xf32, #tpu.memory_space<hbm>> -> memref<128x2xf32, #tpu.memory_space<hbm>>
    %dma_wait3A_47 = arith.constant 0 : i32
    %dma_wait3A_48 = tpu.memref_slice %arg3[%add3A_16, %dma_wait3A_47] : memref<16384x2xf32, #tpu.memory_space<hbm>> -> memref<128x2xf32, #tpu.memory_space<hbm>>
    tpu.wait_dma2 semaphore(%arg15 : memref<!tpu.dma_semaphore, #tpu.memory_space<semaphore_mem>>) src(%dma_wait3A_48 : memref<128x2xf32, #tpu.memory_space<hbm>>) dst(%arg9 : memref<128x2xf32, #tpu.memory_space<vmem>>)
    %dma_wait3A_49 = arith.constant 0 : i32
    %dma_wait3A_50 = tpu.memref_slice %arg4[%add3A_16, %dma_wait3A_49] : memref<16384x2xf32, #tpu.memory_space<hbm>> -> memref<128x2xf32, #tpu.memory_space<hbm>>
    %dma_wait3A_51 = arith.constant 0 : i32
    %dma_wait3A_52 = tpu.memref_slice %arg4[%add3A_16, %dma_wait3A_51] : memref<16384x2xf32, #tpu.memory_space<hbm>> -> memref<128x2xf32, #tpu.memory_space<hbm>>
    tpu.wait_dma2 semaphore(%arg15 : memref<!tpu.dma_semaphore, #tpu.memory_space<semaphore_mem>>) src(%dma_wait3A_52 : memref<128x2xf32, #tpu.memory_space<hbm>>) dst(%arg11 : memref<128x2xf32, #tpu.memory_space<vmem>>)
    %scan3A = arith.constant 0 : i32
    %scan3A_53 = arith.constant 0 : i32
    %scan3A_54 = arith.constant 8 : i32
    %scan3A_55 = arith.addi %scan3A_53, %scan3A_54 : i32
    %scan3A_56 = arith.constant 1 : i32
    scf.for %scan3A_148 = %scan3A_53 to %scan3A_55 step %scan3A_56  : i32 {
      %mul3A_149 = arith.constant 16 : i32
      %mul3A_150 = arith.muli %scan3A_148, %mul3A_149 : i32
      %add3A_151 = vector.broadcast %mul3A_150 : i32 to vector<16xi32>
      %add3A_152 = arith.addi %add3A_151, %iota3A : vector<16xi32>
      %gather3A = tpu.vector_load_idx %arg9[%add3A_152, %broadcast_in_dim3A_3] : memref<128x2xf32, #tpu.memory_space<vmem>>[vector<16xi32>, vector<16xi32>], vector<16xf32>,
      %gather3A_153 = tpu.vector_load_idx %arg9[%add3A_152, %broadcast_in_dim3A_5] : memref<128x2xf32, #tpu.memory_space<vmem>>[vector<16xi32>, vector<16xi32>], vector<16xf32>,
      %gather3A_154 = tpu.vector_load_idx %arg11[%add3A_152, %broadcast_in_dim3A_3] : memref<128x2xf32, #tpu.memory_space<vmem>>[vector<16xi32>, vector<16xi32>], vector<16xf32>,
      %gather3A_155 = tpu.vector_load_idx %arg11[%add3A_152, %broadcast_in_dim3A_5] : memref<128x2xf32, #tpu.memory_space<vmem>>[vector<16xi32>, vector<16xi32>], vector<16xf32>,
      %mul3A_156 = arith.mulf %gather3A_154, %gather3A : vector<16xf32>
      %mul3A_157 = arith.mulf %gather3A_154, %gather3A_153 : vector<16xf32>
      %mul3A_158 = arith.mulf %gather3A_155, %gather3A : vector<16xf32>
      %mul3A_159 = arith.mulf %gather3A_155, %gather3A_153 : vector<16xf32>
      %gather3A_160 = tpu.vector_load_idx %arg7[%add3A_152, %broadcast_in_dim3A_3] : memref<128x5xi32, #tpu.memory_space<vmem>>[vector<16xi32>, vector<16xi32>], vector<16xi32>,
      %mul3A_161 = arith.constant 2 : i32
      %mul3A_162 = vector.broadcast %mul3A_161 : i32 to vector<16xi32>
      %mul3A_163 = arith.muli %gather3A_160, %mul3A_162 : vector<16xi32>
      %gather3A_164 = tpu.vector_load_idx %arg13[%mul3A_163] : memref<288xf32, #tpu.memory_space<vmem>>[vector<16xi32>], vector<16xf32>,
      %add3A_165 = arith.constant 1 : i32
      %add3A_166 = vector.broadcast %add3A_165 : i32 to vector<16xi32>
      %add3A_167 = arith.addi %mul3A_163, %add3A_166 : vector<16xi32>
      %gather3A_168 = tpu.vector_load_idx %arg13[%add3A_167] : memref<288xf32, #tpu.memory_space<vmem>>[vector<16xi32>], vector<16xf32>,
      %add3A_169 = arith.constant 62 : i32
      %add3A_170 = vector.broadcast %add3A_169 : i32 to vector<16xi32>
      %add3A_171 = arith.addi %mul3A_163, %add3A_170 : vector<16xi32>
      %gather3A_172 = tpu.vector_load_idx %arg13[%add3A_171] : memref<288xf32, #tpu.memory_space<vmem>>[vector<16xi32>], vector<16xf32>,
      %add3A_173 = arith.constant 63 : i32
      %add3A_174 = vector.broadcast %add3A_173 : i32 to vector<16xi32>
      %add3A_175 = arith.addi %mul3A_163, %add3A_174 : vector<16xi32>
      %gather3A_176 = tpu.vector_load_idx %arg13[%add3A_175] : memref<288xf32, #tpu.memory_space<vmem>>[vector<16xi32>], vector<16xf32>,
      %add3A_177 = arith.constant 124 : i32
      %add3A_178 = vector.broadcast %add3A_177 : i32 to vector<16xi32>
      %add3A_179 = arith.addi %mul3A_163, %add3A_178 : vector<16xi32>
      %gather3A_180 = tpu.vector_load_idx %arg13[%add3A_179] : memref<288xf32, #tpu.memory_space<vmem>>[vector<16xi32>], vector<16xf32>,
      %add3A_181 = arith.constant 125 : i32
      %add3A_182 = vector.broadcast %add3A_181 : i32 to vector<16xi32>
      %add3A_183 = arith.addi %mul3A_163, %add3A_182 : vector<16xi32>
      %gather3A_184 = tpu.vector_load_idx %arg13[%add3A_183] : memref<288xf32, #tpu.memory_space<vmem>>[vector<16xi32>], vector<16xf32>,
      %add3A_185 = arith.constant 186 : i32
      %add3A_186 = vector.broadcast %add3A_185 : i32 to vector<16xi32>
      %add3A_187 = arith.addi %mul3A_163, %add3A_186 : vector<16xi32>
      %gather3A_188 = tpu.vector_load_idx %arg13[%add3A_187] : memref<288xf32, #tpu.memory_space<vmem>>[vector<16xi32>], vector<16xf32>,
      %add3A_189 = arith.constant 187 : i32
      %add3A_190 = vector.broadcast %add3A_189 : i32 to vector<16xi32>
      %add3A_191 = arith.addi %mul3A_163, %add3A_190 : vector<16xi32>
      %gather3A_192 = tpu.vector_load_idx %arg13[%add3A_191] : memref<288xf32, #tpu.memory_space<vmem>>[vector<16xi32>], vector<16xf32>,
      %mul3A_193 = arith.mulf %mul3A_156, %gather3A_164 : vector<16xf32>
      %mul3A_194 = arith.mulf %mul3A_157, %gather3A_172 : vector<16xf32>
      %add3A_195 = arith.addf %mul3A_193, %mul3A_194 : vector<16xf32>
      %mul3A_196 = arith.mulf %mul3A_158, %gather3A_180 : vector<16xf32>
      %add3A_197 = arith.addf %add3A_195, %mul3A_196 : vector<16xf32>
      %mul3A_198 = arith.mulf %mul3A_159, %gather3A_188 : vector<16xf32>
      %add3A_199 = arith.addf %add3A_197, %mul3A_198 : vector<16xf32>
      %mul3A_200 = arith.mulf %mul3A_156, %gather3A_168 : vector<16xf32>
      %mul3A_201 = arith.mulf %mul3A_157, %gather3A_176 : vector<16xf32>
      %add3A_202 = arith.addf %mul3A_200, %mul3A_201 : vector<16xf32>
      %mul3A_203 = arith.mulf %mul3A_158, %gather3A_184 : vector<16xf32>
      %add3A_204 = arith.addf %add3A_202, %mul3A_203 : vector<16xf32>
      %mul3A_205 = arith.mulf %mul3A_159, %gather3A_192 : vector<16xf32>
      %add3A_206 = arith.addf %add3A_204, %mul3A_205 : vector<16xf32>
      %gather3A_207 = tpu.vector_load_idx %arg7[%add3A_152, %broadcast_in_dim3A_5] : memref<128x5xi32, #tpu.memory_space<vmem>>[vector<16xi32>, vector<16xi32>], vector<16xi32>,
      %mul3A_208 = arith.constant 2 : i32
      %mul3A_209 = vector.broadcast %mul3A_208 : i32 to vector<16xi32>
      %mul3A_210 = arith.muli %gather3A_207, %mul3A_209 : vector<16xi32>
      %gather3A_211 = tpu.vector_load_idx %arg13[%mul3A_210] : memref<288xf32, #tpu.memory_space<vmem>>[vector<16xi32>], vector<16xf32>,
      %add3A_212 = arith.constant 1 : i32
      %add3A_213 = vector.broadcast %add3A_212 : i32 to vector<16xi32>
      %add3A_214 = arith.addi %mul3A_210, %add3A_213 : vector<16xi32>
      %gather3A_215 = tpu.vector_load_idx %arg13[%add3A_214] : memref<288xf32, #tpu.memory_space<vmem>>[vector<16xi32>], vector<16xf32>,
      %add3A_216 = arith.constant 62 : i32
      %add3A_217 = vector.broadcast %add3A_216 : i32 to vector<16xi32>
      %add3A_218 = arith.addi %mul3A_210, %add3A_217 : vector<16xi32>
      %gather3A_219 = tpu.vector_load_idx %arg13[%add3A_218] : memref<288xf32, #tpu.memory_space<vmem>>[vector<16xi32>], vector<16xf32>,
      %add3A_220 = arith.constant 63 : i32
      %add3A_221 = vector.broadcast %add3A_220 : i32 to vector<16xi32>
      %add3A_222 = arith.addi %mul3A_210, %add3A_221 : vector<16xi32>
      %gather3A_223 = tpu.vector_load_idx %arg13[%add3A_222] : memref<288xf32, #tpu.memory_space<vmem>>[vector<16xi32>], vector<16xf32>,
      %add3A_224 = arith.constant 124 : i32
      %add3A_225 = vector.broadcast %add3A_224 : i32 to vector<16xi32>
      %add3A_226 = arith.addi %mul3A_210, %add3A_225 : vector<16xi32>
      %gather3A_227 = tpu.vector_load_idx %arg13[%add3A_226] : memref<288xf32, #tpu.memory_space<vmem>>[vector<16xi32>], vector<16xf32>,
      %add3A_228 = arith.constant 125 : i32
      %add3A_229 = vector.broadcast %add3A_228 : i32 to vector<16xi32>
      %add3A_230 = arith.addi %mul3A_210, %add3A_229 : vector<16xi32>
      %gather3A_231 = tpu.vector_load_idx %arg13[%add3A_230] : memref<288xf32, #tpu.memory_space<vmem>>[vector<16xi32>], vector<16xf32>,
      %add3A_232 = arith.constant 186 : i32
      %add3A_233 = vector.broadcast %add3A_232 : i32 to vector<16xi32>
      %add3A_234 = arith.addi %mul3A_210, %add3A_233 : vector<16xi32>
      %gather3A_235 = tpu.vector_load_idx %arg13[%add3A_234] : memref<288xf32, #tpu.memory_space<vmem>>[vector<16xi32>], vector<16xf32>,
      %add3A_236 = arith.constant 187 : i32
      %add3A_237 = vector.broadcast %add3A_236 : i32 to vector<16xi32>
      %add3A_238 = arith.addi %mul3A_210, %add3A_237 : vector<16xi32>
      %gather3A_239 = tpu.vector_load_idx %arg13[%add3A_238] : memref<288xf32, #tpu.memory_space<vmem>>[vector<16xi32>], vector<16xf32>,
      %mul3A_240 = arith.mulf %mul3A_156, %gather3A_211 : vector<16xf32>
      %mul3A_241 = arith.mulf %mul3A_157, %gather3A_219 : vector<16xf32>
      %add3A_242 = arith.addf %mul3A_240, %mul3A_241 : vector<16xf32>
      %mul3A_243 = arith.mulf %mul3A_158, %gather3A_227 : vector<16xf32>
      %add3A_244 = arith.addf %add3A_242, %mul3A_243 : vector<16xf32>
      %mul3A_245 = arith.mulf %mul3A_159, %gather3A_235 : vector<16xf32>
      %add3A_246 = arith.addf %add3A_244, %mul3A_245 : vector<16xf32>
      %mul3A_247 = arith.mulf %mul3A_156, %gather3A_215 : vector<16xf32>
      %mul3A_248 = arith.mulf %mul3A_157, %gather3A_223 : vector<16xf32>
      %add3A_249 = arith.addf %mul3A_247, %mul3A_248 : vector<16xf32>
      %mul3A_250 = arith.mulf %mul3A_158, %gather3A_231 : vector<16xf32>
      %add3A_251 = arith.addf %add3A_249, %mul3A_250 : vector<16xf32>
      %mul3A_252 = arith.mulf %mul3A_159, %gather3A_239 : vector<16xf32>
      %add3A_253 = arith.addf %add3A_251, %mul3A_252 : vector<16xf32>
      %gather3A_254 = tpu.vector_load_idx %arg7[%add3A_152, %broadcast_in_dim3A_7] : memref<128x5xi32, #tpu.memory_space<vmem>>[vector<16xi32>, vector<16xi32>], vector<16xi32>,
      %mul3A_255 = arith.constant 2 : i32
      %mul3A_256 = vector.broadcast %mul3A_255 : i32 to vector<16xi32>
      %mul3A_257 = arith.muli %gather3A_254, %mul3A_256 : vector<16xi32>
      %gather3A_258 = tpu.vector_load_idx %arg13[%mul3A_257] : memref<288xf32, #tpu.memory_space<vmem>>[vector<16xi32>], vector<16xf32>,
      %add3A_259 = arith.constant 1 : i32
      %add3A_260 = vector.broadcast %add3A_259 : i32 to vector<16xi32>
      %add3A_261 = arith.addi %mul3A_257, %add3A_260 : vector<16xi32>
      %gather3A_262 = tpu.vector_load_idx %arg13[%add3A_261] : memref<288xf32, #tpu.memory_space<vmem>>[vector<16xi32>], vector<16xf32>,
      %add3A_263 = arith.constant 62 : i32
      %add3A_264 = vector.broadcast %add3A_263 : i32 to vector<16xi32>
      %add3A_265 = arith.addi %mul3A_257, %add3A_264 : vector<16xi32>
      %gather3A_266 = tpu.vector_load_idx %arg13[%add3A_265] : memref<288xf32, #tpu.memory_space<vmem>>[vector<16xi32>], vector<16xf32>,
      %add3A_267 = arith.constant 63 : i32
      %add3A_268 = vector.broadcast %add3A_267 : i32 to vector<16xi32>
      %add3A_269 = arith.addi %mul3A_257, %add3A_268 : vector<16xi32>
      %gather3A_270 = tpu.vector_load_idx %arg13[%add3A_269] : memref<288xf32, #tpu.memory_space<vmem>>[vector<16xi32>], vector<16xf32>,
      %add3A_271 = arith.constant 124 : i32
      %add3A_272 = vector.broadcast %add3A_271 : i32 to vector<16xi32>
      %add3A_273 = arith.addi %mul3A_257, %add3A_272 : vector<16xi32>
      %gather3A_274 = tpu.vector_load_idx %arg13[%add3A_273] : memref<288xf32, #tpu.memory_space<vmem>>[vector<16xi32>], vector<16xf32>,
      %add3A_275 = arith.constant 125 : i32
      %add3A_276 = vector.broadcast %add3A_275 : i32 to vector<16xi32>
      %add3A_277 = arith.addi %mul3A_257, %add3A_276 : vector<16xi32>
      %gather3A_278 = tpu.vector_load_idx %arg13[%add3A_277] : memref<288xf32, #tpu.memory_space<vmem>>[vector<16xi32>], vector<16xf32>,
      %add3A_279 = arith.constant 186 : i32
      %add3A_280 = vector.broadcast %add3A_279 : i32 to vector<16xi32>
      %add3A_281 = arith.addi %mul3A_257, %add3A_280 : vector<16xi32>
      %gather3A_282 = tpu.vector_load_idx %arg13[%add3A_281] : memref<288xf32, #tpu.memory_space<vmem>>[vector<16xi32>], vector<16xf32>,
      %add3A_283 = arith.constant 187 : i32
      %add3A_284 = vector.broadcast %add3A_283 : i32 to vector<16xi32>
      %add3A_285 = arith.addi %mul3A_257, %add3A_284 : vector<16xi32>
      %gather3A_286 = tpu.vector_load_idx %arg13[%add3A_285] : memref<288xf32, #tpu.memory_space<vmem>>[vector<16xi32>], vector<16xf32>,
      %mul3A_287 = arith.mulf %mul3A_156, %gather3A_258 : vector<16xf32>
      %mul3A_288 = arith.mulf %mul3A_157, %gather3A_266 : vector<16xf32>
      %add3A_289 = arith.addf %mul3A_287, %mul3A_288 : vector<16xf32>
      %mul3A_290 = arith.mulf %mul3A_158, %gather3A_274 : vector<16xf32>
      %add3A_291 = arith.addf %add3A_289, %mul3A_290 : vector<16xf32>
      %mul3A_292 = arith.mulf %mul3A_159, %gather3A_282 : vector<16xf32>
      %add3A_293 = arith.addf %add3A_291, %mul3A_292 : vector<16xf32>
      %mul3A_294 = arith.mulf %mul3A_156, %gather3A_262 : vector<16xf32>
      %mul3A_295 = arith.mulf %mul3A_157, %gather3A_270 : vector<16xf32>
      %add3A_296 = arith.addf %mul3A_294, %mul3A_295 : vector<16xf32>
      %mul3A_297 = arith.mulf %mul3A_158, %gather3A_278 : vector<16xf32>
      %add3A_298 = arith.addf %add3A_296, %mul3A_297 : vector<16xf32>
      %mul3A_299 = arith.mulf %mul3A_159, %gather3A_286 : vector<16xf32>
      %add3A_300 = arith.addf %add3A_298, %mul3A_299 : vector<16xf32>
      %gather3A_301 = tpu.vector_load_idx %arg7[%add3A_152, %broadcast_in_dim3A_9] : memref<128x5xi32, #tpu.memory_space<vmem>>[vector<16xi32>, vector<16xi32>], vector<16xi32>,
      %mul3A_302 = arith.constant 2 : i32
      %mul3A_303 = vector.broadcast %mul3A_302 : i32 to vector<16xi32>
      %mul3A_304 = arith.muli %gather3A_301, %mul3A_303 : vector<16xi32>
      %gather3A_305 = tpu.vector_load_idx %arg13[%mul3A_304] : memref<288xf32, #tpu.memory_space<vmem>>[vector<16xi32>], vector<16xf32>,
      %add3A_306 = arith.constant 1 : i32
      %add3A_307 = vector.broadcast %add3A_306 : i32 to vector<16xi32>
      %add3A_308 = arith.addi %mul3A_304, %add3A_307 : vector<16xi32>
      %gather3A_309 = tpu.vector_load_idx %arg13[%add3A_308] : memref<288xf32, #tpu.memory_space<vmem>>[vector<16xi32>], vector<16xf32>,
      %add3A_310 = arith.constant 62 : i32
      %add3A_311 = vector.broadcast %add3A_310 : i32 to vector<16xi32>
      %add3A_312 = arith.addi %mul3A_304, %add3A_311 : vector<16xi32>
      %gather3A_313 = tpu.vector_load_idx %arg13[%add3A_312] : memref<288xf32, #tpu.memory_space<vmem>>[vector<16xi32>], vector<16xf32>,
      %add3A_314 = arith.constant 63 : i32
      %add3A_315 = vector.broadcast %add3A_314 : i32 to vector<16xi32>
      %add3A_316 = arith.addi %mul3A_304, %add3A_315 : vector<16xi32>
      %gather3A_317 = tpu.vector_load_idx %arg13[%add3A_316] : memref<288xf32, #tpu.memory_space<vmem>>[vector<16xi32>], vector<16xf32>,
      %add3A_318 = arith.constant 124 : i32
      %add3A_319 = vector.broadcast %add3A_318 : i32 to vector<16xi32>
      %add3A_320 = arith.addi %mul3A_304, %add3A_319 : vector<16xi32>
      %gather3A_321 = tpu.vector_load_idx %arg13[%add3A_320] : memref<288xf32, #tpu.memory_space<vmem>>[vector<16xi32>], vector<16xf32>,
      %add3A_322 = arith.constant 125 : i32
      %add3A_323 = vector.broadcast %add3A_322 : i32 to vector<16xi32>
      %add3A_324 = arith.addi %mul3A_304, %add3A_323 : vector<16xi32>
      %gather3A_325 = tpu.vector_load_idx %arg13[%add3A_324] : memref<288xf32, #tpu.memory_space<vmem>>[vector<16xi32>], vector<16xf32>,
      %add3A_326 = arith.constant 186 : i32
      %add3A_327 = vector.broadcast %add3A_326 : i32 to vector<16xi32>
      %add3A_328 = arith.addi %mul3A_304, %add3A_327 : vector<16xi32>
      %gather3A_329 = tpu.vector_load_idx %arg13[%add3A_328] : memref<288xf32, #tpu.memory_space<vmem>>[vector<16xi32>], vector<16xf32>,
      %add3A_330 = arith.constant 187 : i32
      %add3A_331 = vector.broadcast %add3A_330 : i32 to vector<16xi32>
      %add3A_332 = arith.addi %mul3A_304, %add3A_331 : vector<16xi32>
      %gather3A_333 = tpu.vector_load_idx %arg13[%add3A_332] : memref<288xf32, #tpu.memory_space<vmem>>[vector<16xi32>], vector<16xf32>,
      %mul3A_334 = arith.mulf %mul3A_156, %gather3A_305 : vector<16xf32>
      %mul3A_335 = arith.mulf %mul3A_157, %gather3A_313 : vector<16xf32>
      %add3A_336 = arith.addf %mul3A_334, %mul3A_335 : vector<16xf32>
      %mul3A_337 = arith.mulf %mul3A_158, %gather3A_321 : vector<16xf32>
      %add3A_338 = arith.addf %add3A_336, %mul3A_337 : vector<16xf32>
      %mul3A_339 = arith.mulf %mul3A_159, %gather3A_329 : vector<16xf32>
      %add3A_340 = arith.addf %add3A_338, %mul3A_339 : vector<16xf32>
      %mul3A_341 = arith.mulf %mul3A_156, %gather3A_309 : vector<16xf32>
      %mul3A_342 = arith.mulf %mul3A_157, %gather3A_317 : vector<16xf32>
      %add3A_343 = arith.addf %mul3A_341, %mul3A_342 : vector<16xf32>
      %mul3A_344 = arith.mulf %mul3A_158, %gather3A_325 : vector<16xf32>
      %add3A_345 = arith.addf %add3A_343, %mul3A_344 : vector<16xf32>
      %mul3A_346 = arith.mulf %mul3A_159, %gather3A_333 : vector<16xf32>
      %add3A_347 = arith.addf %add3A_345, %mul3A_346 : vector<16xf32>
      %gather3A_348 = tpu.vector_load_idx %arg7[%add3A_152, %broadcast_in_dim3A_11] : memref<128x5xi32, #tpu.memory_space<vmem>>[vector<16xi32>, vector<16xi32>], vector<16xi32>,
      %mul3A_349 = arith.constant 2 : i32
      %mul3A_350 = vector.broadcast %mul3A_349 : i32 to vector<16xi32>
      %mul3A_351 = arith.muli %gather3A_348, %mul3A_350 : vector<16xi32>
      %gather3A_352 = tpu.vector_load_idx %arg13[%mul3A_351] : memref<288xf32, #tpu.memory_space<vmem>>[vector<16xi32>], vector<16xf32>,
      %add3A_353 = arith.constant 1 : i32
      %add3A_354 = vector.broadcast %add3A_353 : i32 to vector<16xi32>
      %add3A_355 = arith.addi %mul3A_351, %add3A_354 : vector<16xi32>
      %gather3A_356 = tpu.vector_load_idx %arg13[%add3A_355] : memref<288xf32, #tpu.memory_space<vmem>>[vector<16xi32>], vector<16xf32>,
      %add3A_357 = arith.constant 62 : i32
      %add3A_358 = vector.broadcast %add3A_357 : i32 to vector<16xi32>
      %add3A_359 = arith.addi %mul3A_351, %add3A_358 : vector<16xi32>
      %gather3A_360 = tpu.vector_load_idx %arg13[%add3A_359] : memref<288xf32, #tpu.memory_space<vmem>>[vector<16xi32>], vector<16xf32>,
      %add3A_361 = arith.constant 63 : i32
      %add3A_362 = vector.broadcast %add3A_361 : i32 to vector<16xi32>
      %add3A_363 = arith.addi %mul3A_351, %add3A_362 : vector<16xi32>
      %gather3A_364 = tpu.vector_load_idx %arg13[%add3A_363] : memref<288xf32, #tpu.memory_space<vmem>>[vector<16xi32>], vector<16xf32>,
      %add3A_365 = arith.constant 124 : i32
      %add3A_366 = vector.broadcast %add3A_365 : i32 to vector<16xi32>
      %add3A_367 = arith.addi %mul3A_351, %add3A_366 : vector<16xi32>
      %gather3A_368 = tpu.vector_load_idx %arg13[%add3A_367] : memref<288xf32, #tpu.memory_space<vmem>>[vector<16xi32>], vector<16xf32>,
      %add3A_369 = arith.constant 125 : i32
      %add3A_370 = vector.broadcast %add3A_369 : i32 to vector<16xi32>
      %add3A_371 = arith.addi %mul3A_351, %add3A_370 : vector<16xi32>
      %gather3A_372 = tpu.vector_load_idx %arg13[%add3A_371] : memref<288xf32, #tpu.memory_space<vmem>>[vector<16xi32>], vector<16xf32>,
      %add3A_373 = arith.constant 186 : i32
      %add3A_374 = vector.broadcast %add3A_373 : i32 to vector<16xi32>
      %add3A_375 = arith.addi %mul3A_351, %add3A_374 : vector<16xi32>
      %gather3A_376 = tpu.vector_load_idx %arg13[%add3A_375] : memref<288xf32, #tpu.memory_space<vmem>>[vector<16xi32>], vector<16xf32>,
      %add3A_377 = arith.constant 187 : i32
      %add3A_378 = vector.broadcast %add3A_377 : i32 to vector<16xi32>
      %add3A_379 = arith.addi %mul3A_351, %add3A_378 : vector<16xi32>
      %gather3A_380 = tpu.vector_load_idx %arg13[%add3A_379] : memref<288xf32, #tpu.memory_space<vmem>>[vector<16xi32>], vector<16xf32>,
      %mul3A_381 = arith.mulf %mul3A_156, %gather3A_352 : vector<16xf32>
      %mul3A_382 = arith.mulf %mul3A_157, %gather3A_360 : vector<16xf32>
      %add3A_383 = arith.addf %mul3A_381, %mul3A_382 : vector<16xf32>
      %mul3A_384 = arith.mulf %mul3A_158, %gather3A_368 : vector<16xf32>
      %add3A_385 = arith.addf %add3A_383, %mul3A_384 : vector<16xf32>
      %mul3A_386 = arith.mulf %mul3A_159, %gather3A_376 : vector<16xf32>
      %add3A_387 = arith.addf %add3A_385, %mul3A_386 : vector<16xf32>
      %mul3A_388 = arith.mulf %mul3A_156, %gather3A_356 : vector<16xf32>
      %mul3A_389 = arith.mulf %mul3A_157, %gather3A_364 : vector<16xf32>
      %add3A_390 = arith.addf %mul3A_388, %mul3A_389 : vector<16xf32>
      %mul3A_391 = arith.mulf %mul3A_158, %gather3A_372 : vector<16xf32>
      %add3A_392 = arith.addf %add3A_390, %mul3A_391 : vector<16xf32>
      %mul3A_393 = arith.mulf %mul3A_159, %gather3A_380 : vector<16xf32>
      %add3A_394 = arith.addf %add3A_392, %mul3A_393 : vector<16xf32>
      %sub3A = arith.subf %add3A_199, %add3A_246 : vector<16xf32>
      %sub3A_395 = arith.subf %add3A_206, %add3A_253 : vector<16xf32>
      %mul3A_396 = arith.mulf %get3A_12, %sub3A : vector<16xf32>
      %mul3A_397 = arith.mulf %mul3A_396, %sub3A : vector<16xf32>
      %mul3A_398 = arith.mulf %get3A_14, %sub3A_395 : vector<16xf32>
      %mul3A_399 = arith.mulf %mul3A_398, %sub3A_395 : vector<16xf32>
      %add3A_400 = arith.addf %mul3A_397, %mul3A_399 : vector<16xf32>
      %bitcast_convert_type3A = tpu.bitcast %add3A_400 : vector<16xf32> -> vector<16xi32>
      %shift_right_arithmetic3A = arith.constant 1 : i32
      %shift_right_arithmetic3A_401 = vector.broadcast %shift_right_arithmetic3A : i32 to vector<16xi32>
      %shift_right_arithmetic3A_402 = arith.shrsi %bitcast_convert_type3A, %shift_right_arithmetic3A_401 : vector<16xi32>
      %add3A_403 = arith.constant 532487669 : i32
      %add3A_404 = vector.broadcast %add3A_403 : i32 to vector<16xi32>
      %add3A_405 = arith.addi %add3A_404, %shift_right_arithmetic3A_402 : vector<16xi32>
      %bitcast_convert_type3A_406 = tpu.bitcast %add3A_405 : vector<16xi32> -> vector<16xf32>
      %div3A = arith.divf %add3A_400, %bitcast_convert_type3A_406 : vector<16xf32>
      %add3A_407 = arith.addf %bitcast_convert_type3A_406, %div3A : vector<16xf32>
      %mul3A_408 = arith.constant 5.000000e-01 : f32
      %mul3A_409 = vector.broadcast %mul3A_408 : f32 to vector<16xf32>
      %mul3A_410 = arith.mulf %mul3A_409, %add3A_407 : vector<16xf32>
      %div3A_411 = arith.divf %add3A_400, %mul3A_410 : vector<16xf32>
      %add3A_412 = arith.addf %mul3A_410, %div3A_411 : vector<16xf32>
      %mul3A_413 = arith.constant 5.000000e-01 : f32
      %mul3A_414 = vector.broadcast %mul3A_413 : f32 to vector<16xf32>
      %mul3A_415 = arith.mulf %mul3A_414, %add3A_412 : vector<16xf32>
      %mul3A_416 = arith.constant -1.000000e+01 : f32
      %mul3A_417 = vector.broadcast %mul3A_416 : f32 to vector<16xf32>
      %mul3A_418 = arith.mulf %mul3A_417, %mul3A_415 : vector<16xf32>
      %exp3A = math.exp %mul3A_418 : vector<16xf32>
      %sub3A_419 = arith.subf %add3A_199, %add3A_293 : vector<16xf32>
      %sub3A_420 = arith.subf %add3A_206, %add3A_300 : vector<16xf32>
      %mul3A_421 = arith.mulf %get3A_12, %sub3A_419 : vector<16xf32>
      %mul3A_422 = arith.mulf %mul3A_421, %sub3A_419 : vector<16xf32>
      %mul3A_423 = arith.mulf %get3A_14, %sub3A_420 : vector<16xf32>
      %mul3A_424 = arith.mulf %mul3A_423, %sub3A_420 : vector<16xf32>
      %add3A_425 = arith.addf %mul3A_422, %mul3A_424 : vector<16xf32>
      %bitcast_convert_type3A_426 = tpu.bitcast %add3A_425 : vector<16xf32> -> vector<16xi32>
      %shift_right_arithmetic3A_427 = arith.constant 1 : i32
      %shift_right_arithmetic3A_428 = vector.broadcast %shift_right_arithmetic3A_427 : i32 to vector<16xi32>
      %shift_right_arithmetic3A_429 = arith.shrsi %bitcast_convert_type3A_426, %shift_right_arithmetic3A_428 : vector<16xi32>
      %add3A_430 = arith.constant 532487669 : i32
      %add3A_431 = vector.broadcast %add3A_430 : i32 to vector<16xi32>
      %add3A_432 = arith.addi %add3A_431, %shift_right_arithmetic3A_429 : vector<16xi32>
      %bitcast_convert_type3A_433 = tpu.bitcast %add3A_432 : vector<16xi32> -> vector<16xf32>
      %div3A_434 = arith.divf %add3A_425, %bitcast_convert_type3A_433 : vector<16xf32>
      %add3A_435 = arith.addf %bitcast_convert_type3A_433, %div3A_434 : vector<16xf32>
      %mul3A_436 = arith.constant 5.000000e-01 : f32
      %mul3A_437 = vector.broadcast %mul3A_436 : f32 to vector<16xf32>
      %mul3A_438 = arith.mulf %mul3A_437, %add3A_435 : vector<16xf32>
      %div3A_439 = arith.divf %add3A_425, %mul3A_438 : vector<16xf32>
      %add3A_440 = arith.addf %mul3A_438, %div3A_439 : vector<16xf32>
      %mul3A_441 = arith.constant 5.000000e-01 : f32
      %mul3A_442 = vector.broadcast %mul3A_441 : f32 to vector<16xf32>
      %mul3A_443 = arith.mulf %mul3A_442, %add3A_440 : vector<16xf32>
      %mul3A_444 = arith.constant -1.000000e+01 : f32
      %mul3A_445 = vector.broadcast %mul3A_444 : f32 to vector<16xf32>
      %mul3A_446 = arith.mulf %mul3A_445, %mul3A_443 : vector<16xf32>
      %exp3A_447 = math.exp %mul3A_446 : vector<16xf32>
      %sub3A_448 = arith.subf %add3A_199, %add3A_340 : vector<16xf32>
      %sub3A_449 = arith.subf %add3A_206, %add3A_347 : vector<16xf32>
      %mul3A_450 = arith.mulf %get3A_12, %sub3A_448 : vector<16xf32>
      %mul3A_451 = arith.mulf %mul3A_450, %sub3A_448 : vector<16xf32>
      %mul3A_452 = arith.mulf %get3A_14, %sub3A_449 : vector<16xf32>
      %mul3A_453 = arith.mulf %mul3A_452, %sub3A_449 : vector<16xf32>
      %add3A_454 = arith.addf %mul3A_451, %mul3A_453 : vector<16xf32>
      %bitcast_convert_type3A_455 = tpu.bitcast %add3A_454 : vector<16xf32> -> vector<16xi32>
      %shift_right_arithmetic3A_456 = arith.constant 1 : i32
      %shift_right_arithmetic3A_457 = vector.broadcast %shift_right_arithmetic3A_456 : i32 to vector<16xi32>
      %shift_right_arithmetic3A_458 = arith.shrsi %bitcast_convert_type3A_455, %shift_right_arithmetic3A_457 : vector<16xi32>
      %add3A_459 = arith.constant 532487669 : i32
      %add3A_460 = vector.broadcast %add3A_459 : i32 to vector<16xi32>
      %add3A_461 = arith.addi %add3A_460, %shift_right_arithmetic3A_458 : vector<16xi32>
      %bitcast_convert_type3A_462 = tpu.bitcast %add3A_461 : vector<16xi32> -> vector<16xf32>
      %div3A_463 = arith.divf %add3A_454, %bitcast_convert_type3A_462 : vector<16xf32>
      %add3A_464 = arith.addf %bitcast_convert_type3A_462, %div3A_463 : vector<16xf32>
      %mul3A_465 = arith.constant 5.000000e-01 : f32
      %mul3A_466 = vector.broadcast %mul3A_465 : f32 to vector<16xf32>
      %mul3A_467 = arith.mulf %mul3A_466, %add3A_464 : vector<16xf32>
      %div3A_468 = arith.divf %add3A_454, %mul3A_467 : vector<16xf32>
      %add3A_469 = arith.addf %mul3A_467, %div3A_468 : vector<16xf32>
      %mul3A_470 = arith.constant 5.000000e-01 : f32
      %mul3A_471 = vector.broadcast %mul3A_470 : f32 to vector<16xf32>
      %mul3A_472 = arith.mulf %mul3A_471, %add3A_469 : vector<16xf32>
      %mul3A_473 = arith.constant -1.000000e+01 : f32
      %mul3A_474 = vector.broadcast %mul3A_473 : f32 to vector<16xf32>
      %mul3A_475 = arith.mulf %mul3A_474, %mul3A_472 : vector<16xf32>
      %exp3A_476 = math.exp %mul3A_475 : vector<16xf32>
      %sub3A_477 = arith.subf %add3A_199, %add3A_387 : vector<16xf32>
      %sub3A_478 = arith.subf %add3A_206, %add3A_394 : vector<16xf32>
      %mul3A_479 = arith.mulf %get3A_12, %sub3A_477 : vector<16xf32>
      %mul3A_480 = arith.mulf %mul3A_479, %sub3A_477 : vector<16xf32>
      %mul3A_481 = arith.mulf %get3A_14, %sub3A_478 : vector<16xf32>
      %mul3A_482 = arith.mulf %mul3A_481, %sub3A_478 : vector<16xf32>
      %add3A_483 = arith.addf %mul3A_480, %mul3A_482 : vector<16xf32>
      %bitcast_convert_type3A_484 = tpu.bitcast %add3A_483 : vector<16xf32> -> vector<16xi32>
      %shift_right_arithmetic3A_485 = arith.constant 1 : i32
      %shift_right_arithmetic3A_486 = vector.broadcast %shift_right_arithmetic3A_485 : i32 to vector<16xi32>
      %shift_right_arithmetic3A_487 = arith.shrsi %bitcast_convert_type3A_484, %shift_right_arithmetic3A_486 : vector<16xi32>
      %add3A_488 = arith.constant 532487669 : i32
      %add3A_489 = vector.broadcast %add3A_488 : i32 to vector<16xi32>
      %add3A_490 = arith.addi %add3A_489, %shift_right_arithmetic3A_487 : vector<16xi32>
      %bitcast_convert_type3A_491 = tpu.bitcast %add3A_490 : vector<16xi32> -> vector<16xf32>
      %div3A_492 = arith.divf %add3A_483, %bitcast_convert_type3A_491 : vector<16xf32>
      %add3A_493 = arith.addf %bitcast_convert_type3A_491, %div3A_492 : vector<16xf32>
      %mul3A_494 = arith.constant 5.000000e-01 : f32
      %mul3A_495 = vector.broadcast %mul3A_494 : f32 to vector<16xf32>
      %mul3A_496 = arith.mulf %mul3A_495, %add3A_493 : vector<16xf32>
      %div3A_497 = arith.divf %add3A_483, %mul3A_496 : vector<16xf32>
      %add3A_498 = arith.addf %mul3A_496, %div3A_497 : vector<16xf32>
      %mul3A_499 = arith.constant 5.000000e-01 : f32
      %mul3A_500 = vector.broadcast %mul3A_499 : f32 to vector<16xf32>
      %mul3A_501 = arith.mulf %mul3A_500, %add3A_498 : vector<16xf32>
      %mul3A_502 = arith.constant -1.000000e+01 : f32
      %mul3A_503 = vector.broadcast %mul3A_502 : f32 to vector<16xf32>
      %mul3A_504 = arith.mulf %mul3A_503, %mul3A_501 : vector<16xf32>
      %exp3A_505 = math.exp %mul3A_504 : vector<16xf32>
      %add3A_506 = arith.addf %exp3A, %exp3A_447 : vector<16xf32>
      %add3A_507 = arith.addf %add3A_506, %exp3A_476 : vector<16xf32>
      %add3A_508 = arith.addf %add3A_507, %exp3A_505 : vector<16xf32>
      %div3A_509 = arith.constant 1.000000e+00 : f32
      %div3A_510 = vector.broadcast %div3A_509 : f32 to vector<16xf32>
      %div3A_511 = arith.divf %div3A_510, %add3A_508 : vector<16xf32>
      %mul3A_512 = arith.mulf %exp3A, %div3A_511 : vector<16xf32>
      tpu.vector_store_idx %arg14[%add3A_152, %broadcast_in_dim3A_3], %mul3A_512 : memref<128x4xf32, #tpu.memory_space<vmem>>[vector<16xi32>, vector<16xi32>], vector<16xf32>,
      %mul3A_513 = arith.mulf %exp3A_447, %div3A_511 : vector<16xf32>
      tpu.vector_store_idx %arg14[%add3A_152, %broadcast_in_dim3A_5], %mul3A_513 : memref<128x4xf32, #tpu.memory_space<vmem>>[vector<16xi32>, vector<16xi32>], vector<16xf32>,
      %mul3A_514 = arith.mulf %exp3A_476, %div3A_511 : vector<16xf32>
      tpu.vector_store_idx %arg14[%add3A_152, %broadcast_in_dim3A_7], %mul3A_514 : memref<128x4xf32, #tpu.memory_space<vmem>>[vector<16xi32>, vector<16xi32>], vector<16xf32>,
      %mul3A_515 = arith.mulf %exp3A_505, %div3A_511 : vector<16xf32>
      tpu.vector_store_idx %arg14[%add3A_152, %broadcast_in_dim3A_9], %mul3A_515 : memref<128x4xf32, #tpu.memory_space<vmem>>[vector<16xi32>, vector<16xi32>], vector<16xf32>,
    }
    %scan3A_57 = arith.constant 8 : i32
    %add3A_58 = arith.constant 0 : i32
    %add3A_59 = arith.addi %mul3A_2, %add3A_58 : i32
    "tpu.region"() ({
      %run_scoped3A = tpu.sem_alloc : memref<!tpu.dma_semaphore, #tpu.memory_space<semaphore_mem>>
      %dma_start3A_148 = arith.constant 0 : i32
      %dma_start3A_149 = tpu.memref_slice %arg6[%add3A_59, %dma_start3A_148] : memref<16384x4xf32, #tpu.memory_space<hbm>> -> memref<128x4xf32, #tpu.memory_space<hbm>>
      %dma_start3A_150 = arith.constant 0 : i32
      %dma_start3A_151 = tpu.memref_slice %arg6[%add3A_59, %dma_start3A_150] : memref<16384x4xf32, #tpu.memory_space<hbm>> -> memref<128x4xf32, #tpu.memory_space<hbm>>
      tpu.enqueue_dma source(%arg14 : memref<128x4xf32, #tpu.memory_space<vmem>>) target(%dma_start3A_151 : memref<128x4xf32, #tpu.memory_space<hbm>>) target_semaphore(%run_scoped3A : memref<!tpu.dma_semaphore, #tpu.memory_space<semaphore_mem>>)
      %dma_wait3A_152 = arith.constant 0 : i32
      %dma_wait3A_153 = tpu.memref_slice %arg6[%add3A_59, %dma_wait3A_152] : memref<16384x4xf32, #tpu.memory_space<hbm>> -> memref<128x4xf32, #tpu.memory_space<hbm>>
      %dma_wait3A_154 = arith.constant 0 : i32
      %dma_wait3A_155 = tpu.memref_slice %arg6[%add3A_59, %dma_wait3A_154] : memref<16384x4xf32, #tpu.memory_space<hbm>> -> memref<128x4xf32, #tpu.memory_space<hbm>>
      tpu.wait_dma2 semaphore(%run_scoped3A : memref<!tpu.dma_semaphore, #tpu.memory_space<semaphore_mem>>) src(%arg14 : memref<128x4xf32, #tpu.memory_space<vmem>>) dst(%dma_wait3A_155 : memref<128x4xf32, #tpu.memory_space<hbm>>)
      tpu.yield
    }) : () -> ()
    %add3A_60 = arith.constant 256 : i32
    %add3A_61 = arith.addi %mul3A_2, %add3A_60 : i32
    %dma_start3A_62 = arith.constant 0 : i32
    %dma_start3A_63 = tpu.memref_slice %arg2[%add3A_61, %dma_start3A_62] : memref<16384x5xi32, #tpu.memory_space<hbm>> -> memref<128x5xi32, #tpu.memory_space<hbm>>
    %dma_start3A_64 = arith.constant 0 : i32
    %dma_start3A_65 = tpu.memref_slice %arg2[%add3A_61, %dma_start3A_64] : memref<16384x5xi32, #tpu.memory_space<hbm>> -> memref<128x5xi32, #tpu.memory_space<hbm>>
    tpu.enqueue_dma source(%dma_start3A_65 : memref<128x5xi32, #tpu.memory_space<hbm>>) target(%arg7 : memref<128x5xi32, #tpu.memory_space<vmem>>) target_semaphore(%arg15 : memref<!tpu.dma_semaphore, #tpu.memory_space<semaphore_mem>>)
    %dma_start3A_66 = arith.constant 0 : i32
    %dma_start3A_67 = tpu.memref_slice %arg3[%add3A_61, %dma_start3A_66] : memref<16384x2xf32, #tpu.memory_space<hbm>> -> memref<128x2xf32, #tpu.memory_space<hbm>>
    %dma_start3A_68 = arith.constant 0 : i32
    %dma_start3A_69 = tpu.memref_slice %arg3[%add3A_61, %dma_start3A_68] : memref<16384x2xf32, #tpu.memory_space<hbm>> -> memref<128x2xf32, #tpu.memory_space<hbm>>
    tpu.enqueue_dma source(%dma_start3A_69 : memref<128x2xf32, #tpu.memory_space<hbm>>) target(%arg9 : memref<128x2xf32, #tpu.memory_space<vmem>>) target_semaphore(%arg15 : memref<!tpu.dma_semaphore, #tpu.memory_space<semaphore_mem>>)
    %dma_start3A_70 = arith.constant 0 : i32
    %dma_start3A_71 = tpu.memref_slice %arg4[%add3A_61, %dma_start3A_70] : memref<16384x2xf32, #tpu.memory_space<hbm>> -> memref<128x2xf32, #tpu.memory_space<hbm>>
    %dma_start3A_72 = arith.constant 0 : i32
    %dma_start3A_73 = tpu.memref_slice %arg4[%add3A_61, %dma_start3A_72] : memref<16384x2xf32, #tpu.memory_space<hbm>> -> memref<128x2xf32, #tpu.memory_space<hbm>>
    tpu.enqueue_dma source(%dma_start3A_73 : memref<128x2xf32, #tpu.memory_space<hbm>>) target(%arg11 : memref<128x2xf32, #tpu.memory_space<vmem>>) target_semaphore(%arg15 : memref<!tpu.dma_semaphore, #tpu.memory_space<semaphore_mem>>)
    %dma_wait3A_74 = arith.constant 0 : i32
    %dma_wait3A_75 = tpu.memref_slice %arg2[%add3A_29, %dma_wait3A_74] : memref<16384x5xi32, #tpu.memory_space<hbm>> -> memref<128x5xi32, #tpu.memory_space<hbm>>
    %dma_wait3A_76 = arith.constant 0 : i32
    %dma_wait3A_77 = tpu.memref_slice %arg2[%add3A_29, %dma_wait3A_76] : memref<16384x5xi32, #tpu.memory_space<hbm>> -> memref<128x5xi32, #tpu.memory_space<hbm>>
    tpu.wait_dma2 semaphore(%arg16 : memref<!tpu.dma_semaphore, #tpu.memory_space<semaphore_mem>>) src(%dma_wait3A_77 : memref<128x5xi32, #tpu.memory_space<hbm>>) dst(%arg8 : memref<128x5xi32, #tpu.memory_space<vmem>>)
    %dma_wait3A_78 = arith.constant 0 : i32
    %dma_wait3A_79 = tpu.memref_slice %arg3[%add3A_29, %dma_wait3A_78] : memref<16384x2xf32, #tpu.memory_space<hbm>> -> memref<128x2xf32, #tpu.memory_space<hbm>>
    %dma_wait3A_80 = arith.constant 0 : i32
    %dma_wait3A_81 = tpu.memref_slice %arg3[%add3A_29, %dma_wait3A_80] : memref<16384x2xf32, #tpu.memory_space<hbm>> -> memref<128x2xf32, #tpu.memory_space<hbm>>
    tpu.wait_dma2 semaphore(%arg16 : memref<!tpu.dma_semaphore, #tpu.memory_space<semaphore_mem>>) src(%dma_wait3A_81 : memref<128x2xf32, #tpu.memory_space<hbm>>) dst(%arg10 : memref<128x2xf32, #tpu.memory_space<vmem>>)
    %dma_wait3A_82 = arith.constant 0 : i32
    %dma_wait3A_83 = tpu.memref_slice %arg4[%add3A_29, %dma_wait3A_82] : memref<16384x2xf32, #tpu.memory_space<hbm>> -> memref<128x2xf32, #tpu.memory_space<hbm>>
    %dma_wait3A_84 = arith.constant 0 : i32
    %dma_wait3A_85 = tpu.memref_slice %arg4[%add3A_29, %dma_wait3A_84] : memref<16384x2xf32, #tpu.memory_space<hbm>> -> memref<128x2xf32, #tpu.memory_space<hbm>>
    tpu.wait_dma2 semaphore(%arg16 : memref<!tpu.dma_semaphore, #tpu.memory_space<semaphore_mem>>) src(%dma_wait3A_85 : memref<128x2xf32, #tpu.memory_space<hbm>>) dst(%arg12 : memref<128x2xf32, #tpu.memory_space<vmem>>)
    %scan3A_86 = arith.constant 0 : i32
    %scan3A_87 = arith.constant 0 : i32
    %scan3A_88 = arith.constant 8 : i32
    %scan3A_89 = arith.addi %scan3A_87, %scan3A_88 : i32
    %scan3A_90 = arith.constant 1 : i32
    scf.for %scan3A_148 = %scan3A_87 to %scan3A_89 step %scan3A_90  : i32 {
      %mul3A_149 = arith.constant 16 : i32
      %mul3A_150 = arith.muli %scan3A_148, %mul3A_149 : i32
      %add3A_151 = vector.broadcast %mul3A_150 : i32 to vector<16xi32>
      %add3A_152 = arith.addi %add3A_151, %iota3A : vector<16xi32>
      %gather3A = tpu.vector_load_idx %arg10[%add3A_152, %broadcast_in_dim3A_3] : memref<128x2xf32, #tpu.memory_space<vmem>>[vector<16xi32>, vector<16xi32>], vector<16xf32>,
      %gather3A_153 = tpu.vector_load_idx %arg10[%add3A_152, %broadcast_in_dim3A_5] : memref<128x2xf32, #tpu.memory_space<vmem>>[vector<16xi32>, vector<16xi32>], vector<16xf32>,
      %gather3A_154 = tpu.vector_load_idx %arg12[%add3A_152, %broadcast_in_dim3A_3] : memref<128x2xf32, #tpu.memory_space<vmem>>[vector<16xi32>, vector<16xi32>], vector<16xf32>,
      %gather3A_155 = tpu.vector_load_idx %arg12[%add3A_152, %broadcast_in_dim3A_5] : memref<128x2xf32, #tpu.memory_space<vmem>>[vector<16xi32>, vector<16xi32>], vector<16xf32>,
      %mul3A_156 = arith.mulf %gather3A_154, %gather3A : vector<16xf32>
      %mul3A_157 = arith.mulf %gather3A_154, %gather3A_153 : vector<16xf32>
      %mul3A_158 = arith.mulf %gather3A_155, %gather3A : vector<16xf32>
      %mul3A_159 = arith.mulf %gather3A_155, %gather3A_153 : vector<16xf32>
      %gather3A_160 = tpu.vector_load_idx %arg8[%add3A_152, %broadcast_in_dim3A_3] : memref<128x5xi32, #tpu.memory_space<vmem>>[vector<16xi32>, vector<16xi32>], vector<16xi32>,
      %mul3A_161 = arith.constant 2 : i32
      %mul3A_162 = vector.broadcast %mul3A_161 : i32 to vector<16xi32>
      %mul3A_163 = arith.muli %gather3A_160, %mul3A_162 : vector<16xi32>
      %gather3A_164 = tpu.vector_load_idx %arg13[%mul3A_163] : memref<288xf32, #tpu.memory_space<vmem>>[vector<16xi32>], vector<16xf32>,
      %add3A_165 = arith.constant 1 : i32
      %add3A_166 = vector.broadcast %add3A_165 : i32 to vector<16xi32>
      %add3A_167 = arith.addi %mul3A_163, %add3A_166 : vector<16xi32>
      %gather3A_168 = tpu.vector_load_idx %arg13[%add3A_167] : memref<288xf32, #tpu.memory_space<vmem>>[vector<16xi32>], vector<16xf32>,
      %add3A_169 = arith.constant 62 : i32
      %add3A_170 = vector.broadcast %add3A_169 : i32 to vector<16xi32>
      %add3A_171 = arith.addi %mul3A_163, %add3A_170 : vector<16xi32>
      %gather3A_172 = tpu.vector_load_idx %arg13[%add3A_171] : memref<288xf32, #tpu.memory_space<vmem>>[vector<16xi32>], vector<16xf32>,
      %add3A_173 = arith.constant 63 : i32
      %add3A_174 = vector.broadcast %add3A_173 : i32 to vector<16xi32>
      %add3A_175 = arith.addi %mul3A_163, %add3A_174 : vector<16xi32>
      %gather3A_176 = tpu.vector_load_idx %arg13[%add3A_175] : memref<288xf32, #tpu.memory_space<vmem>>[vector<16xi32>], vector<16xf32>,
      %add3A_177 = arith.constant 124 : i32
      %add3A_178 = vector.broadcast %add3A_177 : i32 to vector<16xi32>
      %add3A_179 = arith.addi %mul3A_163, %add3A_178 : vector<16xi32>
      %gather3A_180 = tpu.vector_load_idx %arg13[%add3A_179] : memref<288xf32, #tpu.memory_space<vmem>>[vector<16xi32>], vector<16xf32>,
      %add3A_181 = arith.constant 125 : i32
      %add3A_182 = vector.broadcast %add3A_181 : i32 to vector<16xi32>
      %add3A_183 = arith.addi %mul3A_163, %add3A_182 : vector<16xi32>
      %gather3A_184 = tpu.vector_load_idx %arg13[%add3A_183] : memref<288xf32, #tpu.memory_space<vmem>>[vector<16xi32>], vector<16xf32>,
      %add3A_185 = arith.constant 186 : i32
      %add3A_186 = vector.broadcast %add3A_185 : i32 to vector<16xi32>
      %add3A_187 = arith.addi %mul3A_163, %add3A_186 : vector<16xi32>
      %gather3A_188 = tpu.vector_load_idx %arg13[%add3A_187] : memref<288xf32, #tpu.memory_space<vmem>>[vector<16xi32>], vector<16xf32>,
      %add3A_189 = arith.constant 187 : i32
      %add3A_190 = vector.broadcast %add3A_189 : i32 to vector<16xi32>
      %add3A_191 = arith.addi %mul3A_163, %add3A_190 : vector<16xi32>
      %gather3A_192 = tpu.vector_load_idx %arg13[%add3A_191] : memref<288xf32, #tpu.memory_space<vmem>>[vector<16xi32>], vector<16xf32>,
      %mul3A_193 = arith.mulf %mul3A_156, %gather3A_164 : vector<16xf32>
      %mul3A_194 = arith.mulf %mul3A_157, %gather3A_172 : vector<16xf32>
      %add3A_195 = arith.addf %mul3A_193, %mul3A_194 : vector<16xf32>
      %mul3A_196 = arith.mulf %mul3A_158, %gather3A_180 : vector<16xf32>
      %add3A_197 = arith.addf %add3A_195, %mul3A_196 : vector<16xf32>
      %mul3A_198 = arith.mulf %mul3A_159, %gather3A_188 : vector<16xf32>
      %add3A_199 = arith.addf %add3A_197, %mul3A_198 : vector<16xf32>
      %mul3A_200 = arith.mulf %mul3A_156, %gather3A_168 : vector<16xf32>
      %mul3A_201 = arith.mulf %mul3A_157, %gather3A_176 : vector<16xf32>
      %add3A_202 = arith.addf %mul3A_200, %mul3A_201 : vector<16xf32>
      %mul3A_203 = arith.mulf %mul3A_158, %gather3A_184 : vector<16xf32>
      %add3A_204 = arith.addf %add3A_202, %mul3A_203 : vector<16xf32>
      %mul3A_205 = arith.mulf %mul3A_159, %gather3A_192 : vector<16xf32>
      %add3A_206 = arith.addf %add3A_204, %mul3A_205 : vector<16xf32>
      %gather3A_207 = tpu.vector_load_idx %arg8[%add3A_152, %broadcast_in_dim3A_5] : memref<128x5xi32, #tpu.memory_space<vmem>>[vector<16xi32>, vector<16xi32>], vector<16xi32>,
      %mul3A_208 = arith.constant 2 : i32
      %mul3A_209 = vector.broadcast %mul3A_208 : i32 to vector<16xi32>
      %mul3A_210 = arith.muli %gather3A_207, %mul3A_209 : vector<16xi32>
      %gather3A_211 = tpu.vector_load_idx %arg13[%mul3A_210] : memref<288xf32, #tpu.memory_space<vmem>>[vector<16xi32>], vector<16xf32>,
      %add3A_212 = arith.constant 1 : i32
      %add3A_213 = vector.broadcast %add3A_212 : i32 to vector<16xi32>
      %add3A_214 = arith.addi %mul3A_210, %add3A_213 : vector<16xi32>
      %gather3A_215 = tpu.vector_load_idx %arg13[%add3A_214] : memref<288xf32, #tpu.memory_space<vmem>>[vector<16xi32>], vector<16xf32>,
      %add3A_216 = arith.constant 62 : i32
      %add3A_217 = vector.broadcast %add3A_216 : i32 to vector<16xi32>
      %add3A_218 = arith.addi %mul3A_210, %add3A_217 : vector<16xi32>
      %gather3A_219 = tpu.vector_load_idx %arg13[%add3A_218] : memref<288xf32, #tpu.memory_space<vmem>>[vector<16xi32>], vector<16xf32>,
      %add3A_220 = arith.constant 63 : i32
      %add3A_221 = vector.broadcast %add3A_220 : i32 to vector<16xi32>
      %add3A_222 = arith.addi %mul3A_210, %add3A_221 : vector<16xi32>
      %gather3A_223 = tpu.vector_load_idx %arg13[%add3A_222] : memref<288xf32, #tpu.memory_space<vmem>>[vector<16xi32>], vector<16xf32>,
      %add3A_224 = arith.constant 124 : i32
      %add3A_225 = vector.broadcast %add3A_224 : i32 to vector<16xi32>
      %add3A_226 = arith.addi %mul3A_210, %add3A_225 : vector<16xi32>
      %gather3A_227 = tpu.vector_load_idx %arg13[%add3A_226] : memref<288xf32, #tpu.memory_space<vmem>>[vector<16xi32>], vector<16xf32>,
      %add3A_228 = arith.constant 125 : i32
      %add3A_229 = vector.broadcast %add3A_228 : i32 to vector<16xi32>
      %add3A_230 = arith.addi %mul3A_210, %add3A_229 : vector<16xi32>
      %gather3A_231 = tpu.vector_load_idx %arg13[%add3A_230] : memref<288xf32, #tpu.memory_space<vmem>>[vector<16xi32>], vector<16xf32>,
      %add3A_232 = arith.constant 186 : i32
      %add3A_233 = vector.broadcast %add3A_232 : i32 to vector<16xi32>
      %add3A_234 = arith.addi %mul3A_210, %add3A_233 : vector<16xi32>
      %gather3A_235 = tpu.vector_load_idx %arg13[%add3A_234] : memref<288xf32, #tpu.memory_space<vmem>>[vector<16xi32>], vector<16xf32>,
      %add3A_236 = arith.constant 187 : i32
      %add3A_237 = vector.broadcast %add3A_236 : i32 to vector<16xi32>
      %add3A_238 = arith.addi %mul3A_210, %add3A_237 : vector<16xi32>
      %gather3A_239 = tpu.vector_load_idx %arg13[%add3A_238] : memref<288xf32, #tpu.memory_space<vmem>>[vector<16xi32>], vector<16xf32>,
      %mul3A_240 = arith.mulf %mul3A_156, %gather3A_211 : vector<16xf32>
      %mul3A_241 = arith.mulf %mul3A_157, %gather3A_219 : vector<16xf32>
      %add3A_242 = arith.addf %mul3A_240, %mul3A_241 : vector<16xf32>
      %mul3A_243 = arith.mulf %mul3A_158, %gather3A_227 : vector<16xf32>
      %add3A_244 = arith.addf %add3A_242, %mul3A_243 : vector<16xf32>
      %mul3A_245 = arith.mulf %mul3A_159, %gather3A_235 : vector<16xf32>
      %add3A_246 = arith.addf %add3A_244, %mul3A_245 : vector<16xf32>
      %mul3A_247 = arith.mulf %mul3A_156, %gather3A_215 : vector<16xf32>
      %mul3A_248 = arith.mulf %mul3A_157, %gather3A_223 : vector<16xf32>
      %add3A_249 = arith.addf %mul3A_247, %mul3A_248 : vector<16xf32>
      %mul3A_250 = arith.mulf %mul3A_158, %gather3A_231 : vector<16xf32>
      %add3A_251 = arith.addf %add3A_249, %mul3A_250 : vector<16xf32>
      %mul3A_252 = arith.mulf %mul3A_159, %gather3A_239 : vector<16xf32>
      %add3A_253 = arith.addf %add3A_251, %mul3A_252 : vector<16xf32>
      %gather3A_254 = tpu.vector_load_idx %arg8[%add3A_152, %broadcast_in_dim3A_7] : memref<128x5xi32, #tpu.memory_space<vmem>>[vector<16xi32>, vector<16xi32>], vector<16xi32>,
      %mul3A_255 = arith.constant 2 : i32
      %mul3A_256 = vector.broadcast %mul3A_255 : i32 to vector<16xi32>
      %mul3A_257 = arith.muli %gather3A_254, %mul3A_256 : vector<16xi32>
      %gather3A_258 = tpu.vector_load_idx %arg13[%mul3A_257] : memref<288xf32, #tpu.memory_space<vmem>>[vector<16xi32>], vector<16xf32>,
      %add3A_259 = arith.constant 1 : i32
      %add3A_260 = vector.broadcast %add3A_259 : i32 to vector<16xi32>
      %add3A_261 = arith.addi %mul3A_257, %add3A_260 : vector<16xi32>
      %gather3A_262 = tpu.vector_load_idx %arg13[%add3A_261] : memref<288xf32, #tpu.memory_space<vmem>>[vector<16xi32>], vector<16xf32>,
      %add3A_263 = arith.constant 62 : i32
      %add3A_264 = vector.broadcast %add3A_263 : i32 to vector<16xi32>
      %add3A_265 = arith.addi %mul3A_257, %add3A_264 : vector<16xi32>
      %gather3A_266 = tpu.vector_load_idx %arg13[%add3A_265] : memref<288xf32, #tpu.memory_space<vmem>>[vector<16xi32>], vector<16xf32>,
      %add3A_267 = arith.constant 63 : i32
      %add3A_268 = vector.broadcast %add3A_267 : i32 to vector<16xi32>
      %add3A_269 = arith.addi %mul3A_257, %add3A_268 : vector<16xi32>
      %gather3A_270 = tpu.vector_load_idx %arg13[%add3A_269] : memref<288xf32, #tpu.memory_space<vmem>>[vector<16xi32>], vector<16xf32>,
      %add3A_271 = arith.constant 124 : i32
      %add3A_272 = vector.broadcast %add3A_271 : i32 to vector<16xi32>
      %add3A_273 = arith.addi %mul3A_257, %add3A_272 : vector<16xi32>
      %gather3A_274 = tpu.vector_load_idx %arg13[%add3A_273] : memref<288xf32, #tpu.memory_space<vmem>>[vector<16xi32>], vector<16xf32>,
      %add3A_275 = arith.constant 125 : i32
      %add3A_276 = vector.broadcast %add3A_275 : i32 to vector<16xi32>
      %add3A_277 = arith.addi %mul3A_257, %add3A_276 : vector<16xi32>
      %gather3A_278 = tpu.vector_load_idx %arg13[%add3A_277] : memref<288xf32, #tpu.memory_space<vmem>>[vector<16xi32>], vector<16xf32>,
      %add3A_279 = arith.constant 186 : i32
      %add3A_280 = vector.broadcast %add3A_279 : i32 to vector<16xi32>
      %add3A_281 = arith.addi %mul3A_257, %add3A_280 : vector<16xi32>
      %gather3A_282 = tpu.vector_load_idx %arg13[%add3A_281] : memref<288xf32, #tpu.memory_space<vmem>>[vector<16xi32>], vector<16xf32>,
      %add3A_283 = arith.constant 187 : i32
      %add3A_284 = vector.broadcast %add3A_283 : i32 to vector<16xi32>
      %add3A_285 = arith.addi %mul3A_257, %add3A_284 : vector<16xi32>
      %gather3A_286 = tpu.vector_load_idx %arg13[%add3A_285] : memref<288xf32, #tpu.memory_space<vmem>>[vector<16xi32>], vector<16xf32>,
      %mul3A_287 = arith.mulf %mul3A_156, %gather3A_258 : vector<16xf32>
      %mul3A_288 = arith.mulf %mul3A_157, %gather3A_266 : vector<16xf32>
      %add3A_289 = arith.addf %mul3A_287, %mul3A_288 : vector<16xf32>
      %mul3A_290 = arith.mulf %mul3A_158, %gather3A_274 : vector<16xf32>
      %add3A_291 = arith.addf %add3A_289, %mul3A_290 : vector<16xf32>
      %mul3A_292 = arith.mulf %mul3A_159, %gather3A_282 : vector<16xf32>
      %add3A_293 = arith.addf %add3A_291, %mul3A_292 : vector<16xf32>
      %mul3A_294 = arith.mulf %mul3A_156, %gather3A_262 : vector<16xf32>
      %mul3A_295 = arith.mulf %mul3A_157, %gather3A_270 : vector<16xf32>
      %add3A_296 = arith.addf %mul3A_294, %mul3A_295 : vector<16xf32>
      %mul3A_297 = arith.mulf %mul3A_158, %gather3A_278 : vector<16xf32>
      %add3A_298 = arith.addf %add3A_296, %mul3A_297 : vector<16xf32>
      %mul3A_299 = arith.mulf %mul3A_159, %gather3A_286 : vector<16xf32>
      %add3A_300 = arith.addf %add3A_298, %mul3A_299 : vector<16xf32>
      %gather3A_301 = tpu.vector_load_idx %arg8[%add3A_152, %broadcast_in_dim3A_9] : memref<128x5xi32, #tpu.memory_space<vmem>>[vector<16xi32>, vector<16xi32>], vector<16xi32>,
      %mul3A_302 = arith.constant 2 : i32
      %mul3A_303 = vector.broadcast %mul3A_302 : i32 to vector<16xi32>
      %mul3A_304 = arith.muli %gather3A_301, %mul3A_303 : vector<16xi32>
      %gather3A_305 = tpu.vector_load_idx %arg13[%mul3A_304] : memref<288xf32, #tpu.memory_space<vmem>>[vector<16xi32>], vector<16xf32>,
      %add3A_306 = arith.constant 1 : i32
      %add3A_307 = vector.broadcast %add3A_306 : i32 to vector<16xi32>
      %add3A_308 = arith.addi %mul3A_304, %add3A_307 : vector<16xi32>
      %gather3A_309 = tpu.vector_load_idx %arg13[%add3A_308] : memref<288xf32, #tpu.memory_space<vmem>>[vector<16xi32>], vector<16xf32>,
      %add3A_310 = arith.constant 62 : i32
      %add3A_311 = vector.broadcast %add3A_310 : i32 to vector<16xi32>
      %add3A_312 = arith.addi %mul3A_304, %add3A_311 : vector<16xi32>
      %gather3A_313 = tpu.vector_load_idx %arg13[%add3A_312] : memref<288xf32, #tpu.memory_space<vmem>>[vector<16xi32>], vector<16xf32>,
      %add3A_314 = arith.constant 63 : i32
      %add3A_315 = vector.broadcast %add3A_314 : i32 to vector<16xi32>
      %add3A_316 = arith.addi %mul3A_304, %add3A_315 : vector<16xi32>
      %gather3A_317 = tpu.vector_load_idx %arg13[%add3A_316] : memref<288xf32, #tpu.memory_space<vmem>>[vector<16xi32>], vector<16xf32>,
      %add3A_318 = arith.constant 124 : i32
      %add3A_319 = vector.broadcast %add3A_318 : i32 to vector<16xi32>
      %add3A_320 = arith.addi %mul3A_304, %add3A_319 : vector<16xi32>
      %gather3A_321 = tpu.vector_load_idx %arg13[%add3A_320] : memref<288xf32, #tpu.memory_space<vmem>>[vector<16xi32>], vector<16xf32>,
      %add3A_322 = arith.constant 125 : i32
      %add3A_323 = vector.broadcast %add3A_322 : i32 to vector<16xi32>
      %add3A_324 = arith.addi %mul3A_304, %add3A_323 : vector<16xi32>
      %gather3A_325 = tpu.vector_load_idx %arg13[%add3A_324] : memref<288xf32, #tpu.memory_space<vmem>>[vector<16xi32>], vector<16xf32>,
      %add3A_326 = arith.constant 186 : i32
      %add3A_327 = vector.broadcast %add3A_326 : i32 to vector<16xi32>
      %add3A_328 = arith.addi %mul3A_304, %add3A_327 : vector<16xi32>
      %gather3A_329 = tpu.vector_load_idx %arg13[%add3A_328] : memref<288xf32, #tpu.memory_space<vmem>>[vector<16xi32>], vector<16xf32>,
      %add3A_330 = arith.constant 187 : i32
      %add3A_331 = vector.broadcast %add3A_330 : i32 to vector<16xi32>
      %add3A_332 = arith.addi %mul3A_304, %add3A_331 : vector<16xi32>
      %gather3A_333 = tpu.vector_load_idx %arg13[%add3A_332] : memref<288xf32, #tpu.memory_space<vmem>>[vector<16xi32>], vector<16xf32>,
      %mul3A_334 = arith.mulf %mul3A_156, %gather3A_305 : vector<16xf32>
      %mul3A_335 = arith.mulf %mul3A_157, %gather3A_313 : vector<16xf32>
      %add3A_336 = arith.addf %mul3A_334, %mul3A_335 : vector<16xf32>
      %mul3A_337 = arith.mulf %mul3A_158, %gather3A_321 : vector<16xf32>
      %add3A_338 = arith.addf %add3A_336, %mul3A_337 : vector<16xf32>
      %mul3A_339 = arith.mulf %mul3A_159, %gather3A_329 : vector<16xf32>
      %add3A_340 = arith.addf %add3A_338, %mul3A_339 : vector<16xf32>
      %mul3A_341 = arith.mulf %mul3A_156, %gather3A_309 : vector<16xf32>
      %mul3A_342 = arith.mulf %mul3A_157, %gather3A_317 : vector<16xf32>
      %add3A_343 = arith.addf %mul3A_341, %mul3A_342 : vector<16xf32>
      %mul3A_344 = arith.mulf %mul3A_158, %gather3A_325 : vector<16xf32>
      %add3A_345 = arith.addf %add3A_343, %mul3A_344 : vector<16xf32>
      %mul3A_346 = arith.mulf %mul3A_159, %gather3A_333 : vector<16xf32>
      %add3A_347 = arith.addf %add3A_345, %mul3A_346 : vector<16xf32>
      %gather3A_348 = tpu.vector_load_idx %arg8[%add3A_152, %broadcast_in_dim3A_11] : memref<128x5xi32, #tpu.memory_space<vmem>>[vector<16xi32>, vector<16xi32>], vector<16xi32>,
      %mul3A_349 = arith.constant 2 : i32
      %mul3A_350 = vector.broadcast %mul3A_349 : i32 to vector<16xi32>
      %mul3A_351 = arith.muli %gather3A_348, %mul3A_350 : vector<16xi32>
      %gather3A_352 = tpu.vector_load_idx %arg13[%mul3A_351] : memref<288xf32, #tpu.memory_space<vmem>>[vector<16xi32>], vector<16xf32>,
      %add3A_353 = arith.constant 1 : i32
      %add3A_354 = vector.broadcast %add3A_353 : i32 to vector<16xi32>
      %add3A_355 = arith.addi %mul3A_351, %add3A_354 : vector<16xi32>
      %gather3A_356 = tpu.vector_load_idx %arg13[%add3A_355] : memref<288xf32, #tpu.memory_space<vmem>>[vector<16xi32>], vector<16xf32>,
      %add3A_357 = arith.constant 62 : i32
      %add3A_358 = vector.broadcast %add3A_357 : i32 to vector<16xi32>
      %add3A_359 = arith.addi %mul3A_351, %add3A_358 : vector<16xi32>
      %gather3A_360 = tpu.vector_load_idx %arg13[%add3A_359] : memref<288xf32, #tpu.memory_space<vmem>>[vector<16xi32>], vector<16xf32>,
      %add3A_361 = arith.constant 63 : i32
      %add3A_362 = vector.broadcast %add3A_361 : i32 to vector<16xi32>
      %add3A_363 = arith.addi %mul3A_351, %add3A_362 : vector<16xi32>
      %gather3A_364 = tpu.vector_load_idx %arg13[%add3A_363] : memref<288xf32, #tpu.memory_space<vmem>>[vector<16xi32>], vector<16xf32>,
      %add3A_365 = arith.constant 124 : i32
      %add3A_366 = vector.broadcast %add3A_365 : i32 to vector<16xi32>
      %add3A_367 = arith.addi %mul3A_351, %add3A_366 : vector<16xi32>
      %gather3A_368 = tpu.vector_load_idx %arg13[%add3A_367] : memref<288xf32, #tpu.memory_space<vmem>>[vector<16xi32>], vector<16xf32>,
      %add3A_369 = arith.constant 125 : i32
      %add3A_370 = vector.broadcast %add3A_369 : i32 to vector<16xi32>
      %add3A_371 = arith.addi %mul3A_351, %add3A_370 : vector<16xi32>
      %gather3A_372 = tpu.vector_load_idx %arg13[%add3A_371] : memref<288xf32, #tpu.memory_space<vmem>>[vector<16xi32>], vector<16xf32>,
      %add3A_373 = arith.constant 186 : i32
      %add3A_374 = vector.broadcast %add3A_373 : i32 to vector<16xi32>
      %add3A_375 = arith.addi %mul3A_351, %add3A_374 : vector<16xi32>
      %gather3A_376 = tpu.vector_load_idx %arg13[%add3A_375] : memref<288xf32, #tpu.memory_space<vmem>>[vector<16xi32>], vector<16xf32>,
      %add3A_377 = arith.constant 187 : i32
      %add3A_378 = vector.broadcast %add3A_377 : i32 to vector<16xi32>
      %add3A_379 = arith.addi %mul3A_351, %add3A_378 : vector<16xi32>
      %gather3A_380 = tpu.vector_load_idx %arg13[%add3A_379] : memref<288xf32, #tpu.memory_space<vmem>>[vector<16xi32>], vector<16xf32>,
      %mul3A_381 = arith.mulf %mul3A_156, %gather3A_352 : vector<16xf32>
      %mul3A_382 = arith.mulf %mul3A_157, %gather3A_360 : vector<16xf32>
      %add3A_383 = arith.addf %mul3A_381, %mul3A_382 : vector<16xf32>
      %mul3A_384 = arith.mulf %mul3A_158, %gather3A_368 : vector<16xf32>
      %add3A_385 = arith.addf %add3A_383, %mul3A_384 : vector<16xf32>
      %mul3A_386 = arith.mulf %mul3A_159, %gather3A_376 : vector<16xf32>
      %add3A_387 = arith.addf %add3A_385, %mul3A_386 : vector<16xf32>
      %mul3A_388 = arith.mulf %mul3A_156, %gather3A_356 : vector<16xf32>
      %mul3A_389 = arith.mulf %mul3A_157, %gather3A_364 : vector<16xf32>
      %add3A_390 = arith.addf %mul3A_388, %mul3A_389 : vector<16xf32>
      %mul3A_391 = arith.mulf %mul3A_158, %gather3A_372 : vector<16xf32>
      %add3A_392 = arith.addf %add3A_390, %mul3A_391 : vector<16xf32>
      %mul3A_393 = arith.mulf %mul3A_159, %gather3A_380 : vector<16xf32>
      %add3A_394 = arith.addf %add3A_392, %mul3A_393 : vector<16xf32>
      %sub3A = arith.subf %add3A_199, %add3A_246 : vector<16xf32>
      %sub3A_395 = arith.subf %add3A_206, %add3A_253 : vector<16xf32>
      %mul3A_396 = arith.mulf %get3A_12, %sub3A : vector<16xf32>
      %mul3A_397 = arith.mulf %mul3A_396, %sub3A : vector<16xf32>
      %mul3A_398 = arith.mulf %get3A_14, %sub3A_395 : vector<16xf32>
      %mul3A_399 = arith.mulf %mul3A_398, %sub3A_395 : vector<16xf32>
      %add3A_400 = arith.addf %mul3A_397, %mul3A_399 : vector<16xf32>
      %bitcast_convert_type3A = tpu.bitcast %add3A_400 : vector<16xf32> -> vector<16xi32>
      %shift_right_arithmetic3A = arith.constant 1 : i32
      %shift_right_arithmetic3A_401 = vector.broadcast %shift_right_arithmetic3A : i32 to vector<16xi32>
      %shift_right_arithmetic3A_402 = arith.shrsi %bitcast_convert_type3A, %shift_right_arithmetic3A_401 : vector<16xi32>
      %add3A_403 = arith.constant 532487669 : i32
      %add3A_404 = vector.broadcast %add3A_403 : i32 to vector<16xi32>
      %add3A_405 = arith.addi %add3A_404, %shift_right_arithmetic3A_402 : vector<16xi32>
      %bitcast_convert_type3A_406 = tpu.bitcast %add3A_405 : vector<16xi32> -> vector<16xf32>
      %div3A = arith.divf %add3A_400, %bitcast_convert_type3A_406 : vector<16xf32>
      %add3A_407 = arith.addf %bitcast_convert_type3A_406, %div3A : vector<16xf32>
      %mul3A_408 = arith.constant 5.000000e-01 : f32
      %mul3A_409 = vector.broadcast %mul3A_408 : f32 to vector<16xf32>
      %mul3A_410 = arith.mulf %mul3A_409, %add3A_407 : vector<16xf32>
      %div3A_411 = arith.divf %add3A_400, %mul3A_410 : vector<16xf32>
      %add3A_412 = arith.addf %mul3A_410, %div3A_411 : vector<16xf32>
      %mul3A_413 = arith.constant 5.000000e-01 : f32
      %mul3A_414 = vector.broadcast %mul3A_413 : f32 to vector<16xf32>
      %mul3A_415 = arith.mulf %mul3A_414, %add3A_412 : vector<16xf32>
      %mul3A_416 = arith.constant -1.000000e+01 : f32
      %mul3A_417 = vector.broadcast %mul3A_416 : f32 to vector<16xf32>
      %mul3A_418 = arith.mulf %mul3A_417, %mul3A_415 : vector<16xf32>
      %exp3A = math.exp %mul3A_418 : vector<16xf32>
      %sub3A_419 = arith.subf %add3A_199, %add3A_293 : vector<16xf32>
      %sub3A_420 = arith.subf %add3A_206, %add3A_300 : vector<16xf32>
      %mul3A_421 = arith.mulf %get3A_12, %sub3A_419 : vector<16xf32>
      %mul3A_422 = arith.mulf %mul3A_421, %sub3A_419 : vector<16xf32>
      %mul3A_423 = arith.mulf %get3A_14, %sub3A_420 : vector<16xf32>
      %mul3A_424 = arith.mulf %mul3A_423, %sub3A_420 : vector<16xf32>
      %add3A_425 = arith.addf %mul3A_422, %mul3A_424 : vector<16xf32>
      %bitcast_convert_type3A_426 = tpu.bitcast %add3A_425 : vector<16xf32> -> vector<16xi32>
      %shift_right_arithmetic3A_427 = arith.constant 1 : i32
      %shift_right_arithmetic3A_428 = vector.broadcast %shift_right_arithmetic3A_427 : i32 to vector<16xi32>
      %shift_right_arithmetic3A_429 = arith.shrsi %bitcast_convert_type3A_426, %shift_right_arithmetic3A_428 : vector<16xi32>
      %add3A_430 = arith.constant 532487669 : i32
      %add3A_431 = vector.broadcast %add3A_430 : i32 to vector<16xi32>
      %add3A_432 = arith.addi %add3A_431, %shift_right_arithmetic3A_429 : vector<16xi32>
      %bitcast_convert_type3A_433 = tpu.bitcast %add3A_432 : vector<16xi32> -> vector<16xf32>
      %div3A_434 = arith.divf %add3A_425, %bitcast_convert_type3A_433 : vector<16xf32>
      %add3A_435 = arith.addf %bitcast_convert_type3A_433, %div3A_434 : vector<16xf32>
      %mul3A_436 = arith.constant 5.000000e-01 : f32
      %mul3A_437 = vector.broadcast %mul3A_436 : f32 to vector<16xf32>
      %mul3A_438 = arith.mulf %mul3A_437, %add3A_435 : vector<16xf32>
      %div3A_439 = arith.divf %add3A_425, %mul3A_438 : vector<16xf32>
      %add3A_440 = arith.addf %mul3A_438, %div3A_439 : vector<16xf32>
      %mul3A_441 = arith.constant 5.000000e-01 : f32
      %mul3A_442 = vector.broadcast %mul3A_441 : f32 to vector<16xf32>
      %mul3A_443 = arith.mulf %mul3A_442, %add3A_440 : vector<16xf32>
      %mul3A_444 = arith.constant -1.000000e+01 : f32
      %mul3A_445 = vector.broadcast %mul3A_444 : f32 to vector<16xf32>
      %mul3A_446 = arith.mulf %mul3A_445, %mul3A_443 : vector<16xf32>
      %exp3A_447 = math.exp %mul3A_446 : vector<16xf32>
      %sub3A_448 = arith.subf %add3A_199, %add3A_340 : vector<16xf32>
      %sub3A_449 = arith.subf %add3A_206, %add3A_347 : vector<16xf32>
      %mul3A_450 = arith.mulf %get3A_12, %sub3A_448 : vector<16xf32>
      %mul3A_451 = arith.mulf %mul3A_450, %sub3A_448 : vector<16xf32>
      %mul3A_452 = arith.mulf %get3A_14, %sub3A_449 : vector<16xf32>
      %mul3A_453 = arith.mulf %mul3A_452, %sub3A_449 : vector<16xf32>
      %add3A_454 = arith.addf %mul3A_451, %mul3A_453 : vector<16xf32>
      %bitcast_convert_type3A_455 = tpu.bitcast %add3A_454 : vector<16xf32> -> vector<16xi32>
      %shift_right_arithmetic3A_456 = arith.constant 1 : i32
      %shift_right_arithmetic3A_457 = vector.broadcast %shift_right_arithmetic3A_456 : i32 to vector<16xi32>
      %shift_right_arithmetic3A_458 = arith.shrsi %bitcast_convert_type3A_455, %shift_right_arithmetic3A_457 : vector<16xi32>
      %add3A_459 = arith.constant 532487669 : i32
      %add3A_460 = vector.broadcast %add3A_459 : i32 to vector<16xi32>
      %add3A_461 = arith.addi %add3A_460, %shift_right_arithmetic3A_458 : vector<16xi32>
      %bitcast_convert_type3A_462 = tpu.bitcast %add3A_461 : vector<16xi32> -> vector<16xf32>
      %div3A_463 = arith.divf %add3A_454, %bitcast_convert_type3A_462 : vector<16xf32>
      %add3A_464 = arith.addf %bitcast_convert_type3A_462, %div3A_463 : vector<16xf32>
      %mul3A_465 = arith.constant 5.000000e-01 : f32
      %mul3A_466 = vector.broadcast %mul3A_465 : f32 to vector<16xf32>
      %mul3A_467 = arith.mulf %mul3A_466, %add3A_464 : vector<16xf32>
      %div3A_468 = arith.divf %add3A_454, %mul3A_467 : vector<16xf32>
      %add3A_469 = arith.addf %mul3A_467, %div3A_468 : vector<16xf32>
      %mul3A_470 = arith.constant 5.000000e-01 : f32
      %mul3A_471 = vector.broadcast %mul3A_470 : f32 to vector<16xf32>
      %mul3A_472 = arith.mulf %mul3A_471, %add3A_469 : vector<16xf32>
      %mul3A_473 = arith.constant -1.000000e+01 : f32
      %mul3A_474 = vector.broadcast %mul3A_473 : f32 to vector<16xf32>
      %mul3A_475 = arith.mulf %mul3A_474, %mul3A_472 : vector<16xf32>
      %exp3A_476 = math.exp %mul3A_475 : vector<16xf32>
      %sub3A_477 = arith.subf %add3A_199, %add3A_387 : vector<16xf32>
      %sub3A_478 = arith.subf %add3A_206, %add3A_394 : vector<16xf32>
      %mul3A_479 = arith.mulf %get3A_12, %sub3A_477 : vector<16xf32>
      %mul3A_480 = arith.mulf %mul3A_479, %sub3A_477 : vector<16xf32>
      %mul3A_481 = arith.mulf %get3A_14, %sub3A_478 : vector<16xf32>
      %mul3A_482 = arith.mulf %mul3A_481, %sub3A_478 : vector<16xf32>
      %add3A_483 = arith.addf %mul3A_480, %mul3A_482 : vector<16xf32>
      %bitcast_convert_type3A_484 = tpu.bitcast %add3A_483 : vector<16xf32> -> vector<16xi32>
      %shift_right_arithmetic3A_485 = arith.constant 1 : i32
      %shift_right_arithmetic3A_486 = vector.broadcast %shift_right_arithmetic3A_485 : i32 to vector<16xi32>
      %shift_right_arithmetic3A_487 = arith.shrsi %bitcast_convert_type3A_484, %shift_right_arithmetic3A_486 : vector<16xi32>
      %add3A_488 = arith.constant 532487669 : i32
      %add3A_489 = vector.broadcast %add3A_488 : i32 to vector<16xi32>
      %add3A_490 = arith.addi %add3A_489, %shift_right_arithmetic3A_487 : vector<16xi32>
      %bitcast_convert_type3A_491 = tpu.bitcast %add3A_490 : vector<16xi32> -> vector<16xf32>
      %div3A_492 = arith.divf %add3A_483, %bitcast_convert_type3A_491 : vector<16xf32>
      %add3A_493 = arith.addf %bitcast_convert_type3A_491, %div3A_492 : vector<16xf32>
      %mul3A_494 = arith.constant 5.000000e-01 : f32
      %mul3A_495 = vector.broadcast %mul3A_494 : f32 to vector<16xf32>
      %mul3A_496 = arith.mulf %mul3A_495, %add3A_493 : vector<16xf32>
      %div3A_497 = arith.divf %add3A_483, %mul3A_496 : vector<16xf32>
      %add3A_498 = arith.addf %mul3A_496, %div3A_497 : vector<16xf32>
      %mul3A_499 = arith.constant 5.000000e-01 : f32
      %mul3A_500 = vector.broadcast %mul3A_499 : f32 to vector<16xf32>
      %mul3A_501 = arith.mulf %mul3A_500, %add3A_498 : vector<16xf32>
      %mul3A_502 = arith.constant -1.000000e+01 : f32
      %mul3A_503 = vector.broadcast %mul3A_502 : f32 to vector<16xf32>
      %mul3A_504 = arith.mulf %mul3A_503, %mul3A_501 : vector<16xf32>
      %exp3A_505 = math.exp %mul3A_504 : vector<16xf32>
      %add3A_506 = arith.addf %exp3A, %exp3A_447 : vector<16xf32>
      %add3A_507 = arith.addf %add3A_506, %exp3A_476 : vector<16xf32>
      %add3A_508 = arith.addf %add3A_507, %exp3A_505 : vector<16xf32>
      %div3A_509 = arith.constant 1.000000e+00 : f32
      %div3A_510 = vector.broadcast %div3A_509 : f32 to vector<16xf32>
      %div3A_511 = arith.divf %div3A_510, %add3A_508 : vector<16xf32>
      %mul3A_512 = arith.mulf %exp3A, %div3A_511 : vector<16xf32>
      tpu.vector_store_idx %arg14[%add3A_152, %broadcast_in_dim3A_3], %mul3A_512 : memref<128x4xf32, #tpu.memory_space<vmem>>[vector<16xi32>, vector<16xi32>], vector<16xf32>,
      %mul3A_513 = arith.mulf %exp3A_447, %div3A_511 : vector<16xf32>
      tpu.vector_store_idx %arg14[%add3A_152, %broadcast_in_dim3A_5], %mul3A_513 : memref<128x4xf32, #tpu.memory_space<vmem>>[vector<16xi32>, vector<16xi32>], vector<16xf32>,
      %mul3A_514 = arith.mulf %exp3A_476, %div3A_511 : vector<16xf32>
      tpu.vector_store_idx %arg14[%add3A_152, %broadcast_in_dim3A_7], %mul3A_514 : memref<128x4xf32, #tpu.memory_space<vmem>>[vector<16xi32>, vector<16xi32>], vector<16xf32>,
      %mul3A_515 = arith.mulf %exp3A_505, %div3A_511 : vector<16xf32>
      tpu.vector_store_idx %arg14[%add3A_152, %broadcast_in_dim3A_9], %mul3A_515 : memref<128x4xf32, #tpu.memory_space<vmem>>[vector<16xi32>, vector<16xi32>], vector<16xf32>,
    }
    %scan3A_91 = arith.constant 8 : i32
    %add3A_92 = arith.constant 128 : i32
    %add3A_93 = arith.addi %mul3A_2, %add3A_92 : i32
    "tpu.region"() ({
      %run_scoped3A = tpu.sem_alloc : memref<!tpu.dma_semaphore, #tpu.memory_space<semaphore_mem>>
      %dma_start3A_148 = arith.constant 0 : i32
      %dma_start3A_149 = tpu.memref_slice %arg6[%add3A_93, %dma_start3A_148] : memref<16384x4xf32, #tpu.memory_space<hbm>> -> memref<128x4xf32, #tpu.memory_space<hbm>>
      %dma_start3A_150 = arith.constant 0 : i32
      %dma_start3A_151 = tpu.memref_slice %arg6[%add3A_93, %dma_start3A_150] : memref<16384x4xf32, #tpu.memory_space<hbm>> -> memref<128x4xf32, #tpu.memory_space<hbm>>
      tpu.enqueue_dma source(%arg14 : memref<128x4xf32, #tpu.memory_space<vmem>>) target(%dma_start3A_151 : memref<128x4xf32, #tpu.memory_space<hbm>>) target_semaphore(%run_scoped3A : memref<!tpu.dma_semaphore, #tpu.memory_space<semaphore_mem>>)
      %dma_wait3A_152 = arith.constant 0 : i32
      %dma_wait3A_153 = tpu.memref_slice %arg6[%add3A_93, %dma_wait3A_152] : memref<16384x4xf32, #tpu.memory_space<hbm>> -> memref<128x4xf32, #tpu.memory_space<hbm>>
      %dma_wait3A_154 = arith.constant 0 : i32
      %dma_wait3A_155 = tpu.memref_slice %arg6[%add3A_93, %dma_wait3A_154] : memref<16384x4xf32, #tpu.memory_space<hbm>> -> memref<128x4xf32, #tpu.memory_space<hbm>>
      tpu.wait_dma2 semaphore(%run_scoped3A : memref<!tpu.dma_semaphore, #tpu.memory_space<semaphore_mem>>) src(%arg14 : memref<128x4xf32, #tpu.memory_space<vmem>>) dst(%dma_wait3A_155 : memref<128x4xf32, #tpu.memory_space<hbm>>)
      tpu.yield
    }) : () -> ()
    %add3A_94 = arith.constant 384 : i32
    %add3A_95 = arith.addi %mul3A_2, %add3A_94 : i32
    %dma_start3A_96 = arith.constant 0 : i32
    %dma_start3A_97 = tpu.memref_slice %arg2[%add3A_95, %dma_start3A_96] : memref<16384x5xi32, #tpu.memory_space<hbm>> -> memref<128x5xi32, #tpu.memory_space<hbm>>
    %dma_start3A_98 = arith.constant 0 : i32
    %dma_start3A_99 = tpu.memref_slice %arg2[%add3A_95, %dma_start3A_98] : memref<16384x5xi32, #tpu.memory_space<hbm>> -> memref<128x5xi32, #tpu.memory_space<hbm>>
    tpu.enqueue_dma source(%dma_start3A_99 : memref<128x5xi32, #tpu.memory_space<hbm>>) target(%arg8 : memref<128x5xi32, #tpu.memory_space<vmem>>) target_semaphore(%arg16 : memref<!tpu.dma_semaphore, #tpu.memory_space<semaphore_mem>>)
    %dma_start3A_100 = arith.constant 0 : i32
    %dma_start3A_101 = tpu.memref_slice %arg3[%add3A_95, %dma_start3A_100] : memref<16384x2xf32, #tpu.memory_space<hbm>> -> memref<128x2xf32, #tpu.memory_space<hbm>>
    %dma_start3A_102 = arith.constant 0 : i32
    %dma_start3A_103 = tpu.memref_slice %arg3[%add3A_95, %dma_start3A_102] : memref<16384x2xf32, #tpu.memory_space<hbm>> -> memref<128x2xf32, #tpu.memory_space<hbm>>
    tpu.enqueue_dma source(%dma_start3A_103 : memref<128x2xf32, #tpu.memory_space<hbm>>) target(%arg10 : memref<128x2xf32, #tpu.memory_space<vmem>>) target_semaphore(%arg16 : memref<!tpu.dma_semaphore, #tpu.memory_space<semaphore_mem>>)
    %dma_start3A_104 = arith.constant 0 : i32
    %dma_start3A_105 = tpu.memref_slice %arg4[%add3A_95, %dma_start3A_104] : memref<16384x2xf32, #tpu.memory_space<hbm>> -> memref<128x2xf32, #tpu.memory_space<hbm>>
    %dma_start3A_106 = arith.constant 0 : i32
    %dma_start3A_107 = tpu.memref_slice %arg4[%add3A_95, %dma_start3A_106] : memref<16384x2xf32, #tpu.memory_space<hbm>> -> memref<128x2xf32, #tpu.memory_space<hbm>>
    tpu.enqueue_dma source(%dma_start3A_107 : memref<128x2xf32, #tpu.memory_space<hbm>>) target(%arg12 : memref<128x2xf32, #tpu.memory_space<vmem>>) target_semaphore(%arg16 : memref<!tpu.dma_semaphore, #tpu.memory_space<semaphore_mem>>)
    %dma_wait3A_108 = arith.constant 0 : i32
    %dma_wait3A_109 = tpu.memref_slice %arg2[%add3A_61, %dma_wait3A_108] : memref<16384x5xi32, #tpu.memory_space<hbm>> -> memref<128x5xi32, #tpu.memory_space<hbm>>
    %dma_wait3A_110 = arith.constant 0 : i32
    %dma_wait3A_111 = tpu.memref_slice %arg2[%add3A_61, %dma_wait3A_110] : memref<16384x5xi32, #tpu.memory_space<hbm>> -> memref<128x5xi32, #tpu.memory_space<hbm>>
    tpu.wait_dma2 semaphore(%arg15 : memref<!tpu.dma_semaphore, #tpu.memory_space<semaphore_mem>>) src(%dma_wait3A_111 : memref<128x5xi32, #tpu.memory_space<hbm>>) dst(%arg7 : memref<128x5xi32, #tpu.memory_space<vmem>>)
    %dma_wait3A_112 = arith.constant 0 : i32
    %dma_wait3A_113 = tpu.memref_slice %arg3[%add3A_61, %dma_wait3A_112] : memref<16384x2xf32, #tpu.memory_space<hbm>> -> memref<128x2xf32, #tpu.memory_space<hbm>>
    %dma_wait3A_114 = arith.constant 0 : i32
    %dma_wait3A_115 = tpu.memref_slice %arg3[%add3A_61, %dma_wait3A_114] : memref<16384x2xf32, #tpu.memory_space<hbm>> -> memref<128x2xf32, #tpu.memory_space<hbm>>
    tpu.wait_dma2 semaphore(%arg15 : memref<!tpu.dma_semaphore, #tpu.memory_space<semaphore_mem>>) src(%dma_wait3A_115 : memref<128x2xf32, #tpu.memory_space<hbm>>) dst(%arg9 : memref<128x2xf32, #tpu.memory_space<vmem>>)
    %dma_wait3A_116 = arith.constant 0 : i32
    %dma_wait3A_117 = tpu.memref_slice %arg4[%add3A_61, %dma_wait3A_116] : memref<16384x2xf32, #tpu.memory_space<hbm>> -> memref<128x2xf32, #tpu.memory_space<hbm>>
    %dma_wait3A_118 = arith.constant 0 : i32
    %dma_wait3A_119 = tpu.memref_slice %arg4[%add3A_61, %dma_wait3A_118] : memref<16384x2xf32, #tpu.memory_space<hbm>> -> memref<128x2xf32, #tpu.memory_space<hbm>>
    tpu.wait_dma2 semaphore(%arg15 : memref<!tpu.dma_semaphore, #tpu.memory_space<semaphore_mem>>) src(%dma_wait3A_119 : memref<128x2xf32, #tpu.memory_space<hbm>>) dst(%arg11 : memref<128x2xf32, #tpu.memory_space<vmem>>)
    %scan3A_120 = arith.constant 0 : i32
    %scan3A_121 = arith.constant 0 : i32
    %scan3A_122 = arith.constant 8 : i32
    %scan3A_123 = arith.addi %scan3A_121, %scan3A_122 : i32
    %scan3A_124 = arith.constant 1 : i32
    scf.for %scan3A_148 = %scan3A_121 to %scan3A_123 step %scan3A_124  : i32 {
      %mul3A_149 = arith.constant 16 : i32
      %mul3A_150 = arith.muli %scan3A_148, %mul3A_149 : i32
      %add3A_151 = vector.broadcast %mul3A_150 : i32 to vector<16xi32>
      %add3A_152 = arith.addi %add3A_151, %iota3A : vector<16xi32>
      %gather3A = tpu.vector_load_idx %arg9[%add3A_152, %broadcast_in_dim3A_3] : memref<128x2xf32, #tpu.memory_space<vmem>>[vector<16xi32>, vector<16xi32>], vector<16xf32>,
      %gather3A_153 = tpu.vector_load_idx %arg9[%add3A_152, %broadcast_in_dim3A_5] : memref<128x2xf32, #tpu.memory_space<vmem>>[vector<16xi32>, vector<16xi32>], vector<16xf32>,
      %gather3A_154 = tpu.vector_load_idx %arg11[%add3A_152, %broadcast_in_dim3A_3] : memref<128x2xf32, #tpu.memory_space<vmem>>[vector<16xi32>, vector<16xi32>], vector<16xf32>,
      %gather3A_155 = tpu.vector_load_idx %arg11[%add3A_152, %broadcast_in_dim3A_5] : memref<128x2xf32, #tpu.memory_space<vmem>>[vector<16xi32>, vector<16xi32>], vector<16xf32>,
      %mul3A_156 = arith.mulf %gather3A_154, %gather3A : vector<16xf32>
      %mul3A_157 = arith.mulf %gather3A_154, %gather3A_153 : vector<16xf32>
      %mul3A_158 = arith.mulf %gather3A_155, %gather3A : vector<16xf32>
      %mul3A_159 = arith.mulf %gather3A_155, %gather3A_153 : vector<16xf32>
      %gather3A_160 = tpu.vector_load_idx %arg7[%add3A_152, %broadcast_in_dim3A_3] : memref<128x5xi32, #tpu.memory_space<vmem>>[vector<16xi32>, vector<16xi32>], vector<16xi32>,
      %mul3A_161 = arith.constant 2 : i32
      %mul3A_162 = vector.broadcast %mul3A_161 : i32 to vector<16xi32>
      %mul3A_163 = arith.muli %gather3A_160, %mul3A_162 : vector<16xi32>
      %gather3A_164 = tpu.vector_load_idx %arg13[%mul3A_163] : memref<288xf32, #tpu.memory_space<vmem>>[vector<16xi32>], vector<16xf32>,
      %add3A_165 = arith.constant 1 : i32
      %add3A_166 = vector.broadcast %add3A_165 : i32 to vector<16xi32>
      %add3A_167 = arith.addi %mul3A_163, %add3A_166 : vector<16xi32>
      %gather3A_168 = tpu.vector_load_idx %arg13[%add3A_167] : memref<288xf32, #tpu.memory_space<vmem>>[vector<16xi32>], vector<16xf32>,
      %add3A_169 = arith.constant 62 : i32
      %add3A_170 = vector.broadcast %add3A_169 : i32 to vector<16xi32>
      %add3A_171 = arith.addi %mul3A_163, %add3A_170 : vector<16xi32>
      %gather3A_172 = tpu.vector_load_idx %arg13[%add3A_171] : memref<288xf32, #tpu.memory_space<vmem>>[vector<16xi32>], vector<16xf32>,
      %add3A_173 = arith.constant 63 : i32
      %add3A_174 = vector.broadcast %add3A_173 : i32 to vector<16xi32>
      %add3A_175 = arith.addi %mul3A_163, %add3A_174 : vector<16xi32>
      %gather3A_176 = tpu.vector_load_idx %arg13[%add3A_175] : memref<288xf32, #tpu.memory_space<vmem>>[vector<16xi32>], vector<16xf32>,
      %add3A_177 = arith.constant 124 : i32
      %add3A_178 = vector.broadcast %add3A_177 : i32 to vector<16xi32>
      %add3A_179 = arith.addi %mul3A_163, %add3A_178 : vector<16xi32>
      %gather3A_180 = tpu.vector_load_idx %arg13[%add3A_179] : memref<288xf32, #tpu.memory_space<vmem>>[vector<16xi32>], vector<16xf32>,
      %add3A_181 = arith.constant 125 : i32
      %add3A_182 = vector.broadcast %add3A_181 : i32 to vector<16xi32>
      %add3A_183 = arith.addi %mul3A_163, %add3A_182 : vector<16xi32>
      %gather3A_184 = tpu.vector_load_idx %arg13[%add3A_183] : memref<288xf32, #tpu.memory_space<vmem>>[vector<16xi32>], vector<16xf32>,
      %add3A_185 = arith.constant 186 : i32
      %add3A_186 = vector.broadcast %add3A_185 : i32 to vector<16xi32>
      %add3A_187 = arith.addi %mul3A_163, %add3A_186 : vector<16xi32>
      %gather3A_188 = tpu.vector_load_idx %arg13[%add3A_187] : memref<288xf32, #tpu.memory_space<vmem>>[vector<16xi32>], vector<16xf32>,
      %add3A_189 = arith.constant 187 : i32
      %add3A_190 = vector.broadcast %add3A_189 : i32 to vector<16xi32>
      %add3A_191 = arith.addi %mul3A_163, %add3A_190 : vector<16xi32>
      %gather3A_192 = tpu.vector_load_idx %arg13[%add3A_191] : memref<288xf32, #tpu.memory_space<vmem>>[vector<16xi32>], vector<16xf32>,
      %mul3A_193 = arith.mulf %mul3A_156, %gather3A_164 : vector<16xf32>
      %mul3A_194 = arith.mulf %mul3A_157, %gather3A_172 : vector<16xf32>
      %add3A_195 = arith.addf %mul3A_193, %mul3A_194 : vector<16xf32>
      %mul3A_196 = arith.mulf %mul3A_158, %gather3A_180 : vector<16xf32>
      %add3A_197 = arith.addf %add3A_195, %mul3A_196 : vector<16xf32>
      %mul3A_198 = arith.mulf %mul3A_159, %gather3A_188 : vector<16xf32>
      %add3A_199 = arith.addf %add3A_197, %mul3A_198 : vector<16xf32>
      %mul3A_200 = arith.mulf %mul3A_156, %gather3A_168 : vector<16xf32>
      %mul3A_201 = arith.mulf %mul3A_157, %gather3A_176 : vector<16xf32>
      %add3A_202 = arith.addf %mul3A_200, %mul3A_201 : vector<16xf32>
      %mul3A_203 = arith.mulf %mul3A_158, %gather3A_184 : vector<16xf32>
      %add3A_204 = arith.addf %add3A_202, %mul3A_203 : vector<16xf32>
      %mul3A_205 = arith.mulf %mul3A_159, %gather3A_192 : vector<16xf32>
      %add3A_206 = arith.addf %add3A_204, %mul3A_205 : vector<16xf32>
      %gather3A_207 = tpu.vector_load_idx %arg7[%add3A_152, %broadcast_in_dim3A_5] : memref<128x5xi32, #tpu.memory_space<vmem>>[vector<16xi32>, vector<16xi32>], vector<16xi32>,
      %mul3A_208 = arith.constant 2 : i32
      %mul3A_209 = vector.broadcast %mul3A_208 : i32 to vector<16xi32>
      %mul3A_210 = arith.muli %gather3A_207, %mul3A_209 : vector<16xi32>
      %gather3A_211 = tpu.vector_load_idx %arg13[%mul3A_210] : memref<288xf32, #tpu.memory_space<vmem>>[vector<16xi32>], vector<16xf32>,
      %add3A_212 = arith.constant 1 : i32
      %add3A_213 = vector.broadcast %add3A_212 : i32 to vector<16xi32>
      %add3A_214 = arith.addi %mul3A_210, %add3A_213 : vector<16xi32>
      %gather3A_215 = tpu.vector_load_idx %arg13[%add3A_214] : memref<288xf32, #tpu.memory_space<vmem>>[vector<16xi32>], vector<16xf32>,
      %add3A_216 = arith.constant 62 : i32
      %add3A_217 = vector.broadcast %add3A_216 : i32 to vector<16xi32>
      %add3A_218 = arith.addi %mul3A_210, %add3A_217 : vector<16xi32>
      %gather3A_219 = tpu.vector_load_idx %arg13[%add3A_218] : memref<288xf32, #tpu.memory_space<vmem>>[vector<16xi32>], vector<16xf32>,
      %add3A_220 = arith.constant 63 : i32
      %add3A_221 = vector.broadcast %add3A_220 : i32 to vector<16xi32>
      %add3A_222 = arith.addi %mul3A_210, %add3A_221 : vector<16xi32>
      %gather3A_223 = tpu.vector_load_idx %arg13[%add3A_222] : memref<288xf32, #tpu.memory_space<vmem>>[vector<16xi32>], vector<16xf32>,
      %add3A_224 = arith.constant 124 : i32
      %add3A_225 = vector.broadcast %add3A_224 : i32 to vector<16xi32>
      %add3A_226 = arith.addi %mul3A_210, %add3A_225 : vector<16xi32>
      %gather3A_227 = tpu.vector_load_idx %arg13[%add3A_226] : memref<288xf32, #tpu.memory_space<vmem>>[vector<16xi32>], vector<16xf32>,
      %add3A_228 = arith.constant 125 : i32
      %add3A_229 = vector.broadcast %add3A_228 : i32 to vector<16xi32>
      %add3A_230 = arith.addi %mul3A_210, %add3A_229 : vector<16xi32>
      %gather3A_231 = tpu.vector_load_idx %arg13[%add3A_230] : memref<288xf32, #tpu.memory_space<vmem>>[vector<16xi32>], vector<16xf32>,
      %add3A_232 = arith.constant 186 : i32
      %add3A_233 = vector.broadcast %add3A_232 : i32 to vector<16xi32>
      %add3A_234 = arith.addi %mul3A_210, %add3A_233 : vector<16xi32>
      %gather3A_235 = tpu.vector_load_idx %arg13[%add3A_234] : memref<288xf32, #tpu.memory_space<vmem>>[vector<16xi32>], vector<16xf32>,
      %add3A_236 = arith.constant 187 : i32
      %add3A_237 = vector.broadcast %add3A_236 : i32 to vector<16xi32>
      %add3A_238 = arith.addi %mul3A_210, %add3A_237 : vector<16xi32>
      %gather3A_239 = tpu.vector_load_idx %arg13[%add3A_238] : memref<288xf32, #tpu.memory_space<vmem>>[vector<16xi32>], vector<16xf32>,
      %mul3A_240 = arith.mulf %mul3A_156, %gather3A_211 : vector<16xf32>
      %mul3A_241 = arith.mulf %mul3A_157, %gather3A_219 : vector<16xf32>
      %add3A_242 = arith.addf %mul3A_240, %mul3A_241 : vector<16xf32>
      %mul3A_243 = arith.mulf %mul3A_158, %gather3A_227 : vector<16xf32>
      %add3A_244 = arith.addf %add3A_242, %mul3A_243 : vector<16xf32>
      %mul3A_245 = arith.mulf %mul3A_159, %gather3A_235 : vector<16xf32>
      %add3A_246 = arith.addf %add3A_244, %mul3A_245 : vector<16xf32>
      %mul3A_247 = arith.mulf %mul3A_156, %gather3A_215 : vector<16xf32>
      %mul3A_248 = arith.mulf %mul3A_157, %gather3A_223 : vector<16xf32>
      %add3A_249 = arith.addf %mul3A_247, %mul3A_248 : vector<16xf32>
      %mul3A_250 = arith.mulf %mul3A_158, %gather3A_231 : vector<16xf32>
      %add3A_251 = arith.addf %add3A_249, %mul3A_250 : vector<16xf32>
      %mul3A_252 = arith.mulf %mul3A_159, %gather3A_239 : vector<16xf32>
      %add3A_253 = arith.addf %add3A_251, %mul3A_252 : vector<16xf32>
      %gather3A_254 = tpu.vector_load_idx %arg7[%add3A_152, %broadcast_in_dim3A_7] : memref<128x5xi32, #tpu.memory_space<vmem>>[vector<16xi32>, vector<16xi32>], vector<16xi32>,
      %mul3A_255 = arith.constant 2 : i32
      %mul3A_256 = vector.broadcast %mul3A_255 : i32 to vector<16xi32>
      %mul3A_257 = arith.muli %gather3A_254, %mul3A_256 : vector<16xi32>
      %gather3A_258 = tpu.vector_load_idx %arg13[%mul3A_257] : memref<288xf32, #tpu.memory_space<vmem>>[vector<16xi32>], vector<16xf32>,
      %add3A_259 = arith.constant 1 : i32
      %add3A_260 = vector.broadcast %add3A_259 : i32 to vector<16xi32>
      %add3A_261 = arith.addi %mul3A_257, %add3A_260 : vector<16xi32>
      %gather3A_262 = tpu.vector_load_idx %arg13[%add3A_261] : memref<288xf32, #tpu.memory_space<vmem>>[vector<16xi32>], vector<16xf32>,
      %add3A_263 = arith.constant 62 : i32
      %add3A_264 = vector.broadcast %add3A_263 : i32 to vector<16xi32>
      %add3A_265 = arith.addi %mul3A_257, %add3A_264 : vector<16xi32>
      %gather3A_266 = tpu.vector_load_idx %arg13[%add3A_265] : memref<288xf32, #tpu.memory_space<vmem>>[vector<16xi32>], vector<16xf32>,
      %add3A_267 = arith.constant 63 : i32
      %add3A_268 = vector.broadcast %add3A_267 : i32 to vector<16xi32>
      %add3A_269 = arith.addi %mul3A_257, %add3A_268 : vector<16xi32>
      %gather3A_270 = tpu.vector_load_idx %arg13[%add3A_269] : memref<288xf32, #tpu.memory_space<vmem>>[vector<16xi32>], vector<16xf32>,
      %add3A_271 = arith.constant 124 : i32
      %add3A_272 = vector.broadcast %add3A_271 : i32 to vector<16xi32>
      %add3A_273 = arith.addi %mul3A_257, %add3A_272 : vector<16xi32>
      %gather3A_274 = tpu.vector_load_idx %arg13[%add3A_273] : memref<288xf32, #tpu.memory_space<vmem>>[vector<16xi32>], vector<16xf32>,
      %add3A_275 = arith.constant 125 : i32
      %add3A_276 = vector.broadcast %add3A_275 : i32 to vector<16xi32>
      %add3A_277 = arith.addi %mul3A_257, %add3A_276 : vector<16xi32>
      %gather3A_278 = tpu.vector_load_idx %arg13[%add3A_277] : memref<288xf32, #tpu.memory_space<vmem>>[vector<16xi32>], vector<16xf32>,
      %add3A_279 = arith.constant 186 : i32
      %add3A_280 = vector.broadcast %add3A_279 : i32 to vector<16xi32>
      %add3A_281 = arith.addi %mul3A_257, %add3A_280 : vector<16xi32>
      %gather3A_282 = tpu.vector_load_idx %arg13[%add3A_281] : memref<288xf32, #tpu.memory_space<vmem>>[vector<16xi32>], vector<16xf32>,
      %add3A_283 = arith.constant 187 : i32
      %add3A_284 = vector.broadcast %add3A_283 : i32 to vector<16xi32>
      %add3A_285 = arith.addi %mul3A_257, %add3A_284 : vector<16xi32>
      %gather3A_286 = tpu.vector_load_idx %arg13[%add3A_285] : memref<288xf32, #tpu.memory_space<vmem>>[vector<16xi32>], vector<16xf32>,
      %mul3A_287 = arith.mulf %mul3A_156, %gather3A_258 : vector<16xf32>
      %mul3A_288 = arith.mulf %mul3A_157, %gather3A_266 : vector<16xf32>
      %add3A_289 = arith.addf %mul3A_287, %mul3A_288 : vector<16xf32>
      %mul3A_290 = arith.mulf %mul3A_158, %gather3A_274 : vector<16xf32>
      %add3A_291 = arith.addf %add3A_289, %mul3A_290 : vector<16xf32>
      %mul3A_292 = arith.mulf %mul3A_159, %gather3A_282 : vector<16xf32>
      %add3A_293 = arith.addf %add3A_291, %mul3A_292 : vector<16xf32>
      %mul3A_294 = arith.mulf %mul3A_156, %gather3A_262 : vector<16xf32>
      %mul3A_295 = arith.mulf %mul3A_157, %gather3A_270 : vector<16xf32>
      %add3A_296 = arith.addf %mul3A_294, %mul3A_295 : vector<16xf32>
      %mul3A_297 = arith.mulf %mul3A_158, %gather3A_278 : vector<16xf32>
      %add3A_298 = arith.addf %add3A_296, %mul3A_297 : vector<16xf32>
      %mul3A_299 = arith.mulf %mul3A_159, %gather3A_286 : vector<16xf32>
      %add3A_300 = arith.addf %add3A_298, %mul3A_299 : vector<16xf32>
      %gather3A_301 = tpu.vector_load_idx %arg7[%add3A_152, %broadcast_in_dim3A_9] : memref<128x5xi32, #tpu.memory_space<vmem>>[vector<16xi32>, vector<16xi32>], vector<16xi32>,
      %mul3A_302 = arith.constant 2 : i32
      %mul3A_303 = vector.broadcast %mul3A_302 : i32 to vector<16xi32>
      %mul3A_304 = arith.muli %gather3A_301, %mul3A_303 : vector<16xi32>
      %gather3A_305 = tpu.vector_load_idx %arg13[%mul3A_304] : memref<288xf32, #tpu.memory_space<vmem>>[vector<16xi32>], vector<16xf32>,
      %add3A_306 = arith.constant 1 : i32
      %add3A_307 = vector.broadcast %add3A_306 : i32 to vector<16xi32>
      %add3A_308 = arith.addi %mul3A_304, %add3A_307 : vector<16xi32>
      %gather3A_309 = tpu.vector_load_idx %arg13[%add3A_308] : memref<288xf32, #tpu.memory_space<vmem>>[vector<16xi32>], vector<16xf32>,
      %add3A_310 = arith.constant 62 : i32
      %add3A_311 = vector.broadcast %add3A_310 : i32 to vector<16xi32>
      %add3A_312 = arith.addi %mul3A_304, %add3A_311 : vector<16xi32>
      %gather3A_313 = tpu.vector_load_idx %arg13[%add3A_312] : memref<288xf32, #tpu.memory_space<vmem>>[vector<16xi32>], vector<16xf32>,
      %add3A_314 = arith.constant 63 : i32
      %add3A_315 = vector.broadcast %add3A_314 : i32 to vector<16xi32>
      %add3A_316 = arith.addi %mul3A_304, %add3A_315 : vector<16xi32>
      %gather3A_317 = tpu.vector_load_idx %arg13[%add3A_316] : memref<288xf32, #tpu.memory_space<vmem>>[vector<16xi32>], vector<16xf32>,
      %add3A_318 = arith.constant 124 : i32
      %add3A_319 = vector.broadcast %add3A_318 : i32 to vector<16xi32>
      %add3A_320 = arith.addi %mul3A_304, %add3A_319 : vector<16xi32>
      %gather3A_321 = tpu.vector_load_idx %arg13[%add3A_320] : memref<288xf32, #tpu.memory_space<vmem>>[vector<16xi32>], vector<16xf32>,
      %add3A_322 = arith.constant 125 : i32
      %add3A_323 = vector.broadcast %add3A_322 : i32 to vector<16xi32>
      %add3A_324 = arith.addi %mul3A_304, %add3A_323 : vector<16xi32>
      %gather3A_325 = tpu.vector_load_idx %arg13[%add3A_324] : memref<288xf32, #tpu.memory_space<vmem>>[vector<16xi32>], vector<16xf32>,
      %add3A_326 = arith.constant 186 : i32
      %add3A_327 = vector.broadcast %add3A_326 : i32 to vector<16xi32>
      %add3A_328 = arith.addi %mul3A_304, %add3A_327 : vector<16xi32>
      %gather3A_329 = tpu.vector_load_idx %arg13[%add3A_328] : memref<288xf32, #tpu.memory_space<vmem>>[vector<16xi32>], vector<16xf32>,
      %add3A_330 = arith.constant 187 : i32
      %add3A_331 = vector.broadcast %add3A_330 : i32 to vector<16xi32>
      %add3A_332 = arith.addi %mul3A_304, %add3A_331 : vector<16xi32>
      %gather3A_333 = tpu.vector_load_idx %arg13[%add3A_332] : memref<288xf32, #tpu.memory_space<vmem>>[vector<16xi32>], vector<16xf32>,
      %mul3A_334 = arith.mulf %mul3A_156, %gather3A_305 : vector<16xf32>
      %mul3A_335 = arith.mulf %mul3A_157, %gather3A_313 : vector<16xf32>
      %add3A_336 = arith.addf %mul3A_334, %mul3A_335 : vector<16xf32>
      %mul3A_337 = arith.mulf %mul3A_158, %gather3A_321 : vector<16xf32>
      %add3A_338 = arith.addf %add3A_336, %mul3A_337 : vector<16xf32>
      %mul3A_339 = arith.mulf %mul3A_159, %gather3A_329 : vector<16xf32>
      %add3A_340 = arith.addf %add3A_338, %mul3A_339 : vector<16xf32>
      %mul3A_341 = arith.mulf %mul3A_156, %gather3A_309 : vector<16xf32>
      %mul3A_342 = arith.mulf %mul3A_157, %gather3A_317 : vector<16xf32>
      %add3A_343 = arith.addf %mul3A_341, %mul3A_342 : vector<16xf32>
      %mul3A_344 = arith.mulf %mul3A_158, %gather3A_325 : vector<16xf32>
      %add3A_345 = arith.addf %add3A_343, %mul3A_344 : vector<16xf32>
      %mul3A_346 = arith.mulf %mul3A_159, %gather3A_333 : vector<16xf32>
      %add3A_347 = arith.addf %add3A_345, %mul3A_346 : vector<16xf32>
      %gather3A_348 = tpu.vector_load_idx %arg7[%add3A_152, %broadcast_in_dim3A_11] : memref<128x5xi32, #tpu.memory_space<vmem>>[vector<16xi32>, vector<16xi32>], vector<16xi32>,
      %mul3A_349 = arith.constant 2 : i32
      %mul3A_350 = vector.broadcast %mul3A_349 : i32 to vector<16xi32>
      %mul3A_351 = arith.muli %gather3A_348, %mul3A_350 : vector<16xi32>
      %gather3A_352 = tpu.vector_load_idx %arg13[%mul3A_351] : memref<288xf32, #tpu.memory_space<vmem>>[vector<16xi32>], vector<16xf32>,
      %add3A_353 = arith.constant 1 : i32
      %add3A_354 = vector.broadcast %add3A_353 : i32 to vector<16xi32>
      %add3A_355 = arith.addi %mul3A_351, %add3A_354 : vector<16xi32>
      %gather3A_356 = tpu.vector_load_idx %arg13[%add3A_355] : memref<288xf32, #tpu.memory_space<vmem>>[vector<16xi32>], vector<16xf32>,
      %add3A_357 = arith.constant 62 : i32
      %add3A_358 = vector.broadcast %add3A_357 : i32 to vector<16xi32>
      %add3A_359 = arith.addi %mul3A_351, %add3A_358 : vector<16xi32>
      %gather3A_360 = tpu.vector_load_idx %arg13[%add3A_359] : memref<288xf32, #tpu.memory_space<vmem>>[vector<16xi32>], vector<16xf32>,
      %add3A_361 = arith.constant 63 : i32
      %add3A_362 = vector.broadcast %add3A_361 : i32 to vector<16xi32>
      %add3A_363 = arith.addi %mul3A_351, %add3A_362 : vector<16xi32>
      %gather3A_364 = tpu.vector_load_idx %arg13[%add3A_363] : memref<288xf32, #tpu.memory_space<vmem>>[vector<16xi32>], vector<16xf32>,
      %add3A_365 = arith.constant 124 : i32
      %add3A_366 = vector.broadcast %add3A_365 : i32 to vector<16xi32>
      %add3A_367 = arith.addi %mul3A_351, %add3A_366 : vector<16xi32>
      %gather3A_368 = tpu.vector_load_idx %arg13[%add3A_367] : memref<288xf32, #tpu.memory_space<vmem>>[vector<16xi32>], vector<16xf32>,
      %add3A_369 = arith.constant 125 : i32
      %add3A_370 = vector.broadcast %add3A_369 : i32 to vector<16xi32>
      %add3A_371 = arith.addi %mul3A_351, %add3A_370 : vector<16xi32>
      %gather3A_372 = tpu.vector_load_idx %arg13[%add3A_371] : memref<288xf32, #tpu.memory_space<vmem>>[vector<16xi32>], vector<16xf32>,
      %add3A_373 = arith.constant 186 : i32
      %add3A_374 = vector.broadcast %add3A_373 : i32 to vector<16xi32>
      %add3A_375 = arith.addi %mul3A_351, %add3A_374 : vector<16xi32>
      %gather3A_376 = tpu.vector_load_idx %arg13[%add3A_375] : memref<288xf32, #tpu.memory_space<vmem>>[vector<16xi32>], vector<16xf32>,
      %add3A_377 = arith.constant 187 : i32
      %add3A_378 = vector.broadcast %add3A_377 : i32 to vector<16xi32>
      %add3A_379 = arith.addi %mul3A_351, %add3A_378 : vector<16xi32>
      %gather3A_380 = tpu.vector_load_idx %arg13[%add3A_379] : memref<288xf32, #tpu.memory_space<vmem>>[vector<16xi32>], vector<16xf32>,
      %mul3A_381 = arith.mulf %mul3A_156, %gather3A_352 : vector<16xf32>
      %mul3A_382 = arith.mulf %mul3A_157, %gather3A_360 : vector<16xf32>
      %add3A_383 = arith.addf %mul3A_381, %mul3A_382 : vector<16xf32>
      %mul3A_384 = arith.mulf %mul3A_158, %gather3A_368 : vector<16xf32>
      %add3A_385 = arith.addf %add3A_383, %mul3A_384 : vector<16xf32>
      %mul3A_386 = arith.mulf %mul3A_159, %gather3A_376 : vector<16xf32>
      %add3A_387 = arith.addf %add3A_385, %mul3A_386 : vector<16xf32>
      %mul3A_388 = arith.mulf %mul3A_156, %gather3A_356 : vector<16xf32>
      %mul3A_389 = arith.mulf %mul3A_157, %gather3A_364 : vector<16xf32>
      %add3A_390 = arith.addf %mul3A_388, %mul3A_389 : vector<16xf32>
      %mul3A_391 = arith.mulf %mul3A_158, %gather3A_372 : vector<16xf32>
      %add3A_392 = arith.addf %add3A_390, %mul3A_391 : vector<16xf32>
      %mul3A_393 = arith.mulf %mul3A_159, %gather3A_380 : vector<16xf32>
      %add3A_394 = arith.addf %add3A_392, %mul3A_393 : vector<16xf32>
      %sub3A = arith.subf %add3A_199, %add3A_246 : vector<16xf32>
      %sub3A_395 = arith.subf %add3A_206, %add3A_253 : vector<16xf32>
      %mul3A_396 = arith.mulf %get3A_12, %sub3A : vector<16xf32>
      %mul3A_397 = arith.mulf %mul3A_396, %sub3A : vector<16xf32>
      %mul3A_398 = arith.mulf %get3A_14, %sub3A_395 : vector<16xf32>
      %mul3A_399 = arith.mulf %mul3A_398, %sub3A_395 : vector<16xf32>
      %add3A_400 = arith.addf %mul3A_397, %mul3A_399 : vector<16xf32>
      %bitcast_convert_type3A = tpu.bitcast %add3A_400 : vector<16xf32> -> vector<16xi32>
      %shift_right_arithmetic3A = arith.constant 1 : i32
      %shift_right_arithmetic3A_401 = vector.broadcast %shift_right_arithmetic3A : i32 to vector<16xi32>
      %shift_right_arithmetic3A_402 = arith.shrsi %bitcast_convert_type3A, %shift_right_arithmetic3A_401 : vector<16xi32>
      %add3A_403 = arith.constant 532487669 : i32
      %add3A_404 = vector.broadcast %add3A_403 : i32 to vector<16xi32>
      %add3A_405 = arith.addi %add3A_404, %shift_right_arithmetic3A_402 : vector<16xi32>
      %bitcast_convert_type3A_406 = tpu.bitcast %add3A_405 : vector<16xi32> -> vector<16xf32>
      %div3A = arith.divf %add3A_400, %bitcast_convert_type3A_406 : vector<16xf32>
      %add3A_407 = arith.addf %bitcast_convert_type3A_406, %div3A : vector<16xf32>
      %mul3A_408 = arith.constant 5.000000e-01 : f32
      %mul3A_409 = vector.broadcast %mul3A_408 : f32 to vector<16xf32>
      %mul3A_410 = arith.mulf %mul3A_409, %add3A_407 : vector<16xf32>
      %div3A_411 = arith.divf %add3A_400, %mul3A_410 : vector<16xf32>
      %add3A_412 = arith.addf %mul3A_410, %div3A_411 : vector<16xf32>
      %mul3A_413 = arith.constant 5.000000e-01 : f32
      %mul3A_414 = vector.broadcast %mul3A_413 : f32 to vector<16xf32>
      %mul3A_415 = arith.mulf %mul3A_414, %add3A_412 : vector<16xf32>
      %mul3A_416 = arith.constant -1.000000e+01 : f32
      %mul3A_417 = vector.broadcast %mul3A_416 : f32 to vector<16xf32>
      %mul3A_418 = arith.mulf %mul3A_417, %mul3A_415 : vector<16xf32>
      %exp3A = math.exp %mul3A_418 : vector<16xf32>
      %sub3A_419 = arith.subf %add3A_199, %add3A_293 : vector<16xf32>
      %sub3A_420 = arith.subf %add3A_206, %add3A_300 : vector<16xf32>
      %mul3A_421 = arith.mulf %get3A_12, %sub3A_419 : vector<16xf32>
      %mul3A_422 = arith.mulf %mul3A_421, %sub3A_419 : vector<16xf32>
      %mul3A_423 = arith.mulf %get3A_14, %sub3A_420 : vector<16xf32>
      %mul3A_424 = arith.mulf %mul3A_423, %sub3A_420 : vector<16xf32>
      %add3A_425 = arith.addf %mul3A_422, %mul3A_424 : vector<16xf32>
      %bitcast_convert_type3A_426 = tpu.bitcast %add3A_425 : vector<16xf32> -> vector<16xi32>
      %shift_right_arithmetic3A_427 = arith.constant 1 : i32
      %shift_right_arithmetic3A_428 = vector.broadcast %shift_right_arithmetic3A_427 : i32 to vector<16xi32>
      %shift_right_arithmetic3A_429 = arith.shrsi %bitcast_convert_type3A_426, %shift_right_arithmetic3A_428 : vector<16xi32>
      %add3A_430 = arith.constant 532487669 : i32
      %add3A_431 = vector.broadcast %add3A_430 : i32 to vector<16xi32>
      %add3A_432 = arith.addi %add3A_431, %shift_right_arithmetic3A_429 : vector<16xi32>
      %bitcast_convert_type3A_433 = tpu.bitcast %add3A_432 : vector<16xi32> -> vector<16xf32>
      %div3A_434 = arith.divf %add3A_425, %bitcast_convert_type3A_433 : vector<16xf32>
      %add3A_435 = arith.addf %bitcast_convert_type3A_433, %div3A_434 : vector<16xf32>
      %mul3A_436 = arith.constant 5.000000e-01 : f32
      %mul3A_437 = vector.broadcast %mul3A_436 : f32 to vector<16xf32>
      %mul3A_438 = arith.mulf %mul3A_437, %add3A_435 : vector<16xf32>
      %div3A_439 = arith.divf %add3A_425, %mul3A_438 : vector<16xf32>
      %add3A_440 = arith.addf %mul3A_438, %div3A_439 : vector<16xf32>
      %mul3A_441 = arith.constant 5.000000e-01 : f32
      %mul3A_442 = vector.broadcast %mul3A_441 : f32 to vector<16xf32>
      %mul3A_443 = arith.mulf %mul3A_442, %add3A_440 : vector<16xf32>
      %mul3A_444 = arith.constant -1.000000e+01 : f32
      %mul3A_445 = vector.broadcast %mul3A_444 : f32 to vector<16xf32>
      %mul3A_446 = arith.mulf %mul3A_445, %mul3A_443 : vector<16xf32>
      %exp3A_447 = math.exp %mul3A_446 : vector<16xf32>
      %sub3A_448 = arith.subf %add3A_199, %add3A_340 : vector<16xf32>
      %sub3A_449 = arith.subf %add3A_206, %add3A_347 : vector<16xf32>
      %mul3A_450 = arith.mulf %get3A_12, %sub3A_448 : vector<16xf32>
      %mul3A_451 = arith.mulf %mul3A_450, %sub3A_448 : vector<16xf32>
      %mul3A_452 = arith.mulf %get3A_14, %sub3A_449 : vector<16xf32>
      %mul3A_453 = arith.mulf %mul3A_452, %sub3A_449 : vector<16xf32>
      %add3A_454 = arith.addf %mul3A_451, %mul3A_453 : vector<16xf32>
      %bitcast_convert_type3A_455 = tpu.bitcast %add3A_454 : vector<16xf32> -> vector<16xi32>
      %shift_right_arithmetic3A_456 = arith.constant 1 : i32
      %shift_right_arithmetic3A_457 = vector.broadcast %shift_right_arithmetic3A_456 : i32 to vector<16xi32>
      %shift_right_arithmetic3A_458 = arith.shrsi %bitcast_convert_type3A_455, %shift_right_arithmetic3A_457 : vector<16xi32>
      %add3A_459 = arith.constant 532487669 : i32
      %add3A_460 = vector.broadcast %add3A_459 : i32 to vector<16xi32>
      %add3A_461 = arith.addi %add3A_460, %shift_right_arithmetic3A_458 : vector<16xi32>
      %bitcast_convert_type3A_462 = tpu.bitcast %add3A_461 : vector<16xi32> -> vector<16xf32>
      %div3A_463 = arith.divf %add3A_454, %bitcast_convert_type3A_462 : vector<16xf32>
      %add3A_464 = arith.addf %bitcast_convert_type3A_462, %div3A_463 : vector<16xf32>
      %mul3A_465 = arith.constant 5.000000e-01 : f32
      %mul3A_466 = vector.broadcast %mul3A_465 : f32 to vector<16xf32>
      %mul3A_467 = arith.mulf %mul3A_466, %add3A_464 : vector<16xf32>
      %div3A_468 = arith.divf %add3A_454, %mul3A_467 : vector<16xf32>
      %add3A_469 = arith.addf %mul3A_467, %div3A_468 : vector<16xf32>
      %mul3A_470 = arith.constant 5.000000e-01 : f32
      %mul3A_471 = vector.broadcast %mul3A_470 : f32 to vector<16xf32>
      %mul3A_472 = arith.mulf %mul3A_471, %add3A_469 : vector<16xf32>
      %mul3A_473 = arith.constant -1.000000e+01 : f32
      %mul3A_474 = vector.broadcast %mul3A_473 : f32 to vector<16xf32>
      %mul3A_475 = arith.mulf %mul3A_474, %mul3A_472 : vector<16xf32>
      %exp3A_476 = math.exp %mul3A_475 : vector<16xf32>
      %sub3A_477 = arith.subf %add3A_199, %add3A_387 : vector<16xf32>
      %sub3A_478 = arith.subf %add3A_206, %add3A_394 : vector<16xf32>
      %mul3A_479 = arith.mulf %get3A_12, %sub3A_477 : vector<16xf32>
      %mul3A_480 = arith.mulf %mul3A_479, %sub3A_477 : vector<16xf32>
      %mul3A_481 = arith.mulf %get3A_14, %sub3A_478 : vector<16xf32>
      %mul3A_482 = arith.mulf %mul3A_481, %sub3A_478 : vector<16xf32>
      %add3A_483 = arith.addf %mul3A_480, %mul3A_482 : vector<16xf32>
      %bitcast_convert_type3A_484 = tpu.bitcast %add3A_483 : vector<16xf32> -> vector<16xi32>
      %shift_right_arithmetic3A_485 = arith.constant 1 : i32
      %shift_right_arithmetic3A_486 = vector.broadcast %shift_right_arithmetic3A_485 : i32 to vector<16xi32>
      %shift_right_arithmetic3A_487 = arith.shrsi %bitcast_convert_type3A_484, %shift_right_arithmetic3A_486 : vector<16xi32>
      %add3A_488 = arith.constant 532487669 : i32
      %add3A_489 = vector.broadcast %add3A_488 : i32 to vector<16xi32>
      %add3A_490 = arith.addi %add3A_489, %shift_right_arithmetic3A_487 : vector<16xi32>
      %bitcast_convert_type3A_491 = tpu.bitcast %add3A_490 : vector<16xi32> -> vector<16xf32>
      %div3A_492 = arith.divf %add3A_483, %bitcast_convert_type3A_491 : vector<16xf32>
      %add3A_493 = arith.addf %bitcast_convert_type3A_491, %div3A_492 : vector<16xf32>
      %mul3A_494 = arith.constant 5.000000e-01 : f32
      %mul3A_495 = vector.broadcast %mul3A_494 : f32 to vector<16xf32>
      %mul3A_496 = arith.mulf %mul3A_495, %add3A_493 : vector<16xf32>
      %div3A_497 = arith.divf %add3A_483, %mul3A_496 : vector<16xf32>
      %add3A_498 = arith.addf %mul3A_496, %div3A_497 : vector<16xf32>
      %mul3A_499 = arith.constant 5.000000e-01 : f32
      %mul3A_500 = vector.broadcast %mul3A_499 : f32 to vector<16xf32>
      %mul3A_501 = arith.mulf %mul3A_500, %add3A_498 : vector<16xf32>
      %mul3A_502 = arith.constant -1.000000e+01 : f32
      %mul3A_503 = vector.broadcast %mul3A_502 : f32 to vector<16xf32>
      %mul3A_504 = arith.mulf %mul3A_503, %mul3A_501 : vector<16xf32>
      %exp3A_505 = math.exp %mul3A_504 : vector<16xf32>
      %add3A_506 = arith.addf %exp3A, %exp3A_447 : vector<16xf32>
      %add3A_507 = arith.addf %add3A_506, %exp3A_476 : vector<16xf32>
      %add3A_508 = arith.addf %add3A_507, %exp3A_505 : vector<16xf32>
      %div3A_509 = arith.constant 1.000000e+00 : f32
      %div3A_510 = vector.broadcast %div3A_509 : f32 to vector<16xf32>
      %div3A_511 = arith.divf %div3A_510, %add3A_508 : vector<16xf32>
      %mul3A_512 = arith.mulf %exp3A, %div3A_511 : vector<16xf32>
      tpu.vector_store_idx %arg14[%add3A_152, %broadcast_in_dim3A_3], %mul3A_512 : memref<128x4xf32, #tpu.memory_space<vmem>>[vector<16xi32>, vector<16xi32>], vector<16xf32>,
      %mul3A_513 = arith.mulf %exp3A_447, %div3A_511 : vector<16xf32>
      tpu.vector_store_idx %arg14[%add3A_152, %broadcast_in_dim3A_5], %mul3A_513 : memref<128x4xf32, #tpu.memory_space<vmem>>[vector<16xi32>, vector<16xi32>], vector<16xf32>,
      %mul3A_514 = arith.mulf %exp3A_476, %div3A_511 : vector<16xf32>
      tpu.vector_store_idx %arg14[%add3A_152, %broadcast_in_dim3A_7], %mul3A_514 : memref<128x4xf32, #tpu.memory_space<vmem>>[vector<16xi32>, vector<16xi32>], vector<16xf32>,
      %mul3A_515 = arith.mulf %exp3A_505, %div3A_511 : vector<16xf32>
      tpu.vector_store_idx %arg14[%add3A_152, %broadcast_in_dim3A_9], %mul3A_515 : memref<128x4xf32, #tpu.memory_space<vmem>>[vector<16xi32>, vector<16xi32>], vector<16xf32>,
    }
    %scan3A_125 = arith.constant 8 : i32
    %add3A_126 = arith.constant 256 : i32
    %add3A_127 = arith.addi %mul3A_2, %add3A_126 : i32
    "tpu.region"() ({
      %run_scoped3A = tpu.sem_alloc : memref<!tpu.dma_semaphore, #tpu.memory_space<semaphore_mem>>
      %dma_start3A_148 = arith.constant 0 : i32
      %dma_start3A_149 = tpu.memref_slice %arg6[%add3A_127, %dma_start3A_148] : memref<16384x4xf32, #tpu.memory_space<hbm>> -> memref<128x4xf32, #tpu.memory_space<hbm>>
      %dma_start3A_150 = arith.constant 0 : i32
      %dma_start3A_151 = tpu.memref_slice %arg6[%add3A_127, %dma_start3A_150] : memref<16384x4xf32, #tpu.memory_space<hbm>> -> memref<128x4xf32, #tpu.memory_space<hbm>>
      tpu.enqueue_dma source(%arg14 : memref<128x4xf32, #tpu.memory_space<vmem>>) target(%dma_start3A_151 : memref<128x4xf32, #tpu.memory_space<hbm>>) target_semaphore(%run_scoped3A : memref<!tpu.dma_semaphore, #tpu.memory_space<semaphore_mem>>)
      %dma_wait3A_152 = arith.constant 0 : i32
      %dma_wait3A_153 = tpu.memref_slice %arg6[%add3A_127, %dma_wait3A_152] : memref<16384x4xf32, #tpu.memory_space<hbm>> -> memref<128x4xf32, #tpu.memory_space<hbm>>
      %dma_wait3A_154 = arith.constant 0 : i32
      %dma_wait3A_155 = tpu.memref_slice %arg6[%add3A_127, %dma_wait3A_154] : memref<16384x4xf32, #tpu.memory_space<hbm>> -> memref<128x4xf32, #tpu.memory_space<hbm>>
      tpu.wait_dma2 semaphore(%run_scoped3A : memref<!tpu.dma_semaphore, #tpu.memory_space<semaphore_mem>>) src(%arg14 : memref<128x4xf32, #tpu.memory_space<vmem>>) dst(%dma_wait3A_155 : memref<128x4xf32, #tpu.memory_space<hbm>>)
      tpu.yield
    }) : () -> ()
    %dma_wait3A_128 = arith.constant 0 : i32
    %dma_wait3A_129 = tpu.memref_slice %arg2[%add3A_95, %dma_wait3A_128] : memref<16384x5xi32, #tpu.memory_space<hbm>> -> memref<128x5xi32, #tpu.memory_space<hbm>>
    %dma_wait3A_130 = arith.constant 0 : i32
    %dma_wait3A_131 = tpu.memref_slice %arg2[%add3A_95, %dma_wait3A_130] : memref<16384x5xi32, #tpu.memory_space<hbm>> -> memref<128x5xi32, #tpu.memory_space<hbm>>
    tpu.wait_dma2 semaphore(%arg16 : memref<!tpu.dma_semaphore, #tpu.memory_space<semaphore_mem>>) src(%dma_wait3A_131 : memref<128x5xi32, #tpu.memory_space<hbm>>) dst(%arg8 : memref<128x5xi32, #tpu.memory_space<vmem>>)
    %dma_wait3A_132 = arith.constant 0 : i32
    %dma_wait3A_133 = tpu.memref_slice %arg3[%add3A_95, %dma_wait3A_132] : memref<16384x2xf32, #tpu.memory_space<hbm>> -> memref<128x2xf32, #tpu.memory_space<hbm>>
    %dma_wait3A_134 = arith.constant 0 : i32
    %dma_wait3A_135 = tpu.memref_slice %arg3[%add3A_95, %dma_wait3A_134] : memref<16384x2xf32, #tpu.memory_space<hbm>> -> memref<128x2xf32, #tpu.memory_space<hbm>>
    tpu.wait_dma2 semaphore(%arg16 : memref<!tpu.dma_semaphore, #tpu.memory_space<semaphore_mem>>) src(%dma_wait3A_135 : memref<128x2xf32, #tpu.memory_space<hbm>>) dst(%arg10 : memref<128x2xf32, #tpu.memory_space<vmem>>)
    %dma_wait3A_136 = arith.constant 0 : i32
    %dma_wait3A_137 = tpu.memref_slice %arg4[%add3A_95, %dma_wait3A_136] : memref<16384x2xf32, #tpu.memory_space<hbm>> -> memref<128x2xf32, #tpu.memory_space<hbm>>
    %dma_wait3A_138 = arith.constant 0 : i32
    %dma_wait3A_139 = tpu.memref_slice %arg4[%add3A_95, %dma_wait3A_138] : memref<16384x2xf32, #tpu.memory_space<hbm>> -> memref<128x2xf32, #tpu.memory_space<hbm>>
    tpu.wait_dma2 semaphore(%arg16 : memref<!tpu.dma_semaphore, #tpu.memory_space<semaphore_mem>>) src(%dma_wait3A_139 : memref<128x2xf32, #tpu.memory_space<hbm>>) dst(%arg12 : memref<128x2xf32, #tpu.memory_space<vmem>>)
    %scan3A_140 = arith.constant 0 : i32
    %scan3A_141 = arith.constant 0 : i32
    %scan3A_142 = arith.constant 8 : i32
    %scan3A_143 = arith.addi %scan3A_141, %scan3A_142 : i32
    %scan3A_144 = arith.constant 1 : i32
    scf.for %scan3A_148 = %scan3A_141 to %scan3A_143 step %scan3A_144  : i32 {
      %mul3A_149 = arith.constant 16 : i32
      %mul3A_150 = arith.muli %scan3A_148, %mul3A_149 : i32
      %add3A_151 = vector.broadcast %mul3A_150 : i32 to vector<16xi32>
      %add3A_152 = arith.addi %add3A_151, %iota3A : vector<16xi32>
      %gather3A = tpu.vector_load_idx %arg10[%add3A_152, %broadcast_in_dim3A_3] : memref<128x2xf32, #tpu.memory_space<vmem>>[vector<16xi32>, vector<16xi32>], vector<16xf32>,
      %gather3A_153 = tpu.vector_load_idx %arg10[%add3A_152, %broadcast_in_dim3A_5] : memref<128x2xf32, #tpu.memory_space<vmem>>[vector<16xi32>, vector<16xi32>], vector<16xf32>,
      %gather3A_154 = tpu.vector_load_idx %arg12[%add3A_152, %broadcast_in_dim3A_3] : memref<128x2xf32, #tpu.memory_space<vmem>>[vector<16xi32>, vector<16xi32>], vector<16xf32>,
      %gather3A_155 = tpu.vector_load_idx %arg12[%add3A_152, %broadcast_in_dim3A_5] : memref<128x2xf32, #tpu.memory_space<vmem>>[vector<16xi32>, vector<16xi32>], vector<16xf32>,
      %mul3A_156 = arith.mulf %gather3A_154, %gather3A : vector<16xf32>
      %mul3A_157 = arith.mulf %gather3A_154, %gather3A_153 : vector<16xf32>
      %mul3A_158 = arith.mulf %gather3A_155, %gather3A : vector<16xf32>
      %mul3A_159 = arith.mulf %gather3A_155, %gather3A_153 : vector<16xf32>
      %gather3A_160 = tpu.vector_load_idx %arg8[%add3A_152, %broadcast_in_dim3A_3] : memref<128x5xi32, #tpu.memory_space<vmem>>[vector<16xi32>, vector<16xi32>], vector<16xi32>,
      %mul3A_161 = arith.constant 2 : i32
      %mul3A_162 = vector.broadcast %mul3A_161 : i32 to vector<16xi32>
      %mul3A_163 = arith.muli %gather3A_160, %mul3A_162 : vector<16xi32>
      %gather3A_164 = tpu.vector_load_idx %arg13[%mul3A_163] : memref<288xf32, #tpu.memory_space<vmem>>[vector<16xi32>], vector<16xf32>,
      %add3A_165 = arith.constant 1 : i32
      %add3A_166 = vector.broadcast %add3A_165 : i32 to vector<16xi32>
      %add3A_167 = arith.addi %mul3A_163, %add3A_166 : vector<16xi32>
      %gather3A_168 = tpu.vector_load_idx %arg13[%add3A_167] : memref<288xf32, #tpu.memory_space<vmem>>[vector<16xi32>], vector<16xf32>,
      %add3A_169 = arith.constant 62 : i32
      %add3A_170 = vector.broadcast %add3A_169 : i32 to vector<16xi32>
      %add3A_171 = arith.addi %mul3A_163, %add3A_170 : vector<16xi32>
      %gather3A_172 = tpu.vector_load_idx %arg13[%add3A_171] : memref<288xf32, #tpu.memory_space<vmem>>[vector<16xi32>], vector<16xf32>,
      %add3A_173 = arith.constant 63 : i32
      %add3A_174 = vector.broadcast %add3A_173 : i32 to vector<16xi32>
      %add3A_175 = arith.addi %mul3A_163, %add3A_174 : vector<16xi32>
      %gather3A_176 = tpu.vector_load_idx %arg13[%add3A_175] : memref<288xf32, #tpu.memory_space<vmem>>[vector<16xi32>], vector<16xf32>,
      %add3A_177 = arith.constant 124 : i32
      %add3A_178 = vector.broadcast %add3A_177 : i32 to vector<16xi32>
      %add3A_179 = arith.addi %mul3A_163, %add3A_178 : vector<16xi32>
      %gather3A_180 = tpu.vector_load_idx %arg13[%add3A_179] : memref<288xf32, #tpu.memory_space<vmem>>[vector<16xi32>], vector<16xf32>,
      %add3A_181 = arith.constant 125 : i32
      %add3A_182 = vector.broadcast %add3A_181 : i32 to vector<16xi32>
      %add3A_183 = arith.addi %mul3A_163, %add3A_182 : vector<16xi32>
      %gather3A_184 = tpu.vector_load_idx %arg13[%add3A_183] : memref<288xf32, #tpu.memory_space<vmem>>[vector<16xi32>], vector<16xf32>,
      %add3A_185 = arith.constant 186 : i32
      %add3A_186 = vector.broadcast %add3A_185 : i32 to vector<16xi32>
      %add3A_187 = arith.addi %mul3A_163, %add3A_186 : vector<16xi32>
      %gather3A_188 = tpu.vector_load_idx %arg13[%add3A_187] : memref<288xf32, #tpu.memory_space<vmem>>[vector<16xi32>], vector<16xf32>,
      %add3A_189 = arith.constant 187 : i32
      %add3A_190 = vector.broadcast %add3A_189 : i32 to vector<16xi32>
      %add3A_191 = arith.addi %mul3A_163, %add3A_190 : vector<16xi32>
      %gather3A_192 = tpu.vector_load_idx %arg13[%add3A_191] : memref<288xf32, #tpu.memory_space<vmem>>[vector<16xi32>], vector<16xf32>,
      %mul3A_193 = arith.mulf %mul3A_156, %gather3A_164 : vector<16xf32>
      %mul3A_194 = arith.mulf %mul3A_157, %gather3A_172 : vector<16xf32>
      %add3A_195 = arith.addf %mul3A_193, %mul3A_194 : vector<16xf32>
      %mul3A_196 = arith.mulf %mul3A_158, %gather3A_180 : vector<16xf32>
      %add3A_197 = arith.addf %add3A_195, %mul3A_196 : vector<16xf32>
      %mul3A_198 = arith.mulf %mul3A_159, %gather3A_188 : vector<16xf32>
      %add3A_199 = arith.addf %add3A_197, %mul3A_198 : vector<16xf32>
      %mul3A_200 = arith.mulf %mul3A_156, %gather3A_168 : vector<16xf32>
      %mul3A_201 = arith.mulf %mul3A_157, %gather3A_176 : vector<16xf32>
      %add3A_202 = arith.addf %mul3A_200, %mul3A_201 : vector<16xf32>
      %mul3A_203 = arith.mulf %mul3A_158, %gather3A_184 : vector<16xf32>
      %add3A_204 = arith.addf %add3A_202, %mul3A_203 : vector<16xf32>
      %mul3A_205 = arith.mulf %mul3A_159, %gather3A_192 : vector<16xf32>
      %add3A_206 = arith.addf %add3A_204, %mul3A_205 : vector<16xf32>
      %gather3A_207 = tpu.vector_load_idx %arg8[%add3A_152, %broadcast_in_dim3A_5] : memref<128x5xi32, #tpu.memory_space<vmem>>[vector<16xi32>, vector<16xi32>], vector<16xi32>,
      %mul3A_208 = arith.constant 2 : i32
      %mul3A_209 = vector.broadcast %mul3A_208 : i32 to vector<16xi32>
      %mul3A_210 = arith.muli %gather3A_207, %mul3A_209 : vector<16xi32>
      %gather3A_211 = tpu.vector_load_idx %arg13[%mul3A_210] : memref<288xf32, #tpu.memory_space<vmem>>[vector<16xi32>], vector<16xf32>,
      %add3A_212 = arith.constant 1 : i32
      %add3A_213 = vector.broadcast %add3A_212 : i32 to vector<16xi32>
      %add3A_214 = arith.addi %mul3A_210, %add3A_213 : vector<16xi32>
      %gather3A_215 = tpu.vector_load_idx %arg13[%add3A_214] : memref<288xf32, #tpu.memory_space<vmem>>[vector<16xi32>], vector<16xf32>,
      %add3A_216 = arith.constant 62 : i32
      %add3A_217 = vector.broadcast %add3A_216 : i32 to vector<16xi32>
      %add3A_218 = arith.addi %mul3A_210, %add3A_217 : vector<16xi32>
      %gather3A_219 = tpu.vector_load_idx %arg13[%add3A_218] : memref<288xf32, #tpu.memory_space<vmem>>[vector<16xi32>], vector<16xf32>,
      %add3A_220 = arith.constant 63 : i32
      %add3A_221 = vector.broadcast %add3A_220 : i32 to vector<16xi32>
      %add3A_222 = arith.addi %mul3A_210, %add3A_221 : vector<16xi32>
      %gather3A_223 = tpu.vector_load_idx %arg13[%add3A_222] : memref<288xf32, #tpu.memory_space<vmem>>[vector<16xi32>], vector<16xf32>,
      %add3A_224 = arith.constant 124 : i32
      %add3A_225 = vector.broadcast %add3A_224 : i32 to vector<16xi32>
      %add3A_226 = arith.addi %mul3A_210, %add3A_225 : vector<16xi32>
      %gather3A_227 = tpu.vector_load_idx %arg13[%add3A_226] : memref<288xf32, #tpu.memory_space<vmem>>[vector<16xi32>], vector<16xf32>,
      %add3A_228 = arith.constant 125 : i32
      %add3A_229 = vector.broadcast %add3A_228 : i32 to vector<16xi32>
      %add3A_230 = arith.addi %mul3A_210, %add3A_229 : vector<16xi32>
      %gather3A_231 = tpu.vector_load_idx %arg13[%add3A_230] : memref<288xf32, #tpu.memory_space<vmem>>[vector<16xi32>], vector<16xf32>,
      %add3A_232 = arith.constant 186 : i32
      %add3A_233 = vector.broadcast %add3A_232 : i32 to vector<16xi32>
      %add3A_234 = arith.addi %mul3A_210, %add3A_233 : vector<16xi32>
      %gather3A_235 = tpu.vector_load_idx %arg13[%add3A_234] : memref<288xf32, #tpu.memory_space<vmem>>[vector<16xi32>], vector<16xf32>,
      %add3A_236 = arith.constant 187 : i32
      %add3A_237 = vector.broadcast %add3A_236 : i32 to vector<16xi32>
      %add3A_238 = arith.addi %mul3A_210, %add3A_237 : vector<16xi32>
      %gather3A_239 = tpu.vector_load_idx %arg13[%add3A_238] : memref<288xf32, #tpu.memory_space<vmem>>[vector<16xi32>], vector<16xf32>,
      %mul3A_240 = arith.mulf %mul3A_156, %gather3A_211 : vector<16xf32>
      %mul3A_241 = arith.mulf %mul3A_157, %gather3A_219 : vector<16xf32>
      %add3A_242 = arith.addf %mul3A_240, %mul3A_241 : vector<16xf32>
      %mul3A_243 = arith.mulf %mul3A_158, %gather3A_227 : vector<16xf32>
      %add3A_244 = arith.addf %add3A_242, %mul3A_243 : vector<16xf32>
      %mul3A_245 = arith.mulf %mul3A_159, %gather3A_235 : vector<16xf32>
      %add3A_246 = arith.addf %add3A_244, %mul3A_245 : vector<16xf32>
      %mul3A_247 = arith.mulf %mul3A_156, %gather3A_215 : vector<16xf32>
      %mul3A_248 = arith.mulf %mul3A_157, %gather3A_223 : vector<16xf32>
      %add3A_249 = arith.addf %mul3A_247, %mul3A_248 : vector<16xf32>
      %mul3A_250 = arith.mulf %mul3A_158, %gather3A_231 : vector<16xf32>
      %add3A_251 = arith.addf %add3A_249, %mul3A_250 : vector<16xf32>
      %mul3A_252 = arith.mulf %mul3A_159, %gather3A_239 : vector<16xf32>
      %add3A_253 = arith.addf %add3A_251, %mul3A_252 : vector<16xf32>
      %gather3A_254 = tpu.vector_load_idx %arg8[%add3A_152, %broadcast_in_dim3A_7] : memref<128x5xi32, #tpu.memory_space<vmem>>[vector<16xi32>, vector<16xi32>], vector<16xi32>,
      %mul3A_255 = arith.constant 2 : i32
      %mul3A_256 = vector.broadcast %mul3A_255 : i32 to vector<16xi32>
      %mul3A_257 = arith.muli %gather3A_254, %mul3A_256 : vector<16xi32>
      %gather3A_258 = tpu.vector_load_idx %arg13[%mul3A_257] : memref<288xf32, #tpu.memory_space<vmem>>[vector<16xi32>], vector<16xf32>,
      %add3A_259 = arith.constant 1 : i32
      %add3A_260 = vector.broadcast %add3A_259 : i32 to vector<16xi32>
      %add3A_261 = arith.addi %mul3A_257, %add3A_260 : vector<16xi32>
      %gather3A_262 = tpu.vector_load_idx %arg13[%add3A_261] : memref<288xf32, #tpu.memory_space<vmem>>[vector<16xi32>], vector<16xf32>,
      %add3A_263 = arith.constant 62 : i32
      %add3A_264 = vector.broadcast %add3A_263 : i32 to vector<16xi32>
      %add3A_265 = arith.addi %mul3A_257, %add3A_264 : vector<16xi32>
      %gather3A_266 = tpu.vector_load_idx %arg13[%add3A_265] : memref<288xf32, #tpu.memory_space<vmem>>[vector<16xi32>], vector<16xf32>,
      %add3A_267 = arith.constant 63 : i32
      %add3A_268 = vector.broadcast %add3A_267 : i32 to vector<16xi32>
      %add3A_269 = arith.addi %mul3A_257, %add3A_268 : vector<16xi32>
      %gather3A_270 = tpu.vector_load_idx %arg13[%add3A_269] : memref<288xf32, #tpu.memory_space<vmem>>[vector<16xi32>], vector<16xf32>,
      %add3A_271 = arith.constant 124 : i32
      %add3A_272 = vector.broadcast %add3A_271 : i32 to vector<16xi32>
      %add3A_273 = arith.addi %mul3A_257, %add3A_272 : vector<16xi32>
      %gather3A_274 = tpu.vector_load_idx %arg13[%add3A_273] : memref<288xf32, #tpu.memory_space<vmem>>[vector<16xi32>], vector<16xf32>,
      %add3A_275 = arith.constant 125 : i32
      %add3A_276 = vector.broadcast %add3A_275 : i32 to vector<16xi32>
      %add3A_277 = arith.addi %mul3A_257, %add3A_276 : vector<16xi32>
      %gather3A_278 = tpu.vector_load_idx %arg13[%add3A_277] : memref<288xf32, #tpu.memory_space<vmem>>[vector<16xi32>], vector<16xf32>,
      %add3A_279 = arith.constant 186 : i32
      %add3A_280 = vector.broadcast %add3A_279 : i32 to vector<16xi32>
      %add3A_281 = arith.addi %mul3A_257, %add3A_280 : vector<16xi32>
      %gather3A_282 = tpu.vector_load_idx %arg13[%add3A_281] : memref<288xf32, #tpu.memory_space<vmem>>[vector<16xi32>], vector<16xf32>,
      %add3A_283 = arith.constant 187 : i32
      %add3A_284 = vector.broadcast %add3A_283 : i32 to vector<16xi32>
      %add3A_285 = arith.addi %mul3A_257, %add3A_284 : vector<16xi32>
      %gather3A_286 = tpu.vector_load_idx %arg13[%add3A_285] : memref<288xf32, #tpu.memory_space<vmem>>[vector<16xi32>], vector<16xf32>,
      %mul3A_287 = arith.mulf %mul3A_156, %gather3A_258 : vector<16xf32>
      %mul3A_288 = arith.mulf %mul3A_157, %gather3A_266 : vector<16xf32>
      %add3A_289 = arith.addf %mul3A_287, %mul3A_288 : vector<16xf32>
      %mul3A_290 = arith.mulf %mul3A_158, %gather3A_274 : vector<16xf32>
      %add3A_291 = arith.addf %add3A_289, %mul3A_290 : vector<16xf32>
      %mul3A_292 = arith.mulf %mul3A_159, %gather3A_282 : vector<16xf32>
      %add3A_293 = arith.addf %add3A_291, %mul3A_292 : vector<16xf32>
      %mul3A_294 = arith.mulf %mul3A_156, %gather3A_262 : vector<16xf32>
      %mul3A_295 = arith.mulf %mul3A_157, %gather3A_270 : vector<16xf32>
      %add3A_296 = arith.addf %mul3A_294, %mul3A_295 : vector<16xf32>
      %mul3A_297 = arith.mulf %mul3A_158, %gather3A_278 : vector<16xf32>
      %add3A_298 = arith.addf %add3A_296, %mul3A_297 : vector<16xf32>
      %mul3A_299 = arith.mulf %mul3A_159, %gather3A_286 : vector<16xf32>
      %add3A_300 = arith.addf %add3A_298, %mul3A_299 : vector<16xf32>
      %gather3A_301 = tpu.vector_load_idx %arg8[%add3A_152, %broadcast_in_dim3A_9] : memref<128x5xi32, #tpu.memory_space<vmem>>[vector<16xi32>, vector<16xi32>], vector<16xi32>,
      %mul3A_302 = arith.constant 2 : i32
      %mul3A_303 = vector.broadcast %mul3A_302 : i32 to vector<16xi32>
      %mul3A_304 = arith.muli %gather3A_301, %mul3A_303 : vector<16xi32>
      %gather3A_305 = tpu.vector_load_idx %arg13[%mul3A_304] : memref<288xf32, #tpu.memory_space<vmem>>[vector<16xi32>], vector<16xf32>,
      %add3A_306 = arith.constant 1 : i32
      %add3A_307 = vector.broadcast %add3A_306 : i32 to vector<16xi32>
      %add3A_308 = arith.addi %mul3A_304, %add3A_307 : vector<16xi32>
      %gather3A_309 = tpu.vector_load_idx %arg13[%add3A_308] : memref<288xf32, #tpu.memory_space<vmem>>[vector<16xi32>], vector<16xf32>,
      %add3A_310 = arith.constant 62 : i32
      %add3A_311 = vector.broadcast %add3A_310 : i32 to vector<16xi32>
      %add3A_312 = arith.addi %mul3A_304, %add3A_311 : vector<16xi32>
      %gather3A_313 = tpu.vector_load_idx %arg13[%add3A_312] : memref<288xf32, #tpu.memory_space<vmem>>[vector<16xi32>], vector<16xf32>,
      %add3A_314 = arith.constant 63 : i32
      %add3A_315 = vector.broadcast %add3A_314 : i32 to vector<16xi32>
      %add3A_316 = arith.addi %mul3A_304, %add3A_315 : vector<16xi32>
      %gather3A_317 = tpu.vector_load_idx %arg13[%add3A_316] : memref<288xf32, #tpu.memory_space<vmem>>[vector<16xi32>], vector<16xf32>,
      %add3A_318 = arith.constant 124 : i32
      %add3A_319 = vector.broadcast %add3A_318 : i32 to vector<16xi32>
      %add3A_320 = arith.addi %mul3A_304, %add3A_319 : vector<16xi32>
      %gather3A_321 = tpu.vector_load_idx %arg13[%add3A_320] : memref<288xf32, #tpu.memory_space<vmem>>[vector<16xi32>], vector<16xf32>,
      %add3A_322 = arith.constant 125 : i32
      %add3A_323 = vector.broadcast %add3A_322 : i32 to vector<16xi32>
      %add3A_324 = arith.addi %mul3A_304, %add3A_323 : vector<16xi32>
      %gather3A_325 = tpu.vector_load_idx %arg13[%add3A_324] : memref<288xf32, #tpu.memory_space<vmem>>[vector<16xi32>], vector<16xf32>,
      %add3A_326 = arith.constant 186 : i32
      %add3A_327 = vector.broadcast %add3A_326 : i32 to vector<16xi32>
      %add3A_328 = arith.addi %mul3A_304, %add3A_327 : vector<16xi32>
      %gather3A_329 = tpu.vector_load_idx %arg13[%add3A_328] : memref<288xf32, #tpu.memory_space<vmem>>[vector<16xi32>], vector<16xf32>,
      %add3A_330 = arith.constant 187 : i32
      %add3A_331 = vector.broadcast %add3A_330 : i32 to vector<16xi32>
      %add3A_332 = arith.addi %mul3A_304, %add3A_331 : vector<16xi32>
      %gather3A_333 = tpu.vector_load_idx %arg13[%add3A_332] : memref<288xf32, #tpu.memory_space<vmem>>[vector<16xi32>], vector<16xf32>,
      %mul3A_334 = arith.mulf %mul3A_156, %gather3A_305 : vector<16xf32>
      %mul3A_335 = arith.mulf %mul3A_157, %gather3A_313 : vector<16xf32>
      %add3A_336 = arith.addf %mul3A_334, %mul3A_335 : vector<16xf32>
      %mul3A_337 = arith.mulf %mul3A_158, %gather3A_321 : vector<16xf32>
      %add3A_338 = arith.addf %add3A_336, %mul3A_337 : vector<16xf32>
      %mul3A_339 = arith.mulf %mul3A_159, %gather3A_329 : vector<16xf32>
      %add3A_340 = arith.addf %add3A_338, %mul3A_339 : vector<16xf32>
      %mul3A_341 = arith.mulf %mul3A_156, %gather3A_309 : vector<16xf32>
      %mul3A_342 = arith.mulf %mul3A_157, %gather3A_317 : vector<16xf32>
      %add3A_343 = arith.addf %mul3A_341, %mul3A_342 : vector<16xf32>
      %mul3A_344 = arith.mulf %mul3A_158, %gather3A_325 : vector<16xf32>
      %add3A_345 = arith.addf %add3A_343, %mul3A_344 : vector<16xf32>
      %mul3A_346 = arith.mulf %mul3A_159, %gather3A_333 : vector<16xf32>
      %add3A_347 = arith.addf %add3A_345, %mul3A_346 : vector<16xf32>
      %gather3A_348 = tpu.vector_load_idx %arg8[%add3A_152, %broadcast_in_dim3A_11] : memref<128x5xi32, #tpu.memory_space<vmem>>[vector<16xi32>, vector<16xi32>], vector<16xi32>,
      %mul3A_349 = arith.constant 2 : i32
      %mul3A_350 = vector.broadcast %mul3A_349 : i32 to vector<16xi32>
      %mul3A_351 = arith.muli %gather3A_348, %mul3A_350 : vector<16xi32>
      %gather3A_352 = tpu.vector_load_idx %arg13[%mul3A_351] : memref<288xf32, #tpu.memory_space<vmem>>[vector<16xi32>], vector<16xf32>,
      %add3A_353 = arith.constant 1 : i32
      %add3A_354 = vector.broadcast %add3A_353 : i32 to vector<16xi32>
      %add3A_355 = arith.addi %mul3A_351, %add3A_354 : vector<16xi32>
      %gather3A_356 = tpu.vector_load_idx %arg13[%add3A_355] : memref<288xf32, #tpu.memory_space<vmem>>[vector<16xi32>], vector<16xf32>,
      %add3A_357 = arith.constant 62 : i32
      %add3A_358 = vector.broadcast %add3A_357 : i32 to vector<16xi32>
      %add3A_359 = arith.addi %mul3A_351, %add3A_358 : vector<16xi32>
      %gather3A_360 = tpu.vector_load_idx %arg13[%add3A_359] : memref<288xf32, #tpu.memory_space<vmem>>[vector<16xi32>], vector<16xf32>,
      %add3A_361 = arith.constant 63 : i32
      %add3A_362 = vector.broadcast %add3A_361 : i32 to vector<16xi32>
      %add3A_363 = arith.addi %mul3A_351, %add3A_362 : vector<16xi32>
      %gather3A_364 = tpu.vector_load_idx %arg13[%add3A_363] : memref<288xf32, #tpu.memory_space<vmem>>[vector<16xi32>], vector<16xf32>,
      %add3A_365 = arith.constant 124 : i32
      %add3A_366 = vector.broadcast %add3A_365 : i32 to vector<16xi32>
      %add3A_367 = arith.addi %mul3A_351, %add3A_366 : vector<16xi32>
      %gather3A_368 = tpu.vector_load_idx %arg13[%add3A_367] : memref<288xf32, #tpu.memory_space<vmem>>[vector<16xi32>], vector<16xf32>,
      %add3A_369 = arith.constant 125 : i32
      %add3A_370 = vector.broadcast %add3A_369 : i32 to vector<16xi32>
      %add3A_371 = arith.addi %mul3A_351, %add3A_370 : vector<16xi32>
      %gather3A_372 = tpu.vector_load_idx %arg13[%add3A_371] : memref<288xf32, #tpu.memory_space<vmem>>[vector<16xi32>], vector<16xf32>,
      %add3A_373 = arith.constant 186 : i32
      %add3A_374 = vector.broadcast %add3A_373 : i32 to vector<16xi32>
      %add3A_375 = arith.addi %mul3A_351, %add3A_374 : vector<16xi32>
      %gather3A_376 = tpu.vector_load_idx %arg13[%add3A_375] : memref<288xf32, #tpu.memory_space<vmem>>[vector<16xi32>], vector<16xf32>,
      %add3A_377 = arith.constant 187 : i32
      %add3A_378 = vector.broadcast %add3A_377 : i32 to vector<16xi32>
      %add3A_379 = arith.addi %mul3A_351, %add3A_378 : vector<16xi32>
      %gather3A_380 = tpu.vector_load_idx %arg13[%add3A_379] : memref<288xf32, #tpu.memory_space<vmem>>[vector<16xi32>], vector<16xf32>,
      %mul3A_381 = arith.mulf %mul3A_156, %gather3A_352 : vector<16xf32>
      %mul3A_382 = arith.mulf %mul3A_157, %gather3A_360 : vector<16xf32>
      %add3A_383 = arith.addf %mul3A_381, %mul3A_382 : vector<16xf32>
      %mul3A_384 = arith.mulf %mul3A_158, %gather3A_368 : vector<16xf32>
      %add3A_385 = arith.addf %add3A_383, %mul3A_384 : vector<16xf32>
      %mul3A_386 = arith.mulf %mul3A_159, %gather3A_376 : vector<16xf32>
      %add3A_387 = arith.addf %add3A_385, %mul3A_386 : vector<16xf32>
      %mul3A_388 = arith.mulf %mul3A_156, %gather3A_356 : vector<16xf32>
      %mul3A_389 = arith.mulf %mul3A_157, %gather3A_364 : vector<16xf32>
      %add3A_390 = arith.addf %mul3A_388, %mul3A_389 : vector<16xf32>
      %mul3A_391 = arith.mulf %mul3A_158, %gather3A_372 : vector<16xf32>
      %add3A_392 = arith.addf %add3A_390, %mul3A_391 : vector<16xf32>
      %mul3A_393 = arith.mulf %mul3A_159, %gather3A_380 : vector<16xf32>
      %add3A_394 = arith.addf %add3A_392, %mul3A_393 : vector<16xf32>
      %sub3A = arith.subf %add3A_199, %add3A_246 : vector<16xf32>
      %sub3A_395 = arith.subf %add3A_206, %add3A_253 : vector<16xf32>
      %mul3A_396 = arith.mulf %get3A_12, %sub3A : vector<16xf32>
      %mul3A_397 = arith.mulf %mul3A_396, %sub3A : vector<16xf32>
      %mul3A_398 = arith.mulf %get3A_14, %sub3A_395 : vector<16xf32>
      %mul3A_399 = arith.mulf %mul3A_398, %sub3A_395 : vector<16xf32>
      %add3A_400 = arith.addf %mul3A_397, %mul3A_399 : vector<16xf32>
      %bitcast_convert_type3A = tpu.bitcast %add3A_400 : vector<16xf32> -> vector<16xi32>
      %shift_right_arithmetic3A = arith.constant 1 : i32
      %shift_right_arithmetic3A_401 = vector.broadcast %shift_right_arithmetic3A : i32 to vector<16xi32>
      %shift_right_arithmetic3A_402 = arith.shrsi %bitcast_convert_type3A, %shift_right_arithmetic3A_401 : vector<16xi32>
      %add3A_403 = arith.constant 532487669 : i32
      %add3A_404 = vector.broadcast %add3A_403 : i32 to vector<16xi32>
      %add3A_405 = arith.addi %add3A_404, %shift_right_arithmetic3A_402 : vector<16xi32>
      %bitcast_convert_type3A_406 = tpu.bitcast %add3A_405 : vector<16xi32> -> vector<16xf32>
      %div3A = arith.divf %add3A_400, %bitcast_convert_type3A_406 : vector<16xf32>
      %add3A_407 = arith.addf %bitcast_convert_type3A_406, %div3A : vector<16xf32>
      %mul3A_408 = arith.constant 5.000000e-01 : f32
      %mul3A_409 = vector.broadcast %mul3A_408 : f32 to vector<16xf32>
      %mul3A_410 = arith.mulf %mul3A_409, %add3A_407 : vector<16xf32>
      %div3A_411 = arith.divf %add3A_400, %mul3A_410 : vector<16xf32>
      %add3A_412 = arith.addf %mul3A_410, %div3A_411 : vector<16xf32>
      %mul3A_413 = arith.constant 5.000000e-01 : f32
      %mul3A_414 = vector.broadcast %mul3A_413 : f32 to vector<16xf32>
      %mul3A_415 = arith.mulf %mul3A_414, %add3A_412 : vector<16xf32>
      %mul3A_416 = arith.constant -1.000000e+01 : f32
      %mul3A_417 = vector.broadcast %mul3A_416 : f32 to vector<16xf32>
      %mul3A_418 = arith.mulf %mul3A_417, %mul3A_415 : vector<16xf32>
      %exp3A = math.exp %mul3A_418 : vector<16xf32>
      %sub3A_419 = arith.subf %add3A_199, %add3A_293 : vector<16xf32>
      %sub3A_420 = arith.subf %add3A_206, %add3A_300 : vector<16xf32>
      %mul3A_421 = arith.mulf %get3A_12, %sub3A_419 : vector<16xf32>
      %mul3A_422 = arith.mulf %mul3A_421, %sub3A_419 : vector<16xf32>
      %mul3A_423 = arith.mulf %get3A_14, %sub3A_420 : vector<16xf32>
      %mul3A_424 = arith.mulf %mul3A_423, %sub3A_420 : vector<16xf32>
      %add3A_425 = arith.addf %mul3A_422, %mul3A_424 : vector<16xf32>
      %bitcast_convert_type3A_426 = tpu.bitcast %add3A_425 : vector<16xf32> -> vector<16xi32>
      %shift_right_arithmetic3A_427 = arith.constant 1 : i32
      %shift_right_arithmetic3A_428 = vector.broadcast %shift_right_arithmetic3A_427 : i32 to vector<16xi32>
      %shift_right_arithmetic3A_429 = arith.shrsi %bitcast_convert_type3A_426, %shift_right_arithmetic3A_428 : vector<16xi32>
      %add3A_430 = arith.constant 532487669 : i32
      %add3A_431 = vector.broadcast %add3A_430 : i32 to vector<16xi32>
      %add3A_432 = arith.addi %add3A_431, %shift_right_arithmetic3A_429 : vector<16xi32>
      %bitcast_convert_type3A_433 = tpu.bitcast %add3A_432 : vector<16xi32> -> vector<16xf32>
      %div3A_434 = arith.divf %add3A_425, %bitcast_convert_type3A_433 : vector<16xf32>
      %add3A_435 = arith.addf %bitcast_convert_type3A_433, %div3A_434 : vector<16xf32>
      %mul3A_436 = arith.constant 5.000000e-01 : f32
      %mul3A_437 = vector.broadcast %mul3A_436 : f32 to vector<16xf32>
      %mul3A_438 = arith.mulf %mul3A_437, %add3A_435 : vector<16xf32>
      %div3A_439 = arith.divf %add3A_425, %mul3A_438 : vector<16xf32>
      %add3A_440 = arith.addf %mul3A_438, %div3A_439 : vector<16xf32>
      %mul3A_441 = arith.constant 5.000000e-01 : f32
      %mul3A_442 = vector.broadcast %mul3A_441 : f32 to vector<16xf32>
      %mul3A_443 = arith.mulf %mul3A_442, %add3A_440 : vector<16xf32>
      %mul3A_444 = arith.constant -1.000000e+01 : f32
      %mul3A_445 = vector.broadcast %mul3A_444 : f32 to vector<16xf32>
      %mul3A_446 = arith.mulf %mul3A_445, %mul3A_443 : vector<16xf32>
      %exp3A_447 = math.exp %mul3A_446 : vector<16xf32>
      %sub3A_448 = arith.subf %add3A_199, %add3A_340 : vector<16xf32>
      %sub3A_449 = arith.subf %add3A_206, %add3A_347 : vector<16xf32>
      %mul3A_450 = arith.mulf %get3A_12, %sub3A_448 : vector<16xf32>
      %mul3A_451 = arith.mulf %mul3A_450, %sub3A_448 : vector<16xf32>
      %mul3A_452 = arith.mulf %get3A_14, %sub3A_449 : vector<16xf32>
      %mul3A_453 = arith.mulf %mul3A_452, %sub3A_449 : vector<16xf32>
      %add3A_454 = arith.addf %mul3A_451, %mul3A_453 : vector<16xf32>
      %bitcast_convert_type3A_455 = tpu.bitcast %add3A_454 : vector<16xf32> -> vector<16xi32>
      %shift_right_arithmetic3A_456 = arith.constant 1 : i32
      %shift_right_arithmetic3A_457 = vector.broadcast %shift_right_arithmetic3A_456 : i32 to vector<16xi32>
      %shift_right_arithmetic3A_458 = arith.shrsi %bitcast_convert_type3A_455, %shift_right_arithmetic3A_457 : vector<16xi32>
      %add3A_459 = arith.constant 532487669 : i32
      %add3A_460 = vector.broadcast %add3A_459 : i32 to vector<16xi32>
      %add3A_461 = arith.addi %add3A_460, %shift_right_arithmetic3A_458 : vector<16xi32>
      %bitcast_convert_type3A_462 = tpu.bitcast %add3A_461 : vector<16xi32> -> vector<16xf32>
      %div3A_463 = arith.divf %add3A_454, %bitcast_convert_type3A_462 : vector<16xf32>
      %add3A_464 = arith.addf %bitcast_convert_type3A_462, %div3A_463 : vector<16xf32>
      %mul3A_465 = arith.constant 5.000000e-01 : f32
      %mul3A_466 = vector.broadcast %mul3A_465 : f32 to vector<16xf32>
      %mul3A_467 = arith.mulf %mul3A_466, %add3A_464 : vector<16xf32>
      %div3A_468 = arith.divf %add3A_454, %mul3A_467 : vector<16xf32>
      %add3A_469 = arith.addf %mul3A_467, %div3A_468 : vector<16xf32>
      %mul3A_470 = arith.constant 5.000000e-01 : f32
      %mul3A_471 = vector.broadcast %mul3A_470 : f32 to vector<16xf32>
      %mul3A_472 = arith.mulf %mul3A_471, %add3A_469 : vector<16xf32>
      %mul3A_473 = arith.constant -1.000000e+01 : f32
      %mul3A_474 = vector.broadcast %mul3A_473 : f32 to vector<16xf32>
      %mul3A_475 = arith.mulf %mul3A_474, %mul3A_472 : vector<16xf32>
      %exp3A_476 = math.exp %mul3A_475 : vector<16xf32>
      %sub3A_477 = arith.subf %add3A_199, %add3A_387 : vector<16xf32>
      %sub3A_478 = arith.subf %add3A_206, %add3A_394 : vector<16xf32>
      %mul3A_479 = arith.mulf %get3A_12, %sub3A_477 : vector<16xf32>
      %mul3A_480 = arith.mulf %mul3A_479, %sub3A_477 : vector<16xf32>
      %mul3A_481 = arith.mulf %get3A_14, %sub3A_478 : vector<16xf32>
      %mul3A_482 = arith.mulf %mul3A_481, %sub3A_478 : vector<16xf32>
      %add3A_483 = arith.addf %mul3A_480, %mul3A_482 : vector<16xf32>
      %bitcast_convert_type3A_484 = tpu.bitcast %add3A_483 : vector<16xf32> -> vector<16xi32>
      %shift_right_arithmetic3A_485 = arith.constant 1 : i32
      %shift_right_arithmetic3A_486 = vector.broadcast %shift_right_arithmetic3A_485 : i32 to vector<16xi32>
      %shift_right_arithmetic3A_487 = arith.shrsi %bitcast_convert_type3A_484, %shift_right_arithmetic3A_486 : vector<16xi32>
      %add3A_488 = arith.constant 532487669 : i32
      %add3A_489 = vector.broadcast %add3A_488 : i32 to vector<16xi32>
      %add3A_490 = arith.addi %add3A_489, %shift_right_arithmetic3A_487 : vector<16xi32>
      %bitcast_convert_type3A_491 = tpu.bitcast %add3A_490 : vector<16xi32> -> vector<16xf32>
      %div3A_492 = arith.divf %add3A_483, %bitcast_convert_type3A_491 : vector<16xf32>
      %add3A_493 = arith.addf %bitcast_convert_type3A_491, %div3A_492 : vector<16xf32>
      %mul3A_494 = arith.constant 5.000000e-01 : f32
      %mul3A_495 = vector.broadcast %mul3A_494 : f32 to vector<16xf32>
      %mul3A_496 = arith.mulf %mul3A_495, %add3A_493 : vector<16xf32>
      %div3A_497 = arith.divf %add3A_483, %mul3A_496 : vector<16xf32>
      %add3A_498 = arith.addf %mul3A_496, %div3A_497 : vector<16xf32>
      %mul3A_499 = arith.constant 5.000000e-01 : f32
      %mul3A_500 = vector.broadcast %mul3A_499 : f32 to vector<16xf32>
      %mul3A_501 = arith.mulf %mul3A_500, %add3A_498 : vector<16xf32>
      %mul3A_502 = arith.constant -1.000000e+01 : f32
      %mul3A_503 = vector.broadcast %mul3A_502 : f32 to vector<16xf32>
      %mul3A_504 = arith.mulf %mul3A_503, %mul3A_501 : vector<16xf32>
      %exp3A_505 = math.exp %mul3A_504 : vector<16xf32>
      %add3A_506 = arith.addf %exp3A, %exp3A_447 : vector<16xf32>
      %add3A_507 = arith.addf %add3A_506, %exp3A_476 : vector<16xf32>
      %add3A_508 = arith.addf %add3A_507, %exp3A_505 : vector<16xf32>
      %div3A_509 = arith.constant 1.000000e+00 : f32
      %div3A_510 = vector.broadcast %div3A_509 : f32 to vector<16xf32>
      %div3A_511 = arith.divf %div3A_510, %add3A_508 : vector<16xf32>
      %mul3A_512 = arith.mulf %exp3A, %div3A_511 : vector<16xf32>
      tpu.vector_store_idx %arg14[%add3A_152, %broadcast_in_dim3A_3], %mul3A_512 : memref<128x4xf32, #tpu.memory_space<vmem>>[vector<16xi32>, vector<16xi32>], vector<16xf32>,
      %mul3A_513 = arith.mulf %exp3A_447, %div3A_511 : vector<16xf32>
      tpu.vector_store_idx %arg14[%add3A_152, %broadcast_in_dim3A_5], %mul3A_513 : memref<128x4xf32, #tpu.memory_space<vmem>>[vector<16xi32>, vector<16xi32>], vector<16xf32>,
      %mul3A_514 = arith.mulf %exp3A_476, %div3A_511 : vector<16xf32>
      tpu.vector_store_idx %arg14[%add3A_152, %broadcast_in_dim3A_7], %mul3A_514 : memref<128x4xf32, #tpu.memory_space<vmem>>[vector<16xi32>, vector<16xi32>], vector<16xf32>,
      %mul3A_515 = arith.mulf %exp3A_505, %div3A_511 : vector<16xf32>
      tpu.vector_store_idx %arg14[%add3A_152, %broadcast_in_dim3A_9], %mul3A_515 : memref<128x4xf32, #tpu.memory_space<vmem>>[vector<16xi32>, vector<16xi32>], vector<16xf32>,
    }
    %scan3A_145 = arith.constant 8 : i32
    %add3A_146 = arith.constant 384 : i32
    %add3A_147 = arith.addi %mul3A_2, %add3A_146 : i32
    "tpu.region"() ({
      %run_scoped3A = tpu.sem_alloc : memref<!tpu.dma_semaphore, #tpu.memory_space<semaphore_mem>>
      %dma_start3A_148 = arith.constant 0 : i32
      %dma_start3A_149 = tpu.memref_slice %arg6[%add3A_147, %dma_start3A_148] : memref<16384x4xf32, #tpu.memory_space<hbm>> -> memref<128x4xf32, #tpu.memory_space<hbm>>
      %dma_start3A_150 = arith.constant 0 : i32
      %dma_start3A_151 = tpu.memref_slice %arg6[%add3A_147, %dma_start3A_150] : memref<16384x4xf32, #tpu.memory_space<hbm>> -> memref<128x4xf32, #tpu.memory_space<hbm>>
      tpu.enqueue_dma source(%arg14 : memref<128x4xf32, #tpu.memory_space<vmem>>) target(%dma_start3A_151 : memref<128x4xf32, #tpu.memory_space<hbm>>) target_semaphore(%run_scoped3A : memref<!tpu.dma_semaphore, #tpu.memory_space<semaphore_mem>>)
      %dma_wait3A_152 = arith.constant 0 : i32
      %dma_wait3A_153 = tpu.memref_slice %arg6[%add3A_147, %dma_wait3A_152] : memref<16384x4xf32, #tpu.memory_space<hbm>> -> memref<128x4xf32, #tpu.memory_space<hbm>>
      %dma_wait3A_154 = arith.constant 0 : i32
      %dma_wait3A_155 = tpu.memref_slice %arg6[%add3A_147, %dma_wait3A_154] : memref<16384x4xf32, #tpu.memory_space<hbm>> -> memref<128x4xf32, #tpu.memory_space<hbm>>
      tpu.wait_dma2 semaphore(%run_scoped3A : memref<!tpu.dma_semaphore, #tpu.memory_space<semaphore_mem>>) src(%arg14 : memref<128x4xf32, #tpu.memory_space<vmem>>) dst(%dma_wait3A_155 : memref<128x4xf32, #tpu.memory_space<hbm>>)
      tpu.yield
    }) : () -> ()
    return
  }
}

</mosaic_0001>

<sc_bundles>
// kernel: kernel.3.cloned.1.call-start
scs
__scs_entry_jumppad:
0x0: {  	(pc) =	sbr.rel $0x88, $3  }
0x1: {  	(tag) =	ssettag $0x0;
	lr =	simm.s32 $0x1  }
0x2: {  	[smem:$0x3F99] =	sst lr;
	_ =	strace $0xD0000000  }
0x3: {  	_ = 	snop  }
0x4: {  	_ = 	snop  }
0x5: {  	_ = 	snop  }
0x6: {  	_ = 	snop  }
0x7: {  	_ = 	snop  }
__scs_overlays_trampoline_lowered:
0x8: {  	[smem:$0x3FA8] =	sst s0  }
0x9: {  	[smem:$0x3FA9] =	sst s1  }
0xa: {  	[smem:$0x3FAA] =	sst s2  }
0xb: {  	[smem:$0x3FAB] =	sst s3  }
0xc: {  	[smem:$0x3FAC] =	sst s4  }
0xd: {  	[smem:$0x3FAD] =	sst s5  }
0xe: {  	[smem:$0x3FAE] =	sst s6  }
0xf: {  	[smem:$0x3FAF] =	sst s7  }
0x10: {  	[smem:$0x3FB0] =	sst s8  }
0x11: {  	[smem:$0x3FB1] =	sst s9;
	s0 =	simm.s32 @!p0 $0x0  }
0x12: {  	s1 =	sld [smem:$0x3F97];
	s0 =	simm.s32 @p0 $0x1  }
0x13: {  	[smem:$0x3FB2] =	sst s0;
	s0 =	simm.s32 @!p1 $0x0  }
0x14: {  	s2 =	sld [smem:$0x3F96];
	s0 =	simm.s32 @p1 $0x1  }
0x15: {  	[smem:$0x3FB3] =	sst s0;
	s0 =	simm.s32 @!p2 $0x0  }
0x16: {  	s3 =	sld [smem:$0x3FDB];
	s0 =	simm.s32 @p2 $0x1  }
0x17: {  	s4 =	simm.s32 $0x1BF5;
	[smem:$0x3FB5] =	sst s0  }
0x18: {  	s0 =	sld [smem:$0x3F98];
	_ =	swait.ge [sflag:s4], $0x0  }
0x19: {  	s7 =	sld [smem:$0x3F99]  }
0x1a: {  	s8 =	sadd.s32 $0xFFFFE003, lr  }
0x1b: {  	s9 =	sadd.s32 $0xFFFFFEF7, lr;
	s5 =	simm.s32 $0xFFFFFFFF;
	p2 =	slt.u32 s8, $0xFFFFF086  }
0x1c: {  	p1 =	slt.u32 s9, $0xF7A;
	s5 =	simm.s32 @!p2 $0x0  }
0x1d: {  	s5 =	simm.s32 @p1 $0x1;
	p0 =	seq.s32 s7, s2  }
0x1e: {  	s7 =	smul.u32 @!p0 $0xF7A, s2;
	p2 =	seq.s32 @!p0 s5, $0x0  }
0x1f: {  	s9 =	smul.u32 $0xF7A, s1;
	s8 =	simm.s32 @!p0 $0x1BF5;
	p2 =	por !p2, p0  }
0x20: {  	[sflag:s8] =	ssyncset.s32 @!p0 $0xFFFFF086;
	s6 =	sadd.s32 @!p0 s3, s7;
	s7 =	simm.s32 @!p0 $0x108  }
0x21: {  	s3 =	sadd.s32 s3, s9;
	s6 =	sadd.s32 @!p0 $0x88, s6;
	s7 =	simm.s32 @p2 $0x1082  }
0x22: {  	[simem:s7], [sflag:s8] =	dma.local @!p0 [hbm:s6], $0xF7A  }
0x23: {  	s9 =	sor.u32 $0xD0000000, s2;
	s6 =	simm.s32 $0x108;
	_ =	swait.ge @!p0 [sflag:s8], $0x0  }
0x24: {  	s3 =	sadd.s32 $0x88, s3;
	s6 =	simm.s32 @!p1 $0x1082;
	[sflag:s4] =	ssyncset.s32 $0xFFFFF086  }
0x25: {  	[simem:s6], [sflag:s4] =	dma.local [hbm:s3], $0xF7A  }
0x26: {  	[smem:$0x3F99] =	sst s1;
	(tag) =	ssettag s2;
	_ =	strace s9  }
0x27: {  	s1 =	sld [smem:$0x3FA9]  }
0x28: {  	s2 =	sld [smem:$0x3FAA]  }
0x29: {  	s4 =	sld [smem:$0x3FAC]  }
0x2a: {  	p0 =	seq.s32 s5, $0x0;
	s5 =	sld [smem:$0x3FAD]  }
0x2b: {  	s6 =	sld [smem:$0x3FAE]  }
0x2c: {  	s7 =	sld [smem:$0x3FAF]  }
0x2d: {  	s3 =	simm.s32 $0x108;
	s8 =	sld [smem:$0x3FB0]  }
0x2e: {  	s3 =	simm.s32 @!p0 $0x1082;
	s9 =	sld [smem:$0x3FB1]  }
0x2f: {  	lr =	sadd.s32 s0, s3;
	s0 =	sld [smem:$0x3FA8]  }
0x30: {  	s3 =	sld [smem:$0x3FAB]  }
0x31: {  	[smem:$0x3FB4] =	sst s10  }
0x32: {  	s10 =	sld [smem:$0x3FB2];
	_ =	sdelay $0x3  }
0x33: {  	p0 =	seq.s32 s10, $0x1;
	s10 =	sld [smem:$0x3FB4];
	_ =	sdelay $0x3  }
0x34: {  	[smem:$0x3FB4] =	sst s10  }
0x35: {  	s10 =	sld [smem:$0x3FB3];
	_ =	sdelay $0x3  }
0x36: {  	p1 =	seq.s32 s10, $0x1;
	s10 =	sld [smem:$0x3FB4];
	_ =	sdelay $0x3  }
0x37: {  	[smem:$0x3FB4] =	sst s10  }
0x38: {  	s10 =	sld [smem:$0x3FB5]  }
0x39: {  	_ = 	snop;
	(pc) =	sbr.ind lr, $3  }
0x3a: {  	_ = 	snop  }
0x3b: {  	_ = 	snop  }
0x3c: {  	p2 =	seq.s32 s10, $0x1;
	s10 =	sld [smem:$0x3FB4]  }
0x3d: {  	_ =	shalt  }
0x3e: {  	_ =	shalt  }
0x3f: {  	_ =	shalt  }
0x40: {  	_ =	shalt  }
0x41: {  	_ =	shalt  }
0x42: {  	_ =	shalt  }
0x43: {  	_ =	shalt  }
0x44: {  	_ =	shalt  }
0x45: {  	_ =	shalt  }
0x46: {  	_ =	shalt  }
0x47: {  	_ =	shalt  }
0x48: {  	_ =	shalt  }
0x49: {  	_ =	shalt  }
0x4a: {  	_ =	shalt  }
0x4b: {  	_ =	shalt  }
0x4c: {  	_ =	shalt  }
0x4d: {  	_ =	shalt  }
0x4e: {  	_ =	shalt  }
0x4f: {  	_ =	shalt  }
0x50: {  	_ =	shalt  }
0x51: {  	_ =	shalt  }
0x52: {  	_ =	shalt  }
0x53: {  	_ =	shalt  }
0x54: {  	_ =	shalt  }
0x55: {  	_ =	shalt  }
0x56: {  	_ =	shalt  }
0x57: {  	_ =	shalt  }
0x58: {  	_ =	shalt  }
0x59: {  	_ =	shalt  }
0x5a: {  	_ =	shalt  }
0x5b: {  	_ =	shalt  }
0x5c: {  	_ =	shalt  }
0x5d: {  	_ =	shalt  }
0x5e: {  	_ =	shalt  }
0x5f: {  	_ =	shalt  }
0x60: {  	_ =	shalt  }
0x61: {  	_ =	shalt  }
0x62: {  	_ =	shalt  }
0x63: {  	_ =	shalt  }
0x64: {  	_ =	shalt  }
0x65: {  	_ =	shalt  }
0x66: {  	_ =	shalt  }
0x67: {  	_ =	shalt  }
0x68: {  	_ =	shalt  }
0x69: {  	_ =	shalt  }
0x6a: {  	_ =	shalt  }
0x6b: {  	_ =	shalt  }
0x6c: {  	_ =	shalt  }
0x6d: {  	_ =	shalt  }
0x6e: {  	_ =	shalt  }
0x6f: {  	_ =	shalt  }
0x70: {  	_ =	shalt  }
0x71: {  	_ =	shalt  }
0x72: {  	_ =	shalt  }
0x73: {  	_ =	shalt  }
0x74: {  	_ =	shalt  }
0x75: {  	_ =	shalt  }
0x76: {  	_ =	shalt  }
0x77: {  	_ =	shalt  }
0x78: {  	_ =	shalt  }
0x79: {  	_ =	shalt  }
0x7a: {  	_ =	shalt  }
0x7b: {  	_ =	shalt  }
0x7c: {  	_ =	shalt  }
0x7d: {  	_ =	shalt  }
0x7e: {  	_ =	shalt  }
0x7f: {  	_ =	shalt  }
0x80: {  	_ =	shalt  }
0x81: {  	_ =	shalt  }
0x82: {  	_ =	shalt  }
0x83: {  	_ =	shalt  }
0x84: {  	_ =	shalt  }
0x85: {  	_ =	shalt  }
0x86: {  	_ =	shalt  }
0x87: {  	_ =	shalt  }
.Lfunc_end0:
.L_simem_size_0:
called_computation_lowered:
.L_overlay_start_0:
0x88: {  	s2 =	sld [smem:$0x3FD9]  }
0x89: {  	s3 =	sld [smem:$0x3FFE];
	_ =	sdelay $0x1  }
0x8a: {  	s1 =	srdreg.scid  }
0x8b: {  	s0 =	sand.u32 $0x1, s1  }
0x8c: {  	s17 =	sshll.u32 s0, $0xA;
	s2 =	sadd.s32 s3, s2  }
0x8d: {  	s2 =	sadd.s32 s2, s17  }
0x8e: {  	[smem:$0x3FC0] =	sst s2  }
0x8f: {  	_ = 	snop  }
0x90: {  	s2 =	sld [smem:$0x3FD0];
	(tm) =	ssettm $0x1  }
0x91: {  	s18 =	sld [smem:$0x3FFB];
	_ =	sdelay $0x3  }
0x92: {  	_ =	strace s18  }
0x93: {  	s3 =	sld [smem:$0x3FFC];
	_ =	sdelay $0x3  }
0x94: {  	_ =	strace s3  }
0x95: {  	s3 =	sld [smem:$0x3FFD];
	_ =	sdelay $0x3  }
0x96: {  	_ =	strace s3  }
0x97: {  	_ =	strace $0x8FFFFFFF  }
0x98: {  	s19 =	sld [smem:$0x3FDB];
	_ =	sdelay $0x1  }
0x99: {  	s4 =	simm.s32 $_scs_section_size  }
0x9a: {  	s5 =	simm.s32 $_size__tile_overlayer_lowered;
	s6 =	simm.s32 $_tile_overlayer_lowered  }
0x9b: {  	s22 =	simm.s32 $0x1BFF;
	s21 =	sshll.u32 s6, $0x1;
	s3 =	sadd.s32 s4, s19  }
0x9c: {  	s7 =	simm.s32 $0x0;
	s20 =	sshll.u32 s5, $0x1;
	s5 =	sadd.s32 s21, s3  }
0x9d: {  	[timem:s7], [sflag:s22] =	dma.local [hbm:s5], s20  }
0x9e: {  	_ =	swait.ge [sflag:s22], s20  }
0x9f: {  	s4 =	ssub.s32 $0x0, s20;
	[sflag:s22] =	ssyncset.done $0x0  }
0xa0: {  	[sflag:s22] =	ssyncadd.s32 s4;
	_ =	sdelay $0x1  }
0xa1: {  	s23 =	simm.s32 $0x1B8B  }
0xa2: {  	_ =	swait.ge [sflag:s23], $0x1  }
0xa3: {  	[sflag:s23] =	ssyncset.done $0x0  }
0xa4: {  	s25 =	simm.s32 $0x1B8E;
	s24 =	sld [smem:$0x3FFE];
	[sflag:s23] =	ssyncadd.s32 $0xFFFFFFFF  }
0xa5: {  	s26 =	simm.s32 $execute0_lowered;
	[smem:$0x3FD2] =	sst s25  }
0xa6: {  	s5 =	sshll.u32 s26, $0x1;
	_ =	strace $0x80000046;
	[dreg:$0x1] =	wrdreg $0xFFFFFFFF  }
0xa7: {  	s28 =	simm.s32 $_size_execute0_lowered;
	s3 =	sadd.s32 s3, s5;
	[dreg:$0x0] =	wrdreg $0x0  }
0xa8: {  	s5 =	sshll.u32 s28, $0x1;
	[dreg:$0x2] =	wrdreg s3  }
0xa9: {  	[dreg:$0x3] =	wrdreg s5  }
0xaa: {  	[dreg:$0x4] =	wrdreg $0xC0  }
0xab: {  	_ =	task [dreg:s7], $0x5FFFF  }
0xac: {  	[dreg:$0x1] =	wrdreg $0xFFFFFFFF  }
0xad: {  	[dreg:$0x0] =	wrdreg $0x60  }
0xae: {  	[dreg:$0x2] =	wrdreg s24  }
0xaf: {  	[dreg:$0x3] =	wrdreg s2  }
0xb0: {  	[dreg:$0x4] =	wrdreg $0x9  }
0xb1: {  	_ =	task.clear_ibuf [dreg:s7], $0x5FFFF;
	_ =	strace $0x90000046  }
0xb2: {  	s29 =	simm.s32 $0x9;
	_ =	strace $0x80000048  }
0xb3: {  	_ =	swait.ge [sflag:s29], $0x1  }
0xb4: {  	[sflag:s29] =	ssyncadd.s32 $0xFFFFFFFF  }
0xb5: {  	_ =	strace $0x90000048  }
0xb6: {  	_ =	sfence  }
0xb7: {  	s30 =	sld [smem:$0x0];
	_ =	sdelay $0x2  }
0xb8: {  	s31 =	sshll.u32 s1, $0xD;
	s1 =	sshrl.u32 s1, $0x2  }
0xb9: {  	s3 =	sand.u32 $0x4000, s31;
	s1 =	sadd.s32 s1, s30  }
0xba: {  	s0 =	sor.u32 s3, s0;
	s1 =	sshll.u32 s1, $0x11  }
0xbb: {  	s0 =	sor.u32 s1, s0  }
0xbc: {  	s0 =	sadd.s32 $0x8F2B, s0  }
0xbd: {  	[sflag:s0] =	ssyncadd.remote.s32 $0x1  }
0xbe: {  	_ =	sfence.sel $0xFFFF  }
0xbf: {  	[dreg:$0x0] =	wrdreg $0xFFFFFFFF;
	(pc) =	sbr.abs _section_cstart, $3  }
0xc0: {  	[dreg:$0x1] =	wrdreg $0xFFFFFFFF  }
0xc1: {  	_ =	task.clear_ibuf [dreg:s7], $0x2FFFF;
	_ =	strace $0x9FFFFFFF  }
0xc2: {  	(tm) =	ssettm $0x7FFFFFFF  }
0xc3: {  	_ =	shalt  }
tec
execute0_lowered:
.L_overlay_start_1:
0x0: {  	(tag) =	ssettag $0x1  }
0x1: {  	s0 =	rddreg [dreg:$0x0]  }
0x2: {  	s1 =	rddreg [dreg:$0x1];
	s2 =	simm.s32 $0x0;
	s4 =	srdreg.scid  }
0x3: {  	s6 =	stileid.u32;
	s21 =	simm.s32 $0x18000;
	s22 =	simm.s32 $0x3  }
0x4: {  	s23 =	simm.s32 $0x8000;
	s24 =	simm.s32 $0x10000;
	s25 =	simm.s32 $0x4000  }
0x5: {  	s26 =	simm.s32 $0xC000;
	s28 =	simm.s32 $0x14000;
	s29 =	simm.s32 $0x1  }
0x6: {  	s30 =	simm.s32 $0x18180;
	s31 =	simm.s32 $0x2;
	[smem:$0x7FF] =	sst s2  }
0x7: {  	s3 =	sadd.s32 $0x800, s0;
	s16 =	sadd.s32 $0x40800, s0;
	s4 =	sand.u32 $0x1, s4  }
0x8: {  	s6 =	sshll.u32 s6, $0xE;
	s17 =	sadd.s32 $0x80800, s0;
	s5 =	ssub.s32 $0x2, s4  }
0x9: {  	s0 =	sadd.s32 $0xC0800, s0;
	s4 =	sshll.u32 s4, $0xD;
	s7 =	sshrl.u32 s5, $0x1  }
0xa: {  	_ =	strace $0x80000047;
	s14 =	sor.u32 s4, s6;
	s20 =	ssub.s32 s5, s7  }
0xb: {  	s4 =	sadd.s32 s3, s14;
	s5 =	sadd.s32 s16, s14;
	s6 =	sadd.s32 s17, s14  }
0xc: {  	s15 =	sor.u32 $0x800, s14;
	s18 =	sor.u32 $0x1000, s14;
	s10 =	sadd.s32 s0, s14  }
0xd: {  	s19 =	sor.u32 $0x1800, s14;
	s7 =	sadd.s32 s3, s15;
	s8 =	sadd.s32 s16, s15  }
0xe: {  	s9 =	sadd.s32 s17, s15;
	s11 =	sadd.s32 s3, s18;
	s12 =	sadd.s32 s16, s18  }
0xf: {  	s13 =	sadd.s32 s17, s18;
	s14 =	sadd.s32 s0, s15;
	s15 =	sadd.s32 s3, s19  }
0x10: {  	v0 =	vlaneseq.u32;
	s16 =	sadd.s32 s16, s19;
	s17 =	sadd.s32 s17, s19;
	s18 =	sadd.s32 s0, s18  }
0x11: {  	v0 =	vmul.u32 $0x80, v0;
	s19 =	sadd.s32 s0, s19;
	s20 =	smax.u32 s20, $0x1;
	s0 =	simm.s32 $0x0  }
.LBB2_1:
0x12: {  	[tilespmem:s21], [sflag:$0x3] =	stream.linear.gather [hbm4b:s1+s2], $0x180, $0x38;
	[tilespmem:$0x1C180] =	vst v63  }
0x13: {  	_ =	swait.ge [sflag:s22], $0x180  }
0x14: {  	[sflag:s22] =	ssyncset.done $0x0  }
0x15: {  	[sflag:s22] =	ssyncadd.s32 $0xFFFFFE80  }
0x16: {  	v1 =	vld [tilespmem:$0x18100]  }
0x17: {  	v2 =	vld [tilespmem:$0x18110];
	[tilespmem:s2], [sflag:$0x1] =	stream.linear.gather [hbm4b:s4+s2], $0x4000, $0x38  }
0x18: {  	_ = 	snop  }
0x19: {  	[tilespmem:s23], [sflag:$0x1] =	stream.linear.gather [hbm4b:s5+s2], $0x4000, $0x38;
	[tilespmem:$0x1C180] =	vst v63  }
0x1a: {  	_ = 	snop  }
0x1b: {  	[tilespmem:s24], [sflag:$0x1] =	stream.linear.gather [hbm4b:s6+s2], $0x4000, $0x38;
	[tilespmem:$0x1C180] =	vst v63  }
0x1c: {  	_ = 	snop  }
0x1d: {  	[tilespmem:s25], [sflag:$0x2] =	stream.linear.gather [hbm4b:s7+s2], $0x4000, $0x38;
	[tilespmem:$0x1C180] =	vst v63  }
0x1e: {  	_ = 	snop  }
0x1f: {  	[tilespmem:s26], [sflag:$0x2] =	stream.linear.gather [hbm4b:s8+s2], $0x4000, $0x38;
	[tilespmem:$0x1C180] =	vst v63  }
0x20: {  	_ = 	snop  }
0x21: {  	[tilespmem:s28], [sflag:$0x2] =	stream.linear.gather [hbm4b:s9+s2], $0x4000, $0x38;
	[tilespmem:$0x1C180] =	vst v63  }
0x22: {  	_ =	swait.ge [sflag:s29], $0x4000  }
0x23: {  	v3 =	vmov s2;
	[sflag:s29] =	ssyncset.done $0x0  }
0x24: {  	v3 =	vshll.u32 v3, $0x7;
	[sflag:s29] =	ssyncadd.s32 $0xFFFFC000  }
0x25: {  	v3 =	vor.u32 v0, v3;
	_ =	swait.ge [sflag:s29], $0x4000  }
0x26: {  	v5 =	vor.u32 $0x4, v3;
	[sflag:s29] =	ssyncset.done $0x0  }
0x27: {  	[sflag:s29] =	ssyncadd.s32 $0xFFFFC000  }
0x28: {  	_ =	swait.ge [sflag:s29], $0x4000  }
0x29: {  	[sflag:s29] =	ssyncset.done $0x0  }
0x2a: {  	v4 =	vor.u32 $0x1, v3;
	[sflag:s29] =	ssyncadd.s32 $0xFFFFC000  }
0x2b: {  	v7 =	vld.idx.msk [tilespmem:v5+s2+$0x0], $0xffff;
	_ =	sdelay $0x1  }
0x2c: {  	v11 =	vld.idx.msk [tilespmem:v3+s24+$0x0], $0xffff;
	v5 =	vor.u32 $0x3, v3  }
0x2d: {  	v15 =	vld.idx.msk [tilespmem:v3+s23+$0x0], $0xffff  }
0x2e: {  	v6 =	vor.u32 $0x2, v3;
	v13 =	vld.idx.msk [tilespmem:v4+s23+$0x0], $0xffff  }
0x2f: {  	v10 =	vld.idx.msk [tilespmem:v4+s24+$0x0], $0xffff;
	v8 =	vshll.u32 v7, $0x1  }
0x30: {  	v16 =	vld.idx.msk [tilespmem:v4+s2+$0x0], $0xffff;
	v9 =	vadd.s32 $0xBA, v8  }
0x31: {  	v12 =	vld.idx.msk [tilespmem:v5+s2+$0x0], $0xffff;
	v14 =	vadd.s32 $0x7C, v8  }
0x32: {  	v7 =	vld.idx.msk [tilespmem:v3+s2+$0x0], $0xffff;
	v17 =	vadd.s32 $0x7D, v8  }
0x33: {  	v26 =	vld.idx.msk [tilespmem:v6+s2+$0x0], $0xffff;
	v18 =	vor.u32 $0x1, v8  }
0x34: {  	v20 =	vadd.s32 $0x3E, v8;
	v19 =	vld.idx.msk [tilespmem:v8+s21+$0x0], $0xffff  }
0x35: {  	v21 =	vadd.s32 $0x3F, v8;
	v27 =	vld.idx.msk [tilespmem:v9+s21+$0x0], $0xffff  }
0x36: {  	v12 =	vshll.u32 v12, $0x1;
	v24 =	vld.idx.msk [tilespmem:v14+s21+$0x0], $0xffff  }
0x37: {  	v28 =	vshll.u32 v7, $0x1;
	v22 =	vld.idx.msk [tilespmem:v17+s21+$0x0], $0xffff  }
0x38: {  	v9 =	vadd.s32 $0xBA, v12;
	v14 =	vld.idx.msk [tilespmem:v18+s21+$0x0], $0xffff  }
0x39: {  	v23 =	vadd.s32 $0x7C, v12;
	v20 =	vld.idx.msk [tilespmem:v20+s21+$0x0], $0xffff  }
0x3a: {  	v7 =	vor.u32 $0x1, v12;
	v17 =	vld.idx.msk [tilespmem:v21+s21+$0x0], $0xffff  }
0x3b: {  	v18 =	vadd.s32 $0xBA, v28;
	v25 =	vld.idx.msk [tilespmem:v12+s21+$0x0], $0xffff  }
0x3c: {  	v29 =	vadd.s32 $0xBB, v28;
	v33 =	vld.idx.msk [tilespmem:v28+s21+$0x0], $0xffff  }
0x3d: {  	v32 =	vadd.s32 $0x7C, v28;
	v31 =	vld.idx.msk [tilespmem:v9+s21+$0x0], $0xffff  }
0x3e: {  	v9 =	vadd.s32 $0x7D, v28;
	v30 =	vld.idx.msk [tilespmem:v23+s21+$0x0], $0xffff  }
0x3f: {  	v40 =	vor.u32 $0x1, v28;
	v21 =	vld.idx.msk [tilespmem:v7+s21+$0x0], $0xffff  }
0x40: {  	v23 =	vadd.s32 $0x3E, v12;
	v36 =	vld.idx.msk [tilespmem:v18+s21+$0x0], $0xffff  }
0x41: {  	v18 =	vshll.u32 v16, $0x1;
	v38 =	vld.idx.msk [tilespmem:v29+s21+$0x0], $0xffff  }
0x42: {  	v39 =	vadd.s32 $0x3E, v28;
	v34 =	vld.idx.msk [tilespmem:v32+s21+$0x0], $0xffff  }
0x43: {  	v37 =	vadd.s32 $0x3F, v28;
	v7 =	vmul.f32 v10, v13;
	v35 =	vld.idx.msk [tilespmem:v9+s21+$0x0], $0xffff  }
0x44: {  	v26 =	vshll.u32 v26, $0x1;
	v8 =	vadd.s32 $0xBB, v8;
	v16 =	vadd.s32 $0xBB, v12;
	v32 =	vld.idx.msk [tilespmem:v40+s21+$0x0], $0xffff  }
0x45: {  	v28 =	vadd.s32 $0x7D, v12;
	v23 =	vld.idx.msk [tilespmem:v23+s21+$0x0], $0xffff;
	v9 =	vmul.f32 v36, v7;
	v36 =	vadd.s32 $0x3F, v12  }
0x46: {  	s3 =	simm.s32 $0x10;
	v29 =	vld.idx.msk [tilespmem:v18+s21+$0x0], $0xffff;
	v12 =	vmul.f32 v10, v15;
	v10 =	vmul.f32 v38, v7;
	v38 =	vor.u32 $0x1, v18  }
.LBB2_2:
0x47: {  	p0 =	sne.s32 s3, $0x70;
	v39 =	vld.idx.msk [tilespmem:v39+s21+$0x0], $0xffff;
	v40 =	vadd.s32 $0x3E, v18;
	v31 =	vmul.f32 v31, v7;
	v27 =	vmul.f32 v27, v7  }
0x48: {  	v41 =	vadd.s32 $0x3F, v18;
	v37 =	vld.idx.msk [tilespmem:v37+s21+$0x0], $0xffff;
	v34 =	vmul.f32 v34, v12;
	v35 =	vmul.f32 v35, v12  }
0x49: {  	v15 =	vmul.f32 v11, v15;
	v43 =	vadd.s32 $0x3E, v26;
	v24 =	vmul.f32 v24, v12;
	v42 =	vld.idx.msk [tilespmem:v26+s21+$0x0], $0xffff  }
0x4a: {  	v44 =	vor.u32 $0x1, v26;
	v30 =	vmul.f32 v30, v12;
	v22 =	vmul.f32 v22, v12;
	v36 =	vld.idx.msk [tilespmem:v36+s21+$0x0], $0xffff  }
0x4b: {  	v11 =	vmul.f32 v11, v13;
	v13 =	vmul.f32 v33, v15;
	v33 =	vld.idx.msk [tilespmem:v38+s21+$0x0], $0xffff;
	v38 =	vadd.s32 $0x3F, v26  }
0x4c: {  	v45 =	vadd.s32 $0xBA, v26;
	v25 =	vmul.f32 v25, v15;
	v19 =	vmul.f32 v19, v15;
	v40 =	vld.idx.msk [tilespmem:v40+s21+$0x0], $0xffff  }
0x4d: {  	v46 =	vadd.s32 $0x7C, v18;
	v32 =	vmul.f32 v32, v15;
	v39 =	vmul.f32 v39, v11;
	v41 =	vld.idx.msk [tilespmem:v41+s21+$0x0], $0xffff  }
0x4e: {  	v47 =	vadd.s32 $0x7D, v18;
	v29 =	vmul.f32 v29, v15;
	v37 =	vmul.f32 v37, v11;
	v43 =	vld.idx.msk [tilespmem:v43+s21+$0x0], $0xffff  }
0x4f: {  	v48 =	vadd.s32 $0x7C, v26;
	v20 =	vmul.f32 v20, v11;
	v42 =	vmul.f32 v42, v15;
	v44 =	vld.idx.msk [tilespmem:v44+s21+$0x0], $0xffff  }
0x50: {  	v49 =	vadd.s32 $0x7D, v26;
	v14 =	vmul.f32 v14, v15;
	v17 =	vmul.f32 v17, v11;
	v38 =	vld.idx.msk [tilespmem:v38+s21+$0x0], $0xffff  }
0x51: {  	v23 =	vmul.f32 v23, v11;
	v21 =	vmul.f32 v21, v15;
	v26 =	vadd.s32 $0xBB, v26;
	v28 =	vld.idx.msk [tilespmem:v28+s21+$0x0], $0xffff  }
0x52: {  	v50 =	vadd.s32 $0xBA, v18;
	v36 =	vmul.f32 v36, v11;
	v40 =	vmul.f32 v40, v11;
	v46 =	vld.idx.msk [tilespmem:v46+s21+$0x0], $0xffff  }
0x53: {  	v18 =	vadd.s32 $0xBB, v18;
	v33 =	vmul.f32 v33, v15;
	v41 =	vmul.f32 v41, v11;
	v47 =	vld.idx.msk [tilespmem:v47+s21+$0x0], $0xffff  }
0x54: {  	v13 =	vadd.f32 v39, v13;
	v32 =	vadd.f32 v37, v32;
	v39 =	vmul.f32 v43, v11;
	v37 =	vld.idx.msk [tilespmem:v48+s21+$0x0], $0xffff  }
0x55: {  	v19 =	vadd.f32 v20, v19;
	v14 =	vadd.f32 v17, v14;
	v15 =	vmul.f32 v44, v15;
	v43 =	vld.idx.msk [tilespmem:v49+s21+$0x0], $0xffff  }
0x56: {  	v17 =	vadd.f32 v23, v25;
	v20 =	vadd.f32 v36, v21;
	v11 =	vmul.f32 v38, v11;
	v16 =	vld.idx.msk [tilespmem:v16+s21+$0x0], $0xffff  }
0x57: {  	v23 =	vadd.f32 v40, v29;
	v25 =	vadd.f32 v41, v33;
	v28 =	vmul.f32 v28, v12;
	v21 =	vld.idx.msk [tilespmem:v50+s21+$0x0], $0xffff  }
0x58: {  	v33 =	vadd.f32 v39, v42;
	v29 =	vmul.f32 v46, v12;
	v11 =	vadd.f32 v11, v15;
	v18 =	vld.idx.msk [tilespmem:v18+s21+$0x0], $0xffff  }
0x59: {  	v13 =	vadd.f32 v34, v13;
	v15 =	vadd.f32 v35, v32;
	v32 =	vmul.f32 v47, v12;
	v34 =	vld.idx.msk [tilespmem:v45+s21+$0x0], $0xffff  }
0x5a: {  	v19 =	vadd.f32 v24, v19;
	v14 =	vadd.f32 v22, v14;
	v35 =	vmul.f32 v37, v12;
	v26 =	vld.idx.msk [tilespmem:v26+s21+$0x0], $0xffff  }
0x5b: {  	v17 =	vadd.f32 v30, v17;
	v20 =	vadd.f32 v28, v20;
	v12 =	vmul.f32 v43, v12  }
0x5c: {  	v22 =	vadd.f32 v29, v23;
	v23 =	vadd.f32 v32, v25;
	v16 =	vmul.f32 v16, v7  }
0x5d: {  	v24 =	vadd.f32 v35, v33;
	v21 =	vmul.f32 v21, v7;
	v11 =	vadd.f32 v12, v11  }
0x5e: {  	v9 =	vadd.f32 v9, v13;
	v10 =	vadd.f32 v10, v15;
	v12 =	vmul.f32 v18, v7;
	v8 =	vld.idx.msk [tilespmem:v8+s21+$0x0], $0xffff  }
0x5f: {  	v15 =	vadd.f32 v31, v17;
	v17 =	vadd.f32 v27, v19;
	v13 =	vmul.f32 v34, v7  }
0x60: {  	v16 =	vadd.f32 v16, v20;
	v18 =	vadd.f32 v21, v22;
	v19 =	vmul.f32 v26, v7  }
0x61: {  	v12 =	vadd.f32 v12, v23;
	v13 =	vadd.f32 v13, v24  }
0x62: {  	v15 =	vsub.f32 v9, v15;
	v11 =	vadd.f32 v19, v11  }
0x63: {  	v16 =	vsub.f32 v10, v16;
	v18 =	vsub.f32 v9, v18  }
0x64: {  	v7 =	vmul.f32 v8, v7;
	v8 =	vsub.f32 v10, v12;
	v12 =	vsub.f32 v9, v13  }
0x65: {  	v19 =	vmul.f32 v16, v2;
	v11 =	vsub.f32 v10, v11;
	v13 =	vmul.f32 v15, v1  }
0x66: {  	v7 =	vadd.f32 v7, v14;
	v14 =	vmul.f32 v18, v1;
	v20 =	vmul.f32 v8, v2  }
0x67: {  	v9 =	vsub.f32 v9, v17;
	v21 =	vmul.f32 v12, v1;
	v22 =	vmul.f32 v11, v2  }
0x68: {  	v14 =	vmul.f32 v14, v18;
	v8 =	vmul.f32 v20, v8;
	v7 =	vsub.f32 v10, v7  }
0x69: {  	v10 =	vmul.f32 v21, v12;
	v11 =	vmul.f32 v22, v11  }
0x6a: {  	v12 =	vmul.f32 v9, v1;
	v8 =	vadd.f32 v8, v14;
	v14 =	vmul.f32 v7, v2  }
0x6b: {  	v10 =	vadd.f32 v11, v10;
	v11 =	vmul.f32 v13, v15;
	v13 =	vmul.f32 v19, v16  }
0x6c: {  	v9 =	vmul.f32 v12, v9;
	v15 =	vshra.s32 v8, $0x1;
	v7 =	vmul.f32 v14, v7  }
0x6d: {  	v14 =	vshra.s32 v10, $0x1;
	v11 =	vadd.f32 v13, v11;
	v12 =	vadd.s32 $0x1FBD1DF5, v15  }
0x6e: {  	v13 =	vadd.s32 $0x1FBD1DF5, v14;
	v7 =	vadd.f32 v7, v9;
	(erf) = vrcp.f32 v12  }
0x6f: {  	v9 =	vshra.s32 v11, $0x1;
	(erf) = vrcp.f32 v13  }
0x70: {  	v9 =	vadd.s32 $0x1FBD1DF5, v9;
	v14 =	vshra.s32 v7, $0x1  }
0x71: {  	v14 =	vadd.s32 $0x1FBD1DF5, v14;
	(erf) = vrcp.f32 v9  }
0x72: {  	(erf) = vrcp.f32 v14;
	_ =	sdelay $0x4  }
0x73: {  	v15 =	vpop (erf)  }
0x74: {  	v17 =	vmul.f32 v15, v8;
	v16 =	vpop (erf)  }
0x75: {  	v18 =	vmul.f32 v16, v10  }
0x76: {  	v12 =	vadd.f32 v12, v17;
	v15 =	vpop (erf)  }
0x77: {  	v13 =	vadd.f32 v13, v18;
	v15 =	vmul.f32 v15, v11;
	v16 =	vpop (erf)  }
0x78: {  	v12 =	vmul.f32 $5.000000000e-01, v12;
	v16 =	vmul.f32 v16, v7  }
0x79: {  	v13 =	vmul.f32 $5.000000000e-01, v13;
	v9 =	vadd.f32 v9, v15  }
0x7a: {  	v14 =	vadd.f32 v14, v16;
	(erf) = vrcp.f32 v12  }
0x7b: {  	v9 =	vmul.f32 $5.000000000e-01, v9;
	(erf) = vrcp.f32 v13  }
0x7c: {  	v14 =	vmul.f32 $5.000000000e-01, v14  }
0x7d: {  	(erf) = vrcp.f32 v9  }
0x7e: {  	(erf) = vrcp.f32 v14;
	_ =	sdelay $0x4  }
0x7f: {  	v15 =	vpop (erf)  }
0x80: {  	v8 =	vmul.f32 v15, v8;
	v15 =	vpop (erf)  }
0x81: {  	v10 =	vmul.f32 v15, v10  }
0x82: {  	v8 =	vadd.f32 v8, v12;
	v12 =	vpop (erf)  }
0x83: {  	v10 =	vadd.f32 v10, v13;
	v11 =	vmul.f32 v12, v11;
	v12 =	vpop (erf)  }
0x84: {  	v8 =	vmul.f32 $5.000000000e-01, v8;
	v7 =	vmul.f32 v12, v7  }
0x85: {  	v10 =	vmul.f32 $5.000000000e-01, v10;
	v9 =	vadd.f32 v11, v9  }
0x86: {  	v8 =	vmul.f32 $-1.000000000e+01, v8;
	v7 =	vadd.f32 v7, v14  }
0x87: {  	v10 =	vmul.f32 $-1.000000000e+01, v10;
	v9 =	vmul.f32 $5.000000000e-01, v9  }
0x88: {  	v8 =	vmul.f32 $1.442695020e+00, v8;
	v7 =	vmul.f32 $5.000000000e-01, v7  }
0x89: {  	v10 =	vmul.f32 $1.442695020e+00, v10;
	v9 =	vmul.f32 $-1.000000000e+01, v9  }
0x8a: {  	v7 =	vmul.f32 $-1.000000000e+01, v7;
	(erf) = vpow2.f32 v8  }
0x8b: {  	v8 =	vmul.f32 $1.442695020e+00, v9;
	(erf) = vpow2.f32 v10;
	_ =	sdelay $0x1  }
0x8c: {  	v7 =	vmul.f32 $1.442695020e+00, v7;
	(erf) = vpow2.f32 v8;
	_ =	sdelay $0x1  }
0x8d: {  	(erf) = vpow2.f32 v7;
	_ =	sdelay $0x3  }
0x8e: {  	v7 =	vpop (erf)  }
0x8f: {  	v8 =	vpop (erf)  }
0x90: {  	v9 =	vadd.f32 v8, v7  }
0x91: {  	v10 =	vpop (erf)  }
0x92: {  	v9 =	vadd.f32 v10, v9  }
0x93: {  	v11 =	vpop (erf)  }
0x94: {  	v9 =	vadd.f32 v11, v9;
	_ =	sdelay $0x1  }
0x95: {  	(erf) = vrcp.f32 v9;
	_ =	sdelay $0x8  }
0x96: {  	v9 =	vmov s3;
	v12 =	vpop (erf)  }
0x97: {  	v9 =	vshll.u32 v9, $0x7;
	v7 =	vmul.f32 v12, v7;
	v11 =	vmul.f32 v12, v11  }
0x98: {  	v9 =	vor.u32 v0, v9;
	v8 =	vmul.f32 v12, v8;
	v10 =	vmul.f32 v12, v10  }
0x99: {  	[tilespmem:v3+s30+$0x0] =	vst.idx.msk $0xffff, v7;
	v3 =	vmov v9  }
0x9a: {  	[tilespmem:v4+s30+$0x0] =	vst.idx.msk $0xffff, v8;
	v4 =	vor.u32 $0x1, v3  }
0x9b: {  	[tilespmem:v6+s30+$0x0] =	vst.idx.msk $0xffff, v10  }
0x9c: {  	[tilespmem:v5+s30+$0x0] =	vst.idx.msk $0xffff, v11  }
0x9d: {  	v7 =	vor.u32 $0x4, v3;
	v11 =	vld.idx.msk [tilespmem:v9+s24+$0x0], $0xffff  }
0x9e: {  	v15 =	vld.idx.msk [tilespmem:v9+s23+$0x0], $0xffff  }
0x9f: {  	v6 =	vor.u32 $0x2, v3;
	v13 =	vld.idx.msk [tilespmem:v4+s23+$0x0], $0xffff  }
0xa0: {  	v5 =	vor.u32 $0x3, v3;
	v10 =	vld.idx.msk [tilespmem:v4+s24+$0x0], $0xffff  }
0xa1: {  	v8 =	vld.idx.msk [tilespmem:v9+s2+$0x0], $0xffff  }
0xa2: {  	v7 =	vld.idx.msk [tilespmem:v7+s2+$0x0], $0xffff  }
0xa3: {  	v9 =	vld.idx.msk [tilespmem:v4+s2+$0x0], $0xffff  }
0xa4: {  	v12 =	vld.idx.msk [tilespmem:v6+s2+$0x0], $0xffff  }
0xa5: {  	v14 =	vld.idx.msk [tilespmem:v5+s2+$0x0], $0xffff;
	_ =	sdelay $0x2  }
0xa6: {  	v28 =	vshll.u32 v7, $0x1  }
0xa7: {  	v7 =	vadd.s32 $0xBA, v28  }
0xa8: {  	v16 =	vadd.s32 $0x7C, v28  }
0xa9: {  	v17 =	vadd.s32 $0x7D, v28  }
0xaa: {  	v18 =	vor.u32 $0x1, v28  }
0xab: {  	v20 =	vadd.s32 $0x3E, v28;
	v19 =	vld.idx.msk [tilespmem:v28+s21+$0x0], $0xffff  }
0xac: {  	v21 =	vadd.s32 $0x3F, v28;
	v27 =	vld.idx.msk [tilespmem:v7+s21+$0x0], $0xffff  }
0xad: {  	v32 =	vshll.u32 v14, $0x1;
	v24 =	vld.idx.msk [tilespmem:v16+s21+$0x0], $0xffff  }
0xae: {  	v7 =	vadd.s32 $0xBA, v32;
	v22 =	vld.idx.msk [tilespmem:v17+s21+$0x0], $0xffff  }
0xaf: {  	v16 =	vadd.s32 $0x7C, v32;
	v14 =	vld.idx.msk [tilespmem:v18+s21+$0x0], $0xffff  }
0xb0: {  	v33 =	vshll.u32 v8, $0x1;
	v8 =	vor.u32 $0x1, v32;
	v20 =	vld.idx.msk [tilespmem:v20+s21+$0x0], $0xffff  }
0xb1: {  	v18 =	vadd.s32 $0xBA, v33;
	v17 =	vld.idx.msk [tilespmem:v21+s21+$0x0], $0xffff  }
0xb2: {  	v23 =	vadd.s32 $0xBB, v33;
	v25 =	vld.idx.msk [tilespmem:v32+s21+$0x0], $0xffff  }
0xb3: {  	v26 =	vadd.s32 $0x7C, v33;
	v31 =	vld.idx.msk [tilespmem:v7+s21+$0x0], $0xffff  }
0xb4: {  	v7 =	vadd.s32 $0x7D, v33;
	v30 =	vld.idx.msk [tilespmem:v16+s21+$0x0], $0xffff  }
0xb5: {  	v21 =	vld.idx.msk [tilespmem:v8+s21+$0x0], $0xffff;
	v8 =	vadd.s32 $0x3E, v32  }
0xb6: {  	v36 =	vld.idx.msk [tilespmem:v18+s21+$0x0], $0xffff;
	v18 =	vshll.u32 v9, $0x1  }
0xb7: {  	v38 =	vld.idx.msk [tilespmem:v23+s21+$0x0], $0xffff  }
0xb8: {  	v40 =	vor.u32 $0x1, v33;
	v34 =	vld.idx.msk [tilespmem:v26+s21+$0x0], $0xffff  }
.Ltmp0:
0xb9: {  	v39 =	vadd.s32 $0x3E, v33;
	v35 =	vld.idx.msk [tilespmem:v7+s21+$0x0], $0xffff;
	(pc) =	sbr.rel @p0 .LBB2_2-.Ltmp0, $4  }
0xba: {  	v37 =	vadd.s32 $0x3F, v33;
	v7 =	vmul.f32 v10, v13;
	v23 =	vld.idx.msk [tilespmem:v8+s21+$0x0], $0xffff  }
0xbb: {  	v16 =	vadd.s32 $0xBB, v32;
	v26 =	vshll.u32 v12, $0x1;
	v8 =	vadd.s32 $0xBB, v28;
	v29 =	vld.idx.msk [tilespmem:v18+s21+$0x0], $0xffff  }
0xbc: {  	v28 =	vadd.s32 $0x7D, v32;
	v9 =	vmul.f32 v36, v7;
	v36 =	vadd.s32 $0x3F, v32;
	v33 =	vld.idx.msk [tilespmem:v33+s21+$0x0], $0xffff  }
0xbd: {  	s3 =	sadd.s32 $0x10, s3;
	v12 =	vmul.f32 v10, v15;
	v10 =	vmul.f32 v38, v7;
	v38 =	vor.u32 $0x1, v18;
	v32 =	vld.idx.msk [tilespmem:v40+s21+$0x0], $0xffff  }
0xbe: {  	_ =	sdelay $0x3  }
0xbf: {  	v39 =	vld.idx.msk [tilespmem:v39+s21+$0x0], $0xffff  }
0xc0: {  	v40 =	vadd.s32 $0x3E, v18;
	v41 =	vadd.s32 $0x3F, v18;
	v37 =	vld.idx.msk [tilespmem:v37+s21+$0x0], $0xffff  }
0xc1: {  	v15 =	vmul.f32 v11, v15;
	v42 =	vadd.s32 $0x3E, v26;
	v43 =	vld.idx.msk [tilespmem:v26+s21+$0x0], $0xffff;
	v44 =	vor.u32 $0x1, v26  }
0xc2: {  	v36 =	vld.idx.msk [tilespmem:v36+s21+$0x0], $0xffff;
	v11 =	vmul.f32 v11, v13;
	v52 =	vadd.s32 $0x3F, v26;
	v45 =	vadd.s32 $0xBA, v26  }
0xc3: {  	v38 =	vld.idx.msk [tilespmem:v38+s21+$0x0], $0xffff;
	v46 =	vadd.s32 $0x7C, v18;
	v34 =	vmul.f32 v34, v12;
	v35 =	vmul.f32 v35, v12  }
0xc4: {  	v47 =	vadd.s32 $0x7D, v18;
	v28 =	vld.idx.msk [tilespmem:v28+s21+$0x0], $0xffff;
	v24 =	vmul.f32 v24, v12;
	v30 =	vmul.f32 v30, v12  }
0xc5: {  	v48 =	vadd.s32 $0x7C, v26;
	v22 =	vmul.f32 v22, v12;
	v25 =	vmul.f32 v25, v15;
	v40 =	vld.idx.msk [tilespmem:v40+s21+$0x0], $0xffff  }
0xc6: {  	v49 =	vadd.s32 $0x7D, v26;
	v19 =	vmul.f32 v19, v15;
	v29 =	vmul.f32 v29, v15;
	v41 =	vld.idx.msk [tilespmem:v41+s21+$0x0], $0xffff  }
0xc7: {  	v26 =	vadd.s32 $0xBB, v26;
	v20 =	vmul.f32 v20, v11;
	v14 =	vmul.f32 v14, v15;
	v42 =	vld.idx.msk [tilespmem:v42+s21+$0x0], $0xffff  }
0xc8: {  	v50 =	vadd.s32 $0xBA, v18;
	v17 =	vmul.f32 v17, v11;
	v23 =	vmul.f32 v23, v11;
	v44 =	vld.idx.msk [tilespmem:v44+s21+$0x0], $0xffff  }
0xc9: {  	v18 =	vadd.s32 $0xBB, v18;
	v21 =	vmul.f32 v21, v15;
	v13 =	vmul.f32 v33, v15;
	v33 =	vld.idx.msk [tilespmem:v52+s21+$0x0], $0xffff  }
0xca: {  	v32 =	vmul.f32 v32, v15;
	v19 =	vadd.f32 v20, v19;
	v39 =	vmul.f32 v39, v11;
	v46 =	vld.idx.msk [tilespmem:v46+s21+$0x0], $0xffff  }
0xcb: {  	v14 =	vadd.f32 v17, v14;
	v37 =	vmul.f32 v37, v11;
	v43 =	vmul.f32 v43, v15;
	v47 =	vld.idx.msk [tilespmem:v47+s21+$0x0], $0xffff  }
0xcc: {  	v20 =	vadd.f32 v23, v25;
	v36 =	vmul.f32 v36, v11;
	v38 =	vmul.f32 v38, v15;
	v54 =	vld.idx.msk [tilespmem:v48+s21+$0x0], $0xffff  }
0xcd: {  	v17 =	vld.idx.msk [tilespmem:v49+s21+$0x0], $0xffff;
	v28 =	vmul.f32 v28, v12;
	v19 =	vadd.f32 v24, v19;
	v14 =	vadd.f32 v22, v14  }
0xce: {  	v13 =	vadd.f32 v39, v13;
	v40 =	vmul.f32 v40, v11;
	v41 =	vmul.f32 v41, v11  }
0xcf: {  	v16 =	vld.idx.msk [tilespmem:v16+s21+$0x0], $0xffff;
	v32 =	vadd.f32 v37, v32;
	v53 =	vmul.f32 v42, v11;
	v15 =	vmul.f32 v44, v15  }
0xd0: {  	v21 =	vadd.f32 v36, v21;
	v11 =	vmul.f32 v33, v11;
	v55 =	vmul.f32 v46, v12  }
0xd1: {  	v13 =	vadd.f32 v34, v13;
	v57 =	vmul.f32 v47, v12;
	v59 =	vmul.f32 v54, v12  }
0xd2: {  	v58 =	vld.idx.msk [tilespmem:v45+s21+$0x0], $0xffff;
	v12 =	vmul.f32 v17, v12;
	v17 =	vadd.f32 v30, v20;
	v20 =	vadd.f32 v28, v21  }
0xd3: {  	v9 =	vadd.f32 v9, v13;
	v23 =	vadd.f32 v40, v29;
	v29 =	vld.idx.msk [tilespmem:v50+s21+$0x0], $0xffff  }
0xd4: {  	v16 =	vmul.f32 v16, v7;
	v25 =	vadd.f32 v41, v38;
	v11 =	vadd.f32 v11, v15;
	v15 =	vld.idx.msk [tilespmem:v18+s21+$0x0], $0xffff  }
0xd5: {  	v22 =	vld.idx.msk [tilespmem:v26+s21+$0x0], $0xffff;
	v56 =	vadd.f32 v53, v43;
	v18 =	vadd.f32 v35, v32  }
0xd6: {  	v31 =	vmul.f32 v31, v7;
	v16 =	vadd.f32 v16, v20;
	v21 =	vadd.f32 v55, v23  }
0xd7: {  	v13 =	vmul.f32 v58, v7;
	v23 =	vadd.f32 v57, v25;
	v25 =	vadd.f32 v59, v56  }
0xd8: {  	v27 =	vmul.f32 v27, v7;
	v8 =	vld.idx.msk [tilespmem:v8+s21+$0x0], $0xffff;
	v11 =	vadd.f32 v12, v11;
	v10 =	vadd.f32 v10, v18  }
0xd9: {  	v13 =	vadd.f32 v13, v25;
	v24 =	vmul.f32 v29, v7;
	v12 =	vmul.f32 v15, v7  }
0xda: {  	v15 =	vadd.f32 v31, v17;
	v17 =	vadd.f32 v27, v19;
	v19 =	vmul.f32 v22, v7  }
0xdb: {  	v18 =	vadd.f32 v24, v21;
	v12 =	vadd.f32 v12, v23  }
0xdc: {  	v11 =	vadd.f32 v19, v11;
	v15 =	vsub.f32 v9, v15  }
0xdd: {  	v7 =	vmul.f32 v8, v7;
	v18 =	vsub.f32 v9, v18;
	v8 =	vsub.f32 v10, v12  }
0xde: {  	v12 =	vsub.f32 v9, v13;
	v11 =	vsub.f32 v10, v11;
	v13 =	vmul.f32 v15, v1  }
0xdf: {  	v7 =	vadd.f32 v7, v14;
	v14 =	vmul.f32 v18, v1;
	v20 =	vmul.f32 v8, v2  }
0xe0: {  	v16 =	vsub.f32 v10, v16;
	v21 =	vmul.f32 v12, v1;
	v22 =	vmul.f32 v11, v2  }
0xe1: {  	v9 =	vsub.f32 v9, v17;
	v14 =	vmul.f32 v14, v18;
	v8 =	vmul.f32 v20, v8  }
0xe2: {  	v7 =	vsub.f32 v10, v7;
	v10 =	vmul.f32 v21, v12;
	v11 =	vmul.f32 v22, v11  }
0xe3: {  	v19 =	vmul.f32 v16, v2;
	v12 =	vmul.f32 v9, v1;
	v8 =	vadd.f32 v8, v14  }
0xe4: {  	v14 =	vmul.f32 v7, v2;
	v10 =	vadd.f32 v11, v10;
	v11 =	vmul.f32 v13, v15  }
0xe5: {  	v13 =	vmul.f32 v19, v16;
	v9 =	vmul.f32 v12, v9;
	v15 =	vshra.s32 v8, $0x1  }
0xe6: {  	v7 =	vmul.f32 v14, v7;
	v14 =	vshra.s32 v10, $0x1;
	v12 =	vadd.s32 $0x1FBD1DF5, v15  }
0xe7: {  	v11 =	vadd.f32 v13, v11;
	v13 =	vadd.s32 $0x1FBD1DF5, v14;
	(erf) = vrcp.f32 v12  }
0xe8: {  	(erf) = vrcp.f32 v13  }
0xe9: {  	v7 =	vadd.f32 v7, v9  }
0xea: {  	v9 =	vshra.s32 v11, $0x1  }
0xeb: {  	v9 =	vadd.s32 $0x1FBD1DF5, v9;
	v14 =	vshra.s32 v7, $0x1  }
0xec: {  	(erf) = vrcp.f32 v9;
	v14 =	vadd.s32 $0x1FBD1DF5, v14  }
0xed: {  	(erf) = vrcp.f32 v14;
	_ =	sdelay $0x2  }
0xee: {  	v15 =	vpop (erf)  }
0xef: {  	v15 =	vmul.f32 v15, v8;
	v16 =	vpop (erf)  }
0xf0: {  	v16 =	vmul.f32 v16, v10;
	_ =	sdelay $0x1  }
0xf1: {  	v12 =	vadd.f32 v12, v15  }
0xf2: {  	v13 =	vadd.f32 v13, v16;
	v15 =	vpop (erf)  }
0xf3: {  	v12 =	vmul.f32 $5.000000000e-01, v12;
	v15 =	vmul.f32 v15, v11;
	v16 =	vpop (erf)  }
0xf4: {  	v13 =	vmul.f32 $5.000000000e-01, v13;
	v16 =	vmul.f32 v16, v7  }
0xf5: {  	(erf) = vrcp.f32 v12;
	v9 =	vadd.f32 v9, v15  }
0xf6: {  	(erf) = vrcp.f32 v13;
	v14 =	vadd.f32 v14, v16  }
0xf7: {  	v9 =	vmul.f32 $5.000000000e-01, v9  }
0xf8: {  	v14 =	vmul.f32 $5.000000000e-01, v14  }
0xf9: {  	(erf) = vrcp.f32 v9  }
0xfa: {  	(erf) = vrcp.f32 v14;
	_ =	sdelay $0x3  }
0xfb: {  	v15 =	vpop (erf)  }
0xfc: {  	v8 =	vmul.f32 v15, v8;
	v15 =	vpop (erf)  }
0xfd: {  	v10 =	vmul.f32 v15, v10  }
0xfe: {  	v8 =	vadd.f32 v8, v12  }
0xff: {  	v10 =	vadd.f32 v10, v13;
	v12 =	vpop (erf)  }
0x100: {  	v8 =	vmul.f32 $5.000000000e-01, v8;
	v11 =	vmul.f32 v12, v11;
	v12 =	vpop (erf)  }
0x101: {  	v10 =	vmul.f32 $5.000000000e-01, v10;
	v7 =	vmul.f32 v12, v7  }
0x102: {  	v8 =	vmul.f32 $-1.000000000e+01, v8;
	v9 =	vadd.f32 v11, v9  }
0x103: {  	v10 =	vmul.f32 $-1.000000000e+01, v10;
	v7 =	vadd.f32 v7, v14  }
0x104: {  	v8 =	vmul.f32 $1.442695020e+00, v8;
	v9 =	vmul.f32 $5.000000000e-01, v9  }
0x105: {  	v10 =	vmul.f32 $1.442695020e+00, v10;
	v7 =	vmul.f32 $5.000000000e-01, v7  }
0x106: {  	(erf) = vpow2.f32 v8;
	v9 =	vmul.f32 $-1.000000000e+01, v9  }
0x107: {  	(erf) = vpow2.f32 v10  }
0x108: {  	v7 =	vmul.f32 $-1.000000000e+01, v7;
	v8 =	vmul.f32 $1.442695020e+00, v9;
	_ =	sdelay $0x1  }
0x109: {  	v7 =	vmul.f32 $1.442695020e+00, v7;
	(erf) = vpow2.f32 v8;
	_ =	sdelay $0x1  }
0x10a: {  	(erf) = vpow2.f32 v7;
	_ =	sdelay $0x3  }
0x10b: {  	v7 =	vpop (erf)  }
0x10c: {  	v8 =	vpop (erf)  }
0x10d: {  	v9 =	vadd.f32 v8, v7  }
0x10e: {  	v10 =	vpop (erf)  }
0x10f: {  	v9 =	vadd.f32 v10, v9  }
0x110: {  	v11 =	vpop (erf)  }
0x111: {  	v9 =	vadd.f32 v11, v9;
	_ =	sdelay $0x1  }
0x112: {  	(erf) = vrcp.f32 v9;
	_ =	sdelay $0x8  }
0x113: {  	v9 =	vpop (erf)  }
0x114: {  	v7 =	vmul.f32 v9, v7  }
0x115: {  	v8 =	vmul.f32 v9, v8  }
0x116: {  	v10 =	vmul.f32 v9, v10;
	[tilespmem:v3+s30+$0x0] =	vst.idx.msk $0xffff, v7  }
0x117: {  	v3 =	vmul.f32 v9, v11;
	[tilespmem:v4+s30+$0x0] =	vst.idx.msk $0xffff, v8  }
0x118: {  	[tilespmem:v6+s30+$0x0] =	vst.idx.msk $0xffff, v10  }
0x119: {  	s3 =	simm.s32 $0x0;
	[tilespmem:v5+s30+$0x0] =	vst.idx.msk $0xffff, v3  }
0x11a: {  	[hbm4b:s10+s3] =	stream.linear.scatter [tilespmem:s30], [sflag:$0x3], $0x4000, $0x38;
	[tilespmem:$0x1C180] =	vst v63  }
0x11b: {  	_ =	swait.ge [sflag:s22], $0x4000  }
0x11c: {  	[sflag:s22] =	ssyncset.done $0x0  }
0x11d: {  	[sflag:s22] =	ssyncadd.s32 $0xFFFFC000  }
0x11e: {  	[tilespmem:s3], [sflag:$0x1] =	stream.linear.gather [hbm4b:s11+s3], $0x4000, $0x38;
	[tilespmem:$0x1C180] =	vst v63  }
0x11f: {  	_ = 	snop  }
0x120: {  	[tilespmem:s23], [sflag:$0x1] =	stream.linear.gather [hbm4b:s12+s3], $0x4000, $0x38;
	[tilespmem:$0x1C180] =	vst v63  }
0x121: {  	_ = 	snop  }
0x122: {  	[tilespmem:s24], [sflag:$0x1] =	stream.linear.gather [hbm4b:s13+s3], $0x4000, $0x38;
	[tilespmem:$0x1C180] =	vst v63  }
0x123: {  	_ =	swait.ge [sflag:s31], $0x4000  }
0x124: {  	v3 =	vmov s3;
	[sflag:s31] =	ssyncset.done $0x0  }
0x125: {  	v3 =	vshll.u32 v3, $0x7;
	[sflag:s31] =	ssyncadd.s32 $0xFFFFC000  }
0x126: {  	v3 =	vor.u32 v0, v3;
	_ =	swait.ge [sflag:s31], $0x4000  }
0x127: {  	v5 =	vor.u32 $0x4, v3;
	[sflag:s31] =	ssyncset.done $0x0  }
0x128: {  	[sflag:s31] =	ssyncadd.s32 $0xFFFFC000  }
0x129: {  	_ =	swait.ge [sflag:s31], $0x4000  }
0x12a: {  	[sflag:s31] =	ssyncset.done $0x0  }
0x12b: {  	v4 =	vor.u32 $0x1, v3;
	[sflag:s31] =	ssyncadd.s32 $0xFFFFC000  }
0x12c: {  	v7 =	vld.idx.msk [tilespmem:v5+s25+$0x0], $0xffff;
	_ =	sdelay $0x1  }
0x12d: {  	v11 =	vld.idx.msk [tilespmem:v3+s28+$0x0], $0xffff;
	v5 =	vor.u32 $0x3, v3  }
0x12e: {  	v15 =	vld.idx.msk [tilespmem:v3+s26+$0x0], $0xffff  }
0x12f: {  	v6 =	vor.u32 $0x2, v3;
	v13 =	vld.idx.msk [tilespmem:v4+s26+$0x0], $0xffff  }
0x130: {  	v10 =	vld.idx.msk [tilespmem:v4+s28+$0x0], $0xffff;
	v8 =	vshll.u32 v7, $0x1  }
0x131: {  	v16 =	vld.idx.msk [tilespmem:v4+s25+$0x0], $0xffff;
	v9 =	vadd.s32 $0xBA, v8  }
0x132: {  	v12 =	vld.idx.msk [tilespmem:v5+s25+$0x0], $0xffff;
	v14 =	vadd.s32 $0x7C, v8  }
0x133: {  	v7 =	vld.idx.msk [tilespmem:v3+s25+$0x0], $0xffff;
	v17 =	vadd.s32 $0x7D, v8  }
0x134: {  	v26 =	vld.idx.msk [tilespmem:v6+s25+$0x0], $0xffff;
	v18 =	vor.u32 $0x1, v8  }
0x135: {  	v20 =	vadd.s32 $0x3E, v8;
	v19 =	vld.idx.msk [tilespmem:v8+s21+$0x0], $0xffff  }
0x136: {  	v21 =	vadd.s32 $0x3F, v8;
	v27 =	vld.idx.msk [tilespmem:v9+s21+$0x0], $0xffff  }
0x137: {  	v12 =	vshll.u32 v12, $0x1;
	v24 =	vld.idx.msk [tilespmem:v14+s21+$0x0], $0xffff  }
0x138: {  	v28 =	vshll.u32 v7, $0x1;
	v22 =	vld.idx.msk [tilespmem:v17+s21+$0x0], $0xffff  }
0x139: {  	v9 =	vadd.s32 $0xBA, v12;
	v14 =	vld.idx.msk [tilespmem:v18+s21+$0x0], $0xffff  }
0x13a: {  	v23 =	vadd.s32 $0x7C, v12;
	v20 =	vld.idx.msk [tilespmem:v20+s21+$0x0], $0xffff  }
0x13b: {  	v7 =	vor.u32 $0x1, v12;
	v17 =	vld.idx.msk [tilespmem:v21+s21+$0x0], $0xffff  }
0x13c: {  	v18 =	vadd.s32 $0xBA, v28;
	v25 =	vld.idx.msk [tilespmem:v12+s21+$0x0], $0xffff  }
0x13d: {  	v29 =	vadd.s32 $0xBB, v28;
	v33 =	vld.idx.msk [tilespmem:v28+s21+$0x0], $0xffff  }
0x13e: {  	v60 =	vadd.s32 $0x7C, v28;
	v31 =	vld.idx.msk [tilespmem:v9+s21+$0x0], $0xffff  }
0x13f: {  	v9 =	vadd.s32 $0x7D, v28;
	v30 =	vld.idx.msk [tilespmem:v23+s21+$0x0], $0xffff  }
0x140: {  	v63 =	vor.u32 $0x1, v28;
	v21 =	vld.idx.msk [tilespmem:v7+s21+$0x0], $0xffff  }
0x141: {  	v23 =	vadd.s32 $0x3E, v12;
	v61 =	vld.idx.msk [tilespmem:v18+s21+$0x0], $0xffff  }
0x142: {  	v18 =	vshll.u32 v16, $0x1;
	v62 =	vld.idx.msk [tilespmem:v29+s21+$0x0], $0xffff  }
0x143: {  	v39 =	vadd.s32 $0x3E, v28;
	v34 =	vld.idx.msk [tilespmem:v60+s21+$0x0], $0xffff  }
0x144: {  	v26 =	vshll.u32 v26, $0x1;
	v37 =	vadd.s32 $0x3F, v28;
	v35 =	vld.idx.msk [tilespmem:v9+s21+$0x0], $0xffff  }
0x145: {  	v8 =	vadd.s32 $0xBB, v8;
	v36 =	vadd.s32 $0x3F, v12;
	v7 =	vmul.f32 v10, v13;
	v32 =	vld.idx.msk [tilespmem:v63+s21+$0x0], $0xffff  }
0x146: {  	v16 =	vadd.s32 $0xBB, v12;
	v28 =	vadd.s32 $0x7D, v12;
	v12 =	vmul.f32 v10, v15;
	v23 =	vld.idx.msk [tilespmem:v23+s21+$0x0], $0xffff  }
0x147: {  	s3 =	simm.s32 $0x10;
	v38 =	vor.u32 $0x1, v18;
	v29 =	vld.idx.msk [tilespmem:v18+s21+$0x0], $0xffff;
	v9 =	vmul.f32 v61, v7;
	v10 =	vmul.f32 v62, v7  }
.LBB2_4:
0x148: {  	p0 =	sne.s32 s3, $0x70;
	v39 =	vld.idx.msk [tilespmem:v39+s21+$0x0], $0xffff;
	v40 =	vadd.s32 $0x3E, v18;
	v31 =	vmul.f32 v31, v7;
	v27 =	vmul.f32 v27, v7  }
0x149: {  	v41 =	vadd.s32 $0x3F, v18;
	v37 =	vld.idx.msk [tilespmem:v37+s21+$0x0], $0xffff;
	v34 =	vmul.f32 v34, v12;
	v35 =	vmul.f32 v35, v12  }
0x14a: {  	v15 =	vmul.f32 v11, v15;
	v43 =	vadd.s32 $0x3E, v26;
	v24 =	vmul.f32 v24, v12;
	v42 =	vld.idx.msk [tilespmem:v26+s21+$0x0], $0xffff  }
0x14b: {  	v44 =	vor.u32 $0x1, v26;
	v30 =	vmul.f32 v30, v12;
	v22 =	vmul.f32 v22, v12;
	v36 =	vld.idx.msk [tilespmem:v36+s21+$0x0], $0xffff  }
0x14c: {  	v11 =	vmul.f32 v11, v13;
	v13 =	vmul.f32 v33, v15;
	v33 =	vld.idx.msk [tilespmem:v38+s21+$0x0], $0xffff;
	v38 =	vadd.s32 $0x3F, v26  }
0x14d: {  	v45 =	vadd.s32 $0xBA, v26;
	v25 =	vmul.f32 v25, v15;
	v19 =	vmul.f32 v19, v15;
	v40 =	vld.idx.msk [tilespmem:v40+s21+$0x0], $0xffff  }
0x14e: {  	v46 =	vadd.s32 $0x7C, v18;
	v32 =	vmul.f32 v32, v15;
	v39 =	vmul.f32 v39, v11;
	v41 =	vld.idx.msk [tilespmem:v41+s21+$0x0], $0xffff  }
0x14f: {  	v47 =	vadd.s32 $0x7D, v18;
	v29 =	vmul.f32 v29, v15;
	v37 =	vmul.f32 v37, v11;
	v43 =	vld.idx.msk [tilespmem:v43+s21+$0x0], $0xffff  }
0x150: {  	v48 =	vadd.s32 $0x7C, v26;
	v20 =	vmul.f32 v20, v11;
	v42 =	vmul.f32 v42, v15;
	v44 =	vld.idx.msk [tilespmem:v44+s21+$0x0], $0xffff  }
0x151: {  	v49 =	vadd.s32 $0x7D, v26;
	v14 =	vmul.f32 v14, v15;
	v17 =	vmul.f32 v17, v11;
	v38 =	vld.idx.msk [tilespmem:v38+s21+$0x0], $0xffff  }
0x152: {  	v23 =	vmul.f32 v23, v11;
	v21 =	vmul.f32 v21, v15;
	v26 =	vadd.s32 $0xBB, v26;
	v28 =	vld.idx.msk [tilespmem:v28+s21+$0x0], $0xffff  }
0x153: {  	v50 =	vadd.s32 $0xBA, v18;
	v36 =	vmul.f32 v36, v11;
	v40 =	vmul.f32 v40, v11;
	v46 =	vld.idx.msk [tilespmem:v46+s21+$0x0], $0xffff  }
0x154: {  	v18 =	vadd.s32 $0xBB, v18;
	v33 =	vmul.f32 v33, v15;
	v41 =	vmul.f32 v41, v11;
	v47 =	vld.idx.msk [tilespmem:v47+s21+$0x0], $0xffff  }
0x155: {  	v13 =	vadd.f32 v39, v13;
	v32 =	vadd.f32 v37, v32;
	v39 =	vmul.f32 v43, v11;
	v37 =	vld.idx.msk [tilespmem:v48+s21+$0x0], $0xffff  }
0x156: {  	v19 =	vadd.f32 v20, v19;
	v14 =	vadd.f32 v17, v14;
	v15 =	vmul.f32 v44, v15;
	v43 =	vld.idx.msk [tilespmem:v49+s21+$0x0], $0xffff  }
0x157: {  	v17 =	vadd.f32 v23, v25;
	v20 =	vadd.f32 v36, v21;
	v11 =	vmul.f32 v38, v11;
	v16 =	vld.idx.msk [tilespmem:v16+s21+$0x0], $0xffff  }
0x158: {  	v23 =	vadd.f32 v40, v29;
	v25 =	vadd.f32 v41, v33;
	v28 =	vmul.f32 v28, v12;
	v21 =	vld.idx.msk [tilespmem:v50+s21+$0x0], $0xffff  }
0x159: {  	v33 =	vadd.f32 v39, v42;
	v29 =	vmul.f32 v46, v12;
	v11 =	vadd.f32 v11, v15;
	v18 =	vld.idx.msk [tilespmem:v18+s21+$0x0], $0xffff  }
0x15a: {  	v13 =	vadd.f32 v34, v13;
	v15 =	vadd.f32 v35, v32;
	v32 =	vmul.f32 v47, v12;
	v34 =	vld.idx.msk [tilespmem:v45+s21+$0x0], $0xffff  }
0x15b: {  	v19 =	vadd.f32 v24, v19;
	v14 =	vadd.f32 v22, v14;
	v35 =	vmul.f32 v37, v12;
	v26 =	vld.idx.msk [tilespmem:v26+s21+$0x0], $0xffff  }
0x15c: {  	v17 =	vadd.f32 v30, v17;
	v20 =	vadd.f32 v28, v20;
	v12 =	vmul.f32 v43, v12  }
0x15d: {  	v22 =	vadd.f32 v29, v23;
	v23 =	vadd.f32 v32, v25;
	v16 =	vmul.f32 v16, v7  }
0x15e: {  	v24 =	vadd.f32 v35, v33;
	v21 =	vmul.f32 v21, v7;
	v11 =	vadd.f32 v12, v11  }
0x15f: {  	v9 =	vadd.f32 v9, v13;
	v10 =	vadd.f32 v10, v15;
	v12 =	vmul.f32 v18, v7;
	v8 =	vld.idx.msk [tilespmem:v8+s21+$0x0], $0xffff  }
0x160: {  	v15 =	vadd.f32 v31, v17;
	v17 =	vadd.f32 v27, v19;
	v13 =	vmul.f32 v34, v7  }
0x161: {  	v16 =	vadd.f32 v16, v20;
	v18 =	vadd.f32 v21, v22;
	v19 =	vmul.f32 v26, v7  }
0x162: {  	v12 =	vadd.f32 v12, v23;
	v13 =	vadd.f32 v13, v24  }
0x163: {  	v15 =	vsub.f32 v9, v15;
	v11 =	vadd.f32 v19, v11  }
0x164: {  	v16 =	vsub.f32 v10, v16;
	v18 =	vsub.f32 v9, v18  }
0x165: {  	v7 =	vmul.f32 v8, v7;
	v8 =	vsub.f32 v10, v12;
	v12 =	vsub.f32 v9, v13  }
0x166: {  	v19 =	vmul.f32 v16, v2;
	v11 =	vsub.f32 v10, v11;
	v13 =	vmul.f32 v15, v1  }
0x167: {  	v7 =	vadd.f32 v7, v14;
	v14 =	vmul.f32 v18, v1;
	v20 =	vmul.f32 v8, v2  }
0x168: {  	v9 =	vsub.f32 v9, v17;
	v21 =	vmul.f32 v12, v1;
	v22 =	vmul.f32 v11, v2  }
0x169: {  	v14 =	vmul.f32 v14, v18;
	v8 =	vmul.f32 v20, v8;
	v7 =	vsub.f32 v10, v7  }
0x16a: {  	v10 =	vmul.f32 v21, v12;
	v11 =	vmul.f32 v22, v11  }
0x16b: {  	v12 =	vmul.f32 v9, v1;
	v8 =	vadd.f32 v8, v14;
	v14 =	vmul.f32 v7, v2  }
0x16c: {  	v10 =	vadd.f32 v11, v10;
	v11 =	vmul.f32 v13, v15;
	v13 =	vmul.f32 v19, v16  }
0x16d: {  	v9 =	vmul.f32 v12, v9;
	v15 =	vshra.s32 v8, $0x1;
	v7 =	vmul.f32 v14, v7  }
0x16e: {  	v14 =	vshra.s32 v10, $0x1;
	v11 =	vadd.f32 v13, v11;
	v12 =	vadd.s32 $0x1FBD1DF5, v15  }
0x16f: {  	v13 =	vadd.s32 $0x1FBD1DF5, v14;
	v7 =	vadd.f32 v7, v9;
	(erf) = vrcp.f32 v12  }
0x170: {  	v9 =	vshra.s32 v11, $0x1;
	(erf) = vrcp.f32 v13  }
0x171: {  	v9 =	vadd.s32 $0x1FBD1DF5, v9;
	v14 =	vshra.s32 v7, $0x1  }
0x172: {  	v14 =	vadd.s32 $0x1FBD1DF5, v14;
	(erf) = vrcp.f32 v9  }
0x173: {  	(erf) = vrcp.f32 v14;
	_ =	sdelay $0x4  }
0x174: {  	v15 =	vpop (erf)  }
0x175: {  	v17 =	vmul.f32 v15, v8;
	v16 =	vpop (erf)  }
0x176: {  	v18 =	vmul.f32 v16, v10  }
0x177: {  	v12 =	vadd.f32 v12, v17;
	v15 =	vpop (erf)  }
0x178: {  	v13 =	vadd.f32 v13, v18;
	v15 =	vmul.f32 v15, v11;
	v16 =	vpop (erf)  }
0x179: {  	v12 =	vmul.f32 $5.000000000e-01, v12;
	v16 =	vmul.f32 v16, v7  }
0x17a: {  	v13 =	vmul.f32 $5.000000000e-01, v13;
	v9 =	vadd.f32 v9, v15  }
0x17b: {  	v14 =	vadd.f32 v14, v16;
	(erf) = vrcp.f32 v12  }
0x17c: {  	v9 =	vmul.f32 $5.000000000e-01, v9;
	(erf) = vrcp.f32 v13  }
0x17d: {  	v14 =	vmul.f32 $5.000000000e-01, v14  }
0x17e: {  	(erf) = vrcp.f32 v9  }
0x17f: {  	(erf) = vrcp.f32 v14;
	_ =	sdelay $0x4  }
0x180: {  	v15 =	vpop (erf)  }
0x181: {  	v8 =	vmul.f32 v15, v8;
	v15 =	vpop (erf)  }
0x182: {  	v10 =	vmul.f32 v15, v10  }
0x183: {  	v8 =	vadd.f32 v8, v12;
	v12 =	vpop (erf)  }
0x184: {  	v10 =	vadd.f32 v10, v13;
	v11 =	vmul.f32 v12, v11;
	v12 =	vpop (erf)  }
0x185: {  	v8 =	vmul.f32 $5.000000000e-01, v8;
	v7 =	vmul.f32 v12, v7  }
0x186: {  	v10 =	vmul.f32 $5.000000000e-01, v10;
	v9 =	vadd.f32 v11, v9  }
0x187: {  	v8 =	vmul.f32 $-1.000000000e+01, v8;
	v7 =	vadd.f32 v7, v14  }
0x188: {  	v10 =	vmul.f32 $-1.000000000e+01, v10;
	v9 =	vmul.f32 $5.000000000e-01, v9  }
0x189: {  	v8 =	vmul.f32 $1.442695020e+00, v8;
	v7 =	vmul.f32 $5.000000000e-01, v7  }
0x18a: {  	v10 =	vmul.f32 $1.442695020e+00, v10;
	v9 =	vmul.f32 $-1.000000000e+01, v9  }
0x18b: {  	v7 =	vmul.f32 $-1.000000000e+01, v7;
	(erf) = vpow2.f32 v8  }
0x18c: {  	v8 =	vmul.f32 $1.442695020e+00, v9;
	(erf) = vpow2.f32 v10;
	_ =	sdelay $0x1  }
0x18d: {  	v7 =	vmul.f32 $1.442695020e+00, v7;
	(erf) = vpow2.f32 v8;
	_ =	sdelay $0x1  }
0x18e: {  	(erf) = vpow2.f32 v7;
	_ =	sdelay $0x3  }
0x18f: {  	v7 =	vpop (erf)  }
0x190: {  	v8 =	vpop (erf)  }
0x191: {  	v9 =	vadd.f32 v8, v7  }
0x192: {  	v10 =	vpop (erf)  }
0x193: {  	v9 =	vadd.f32 v10, v9  }
0x194: {  	v11 =	vpop (erf)  }
0x195: {  	v9 =	vadd.f32 v11, v9;
	_ =	sdelay $0x1  }
0x196: {  	(erf) = vrcp.f32 v9;
	_ =	sdelay $0x8  }
0x197: {  	v9 =	vmov s3;
	v12 =	vpop (erf)  }
0x198: {  	v9 =	vshll.u32 v9, $0x7;
	v7 =	vmul.f32 v12, v7;
	v11 =	vmul.f32 v12, v11  }
0x199: {  	v9 =	vor.u32 v0, v9;
	v8 =	vmul.f32 v12, v8;
	v10 =	vmul.f32 v12, v10  }
0x19a: {  	[tilespmem:v3+s30+$0x0] =	vst.idx.msk $0xffff, v7;
	v3 =	vmov v9  }
0x19b: {  	[tilespmem:v4+s30+$0x0] =	vst.idx.msk $0xffff, v8;
	v4 =	vor.u32 $0x1, v3  }
0x19c: {  	[tilespmem:v6+s30+$0x0] =	vst.idx.msk $0xffff, v10  }
0x19d: {  	[tilespmem:v5+s30+$0x0] =	vst.idx.msk $0xffff, v11  }
0x19e: {  	v7 =	vor.u32 $0x4, v3;
	v11 =	vld.idx.msk [tilespmem:v9+s28+$0x0], $0xffff  }
0x19f: {  	v15 =	vld.idx.msk [tilespmem:v9+s26+$0x0], $0xffff  }
0x1a0: {  	v6 =	vor.u32 $0x2, v3;
	v13 =	vld.idx.msk [tilespmem:v4+s26+$0x0], $0xffff  }
0x1a1: {  	v5 =	vor.u32 $0x3, v3;
	v10 =	vld.idx.msk [tilespmem:v4+s28+$0x0], $0xffff  }
0x1a2: {  	v8 =	vld.idx.msk [tilespmem:v9+s25+$0x0], $0xffff  }
0x1a3: {  	v7 =	vld.idx.msk [tilespmem:v7+s25+$0x0], $0xffff  }
0x1a4: {  	v9 =	vld.idx.msk [tilespmem:v4+s25+$0x0], $0xffff  }
0x1a5: {  	v12 =	vld.idx.msk [tilespmem:v6+s25+$0x0], $0xffff  }
0x1a6: {  	v14 =	vld.idx.msk [tilespmem:v5+s25+$0x0], $0xffff;
	_ =	sdelay $0x2  }
0x1a7: {  	v28 =	vshll.u32 v7, $0x1  }
0x1a8: {  	v7 =	vadd.s32 $0xBA, v28  }
0x1a9: {  	v16 =	vadd.s32 $0x7C, v28  }
0x1aa: {  	v17 =	vadd.s32 $0x7D, v28  }
0x1ab: {  	v18 =	vor.u32 $0x1, v28  }
0x1ac: {  	v20 =	vadd.s32 $0x3E, v28;
	v19 =	vld.idx.msk [tilespmem:v28+s21+$0x0], $0xffff  }
0x1ad: {  	v21 =	vadd.s32 $0x3F, v28;
	v27 =	vld.idx.msk [tilespmem:v7+s21+$0x0], $0xffff  }
0x1ae: {  	v32 =	vshll.u32 v14, $0x1;
	v24 =	vld.idx.msk [tilespmem:v16+s21+$0x0], $0xffff  }
0x1af: {  	v7 =	vadd.s32 $0xBA, v32;
	v22 =	vld.idx.msk [tilespmem:v17+s21+$0x0], $0xffff  }
0x1b0: {  	v16 =	vadd.s32 $0x7C, v32;
	v14 =	vld.idx.msk [tilespmem:v18+s21+$0x0], $0xffff  }
0x1b1: {  	v33 =	vshll.u32 v8, $0x1;
	v8 =	vor.u32 $0x1, v32;
	v20 =	vld.idx.msk [tilespmem:v20+s21+$0x0], $0xffff  }
0x1b2: {  	v18 =	vadd.s32 $0xBA, v33;
	v17 =	vld.idx.msk [tilespmem:v21+s21+$0x0], $0xffff  }
0x1b3: {  	v23 =	vadd.s32 $0xBB, v33;
	v25 =	vld.idx.msk [tilespmem:v32+s21+$0x0], $0xffff  }
0x1b4: {  	v26 =	vadd.s32 $0x7C, v33;
	v31 =	vld.idx.msk [tilespmem:v7+s21+$0x0], $0xffff  }
0x1b5: {  	v7 =	vadd.s32 $0x7D, v33;
	v30 =	vld.idx.msk [tilespmem:v16+s21+$0x0], $0xffff  }
0x1b6: {  	v21 =	vld.idx.msk [tilespmem:v8+s21+$0x0], $0xffff;
	v8 =	vadd.s32 $0x3E, v32  }
0x1b7: {  	v36 =	vld.idx.msk [tilespmem:v18+s21+$0x0], $0xffff;
	v18 =	vshll.u32 v9, $0x1  }
0x1b8: {  	v38 =	vld.idx.msk [tilespmem:v23+s21+$0x0], $0xffff  }
0x1b9: {  	v40 =	vor.u32 $0x1, v33;
	v34 =	vld.idx.msk [tilespmem:v26+s21+$0x0], $0xffff  }
.Ltmp1:
0x1ba: {  	v39 =	vadd.s32 $0x3E, v33;
	v35 =	vld.idx.msk [tilespmem:v7+s21+$0x0], $0xffff;
	(pc) =	sbr.rel @p0 .LBB2_4-.Ltmp1, $4  }
0x1bb: {  	v37 =	vadd.s32 $0x3F, v33;
	v7 =	vmul.f32 v10, v13;
	v23 =	vld.idx.msk [tilespmem:v8+s21+$0x0], $0xffff  }
0x1bc: {  	v16 =	vadd.s32 $0xBB, v32;
	v26 =	vshll.u32 v12, $0x1;
	v8 =	vadd.s32 $0xBB, v28;
	v29 =	vld.idx.msk [tilespmem:v18+s21+$0x0], $0xffff  }
0x1bd: {  	v28 =	vadd.s32 $0x7D, v32;
	v9 =	vmul.f32 v36, v7;
	v36 =	vadd.s32 $0x3F, v32;
	v33 =	vld.idx.msk [tilespmem:v33+s21+$0x0], $0xffff  }
0x1be: {  	s3 =	sadd.s32 $0x10, s3;
	v12 =	vmul.f32 v10, v15;
	v10 =	vmul.f32 v38, v7;
	v38 =	vor.u32 $0x1, v18;
	v32 =	vld.idx.msk [tilespmem:v40+s21+$0x0], $0xffff  }
0x1bf: {  	_ =	sdelay $0x3  }
0x1c0: {  	v39 =	vld.idx.msk [tilespmem:v39+s21+$0x0], $0xffff  }
0x1c1: {  	v40 =	vadd.s32 $0x3E, v18;
	v41 =	vadd.s32 $0x3F, v18;
	v37 =	vld.idx.msk [tilespmem:v37+s21+$0x0], $0xffff  }
0x1c2: {  	v15 =	vmul.f32 v11, v15;
	v42 =	vadd.s32 $0x3E, v26;
	v43 =	vld.idx.msk [tilespmem:v26+s21+$0x0], $0xffff;
	v44 =	vor.u32 $0x1, v26  }
0x1c3: {  	v36 =	vld.idx.msk [tilespmem:v36+s21+$0x0], $0xffff;
	v11 =	vmul.f32 v11, v13;
	v52 =	vadd.s32 $0x3F, v26;
	v45 =	vadd.s32 $0xBA, v26  }
0x1c4: {  	v38 =	vld.idx.msk [tilespmem:v38+s21+$0x0], $0xffff;
	v46 =	vadd.s32 $0x7C, v18;
	v34 =	vmul.f32 v34, v12;
	v35 =	vmul.f32 v35, v12  }
0x1c5: {  	v47 =	vadd.s32 $0x7D, v18;
	v28 =	vld.idx.msk [tilespmem:v28+s21+$0x0], $0xffff;
	v24 =	vmul.f32 v24, v12;
	v30 =	vmul.f32 v30, v12  }
0x1c6: {  	v48 =	vadd.s32 $0x7C, v26;
	v22 =	vmul.f32 v22, v12;
	v25 =	vmul.f32 v25, v15;
	v40 =	vld.idx.msk [tilespmem:v40+s21+$0x0], $0xffff  }
0x1c7: {  	v49 =	vadd.s32 $0x7D, v26;
	v19 =	vmul.f32 v19, v15;
	v29 =	vmul.f32 v29, v15;
	v41 =	vld.idx.msk [tilespmem:v41+s21+$0x0], $0xffff  }
0x1c8: {  	v26 =	vadd.s32 $0xBB, v26;
	v20 =	vmul.f32 v20, v11;
	v14 =	vmul.f32 v14, v15;
	v42 =	vld.idx.msk [tilespmem:v42+s21+$0x0], $0xffff  }
0x1c9: {  	v50 =	vadd.s32 $0xBA, v18;
	v17 =	vmul.f32 v17, v11;
	v23 =	vmul.f32 v23, v11;
	v44 =	vld.idx.msk [tilespmem:v44+s21+$0x0], $0xffff  }
0x1ca: {  	v18 =	vadd.s32 $0xBB, v18;
	v21 =	vmul.f32 v21, v15;
	v13 =	vmul.f32 v33, v15;
	v33 =	vld.idx.msk [tilespmem:v52+s21+$0x0], $0xffff  }
0x1cb: {  	v32 =	vmul.f32 v32, v15;
	v19 =	vadd.f32 v20, v19;
	v39 =	vmul.f32 v39, v11;
	v46 =	vld.idx.msk [tilespmem:v46+s21+$0x0], $0xffff  }
0x1cc: {  	v14 =	vadd.f32 v17, v14;
	v37 =	vmul.f32 v37, v11;
	v43 =	vmul.f32 v43, v15;
	v47 =	vld.idx.msk [tilespmem:v47+s21+$0x0], $0xffff  }
0x1cd: {  	v20 =	vadd.f32 v23, v25;
	v36 =	vmul.f32 v36, v11;
	v38 =	vmul.f32 v38, v15;
	v54 =	vld.idx.msk [tilespmem:v48+s21+$0x0], $0xffff  }
0x1ce: {  	v17 =	vld.idx.msk [tilespmem:v49+s21+$0x0], $0xffff;
	v28 =	vmul.f32 v28, v12;
	v19 =	vadd.f32 v24, v19;
	v14 =	vadd.f32 v22, v14  }
0x1cf: {  	v13 =	vadd.f32 v39, v13;
	v40 =	vmul.f32 v40, v11;
	v41 =	vmul.f32 v41, v11  }
0x1d0: {  	v16 =	vld.idx.msk [tilespmem:v16+s21+$0x0], $0xffff;
	v32 =	vadd.f32 v37, v32;
	v53 =	vmul.f32 v42, v11;
	v15 =	vmul.f32 v44, v15  }
0x1d1: {  	v21 =	vadd.f32 v36, v21;
	v11 =	vmul.f32 v33, v11;
	v55 =	vmul.f32 v46, v12  }
0x1d2: {  	v13 =	vadd.f32 v34, v13;
	v57 =	vmul.f32 v47, v12;
	v59 =	vmul.f32 v54, v12  }
0x1d3: {  	v58 =	vld.idx.msk [tilespmem:v45+s21+$0x0], $0xffff;
	v12 =	vmul.f32 v17, v12;
	v17 =	vadd.f32 v30, v20;
	v20 =	vadd.f32 v28, v21  }
0x1d4: {  	v9 =	vadd.f32 v9, v13;
	v23 =	vadd.f32 v40, v29;
	v29 =	vld.idx.msk [tilespmem:v50+s21+$0x0], $0xffff  }
0x1d5: {  	v16 =	vmul.f32 v16, v7;
	v25 =	vadd.f32 v41, v38;
	v11 =	vadd.f32 v11, v15;
	v15 =	vld.idx.msk [tilespmem:v18+s21+$0x0], $0xffff  }
0x1d6: {  	v22 =	vld.idx.msk [tilespmem:v26+s21+$0x0], $0xffff;
	v56 =	vadd.f32 v53, v43;
	v18 =	vadd.f32 v35, v32  }
0x1d7: {  	v31 =	vmul.f32 v31, v7;
	v16 =	vadd.f32 v16, v20;
	v21 =	vadd.f32 v55, v23  }
0x1d8: {  	v13 =	vmul.f32 v58, v7;
	v23 =	vadd.f32 v57, v25;
	v25 =	vadd.f32 v59, v56  }
0x1d9: {  	v27 =	vmul.f32 v27, v7;
	v8 =	vld.idx.msk [tilespmem:v8+s21+$0x0], $0xffff;
	v11 =	vadd.f32 v12, v11;
	v10 =	vadd.f32 v10, v18  }
0x1da: {  	v13 =	vadd.f32 v13, v25;
	v24 =	vmul.f32 v29, v7;
	v12 =	vmul.f32 v15, v7  }
0x1db: {  	v15 =	vadd.f32 v31, v17;
	v17 =	vadd.f32 v27, v19;
	v19 =	vmul.f32 v22, v7  }
0x1dc: {  	v18 =	vadd.f32 v24, v21;
	v12 =	vadd.f32 v12, v23  }
0x1dd: {  	v11 =	vadd.f32 v19, v11;
	v15 =	vsub.f32 v9, v15  }
0x1de: {  	v7 =	vmul.f32 v8, v7;
	v18 =	vsub.f32 v9, v18;
	v8 =	vsub.f32 v10, v12  }
0x1df: {  	v12 =	vsub.f32 v9, v13;
	v11 =	vsub.f32 v10, v11;
	v13 =	vmul.f32 v15, v1  }
0x1e0: {  	v7 =	vadd.f32 v7, v14;
	v14 =	vmul.f32 v18, v1;
	v20 =	vmul.f32 v8, v2  }
0x1e1: {  	v16 =	vsub.f32 v10, v16;
	v21 =	vmul.f32 v12, v1;
	v22 =	vmul.f32 v11, v2  }
0x1e2: {  	v9 =	vsub.f32 v9, v17;
	v14 =	vmul.f32 v14, v18;
	v8 =	vmul.f32 v20, v8  }
0x1e3: {  	v7 =	vsub.f32 v10, v7;
	v10 =	vmul.f32 v21, v12;
	v11 =	vmul.f32 v22, v11  }
0x1e4: {  	v19 =	vmul.f32 v16, v2;
	v12 =	vmul.f32 v9, v1;
	v8 =	vadd.f32 v8, v14  }
0x1e5: {  	v14 =	vmul.f32 v7, v2;
	v10 =	vadd.f32 v11, v10;
	v11 =	vmul.f32 v13, v15  }
0x1e6: {  	v13 =	vmul.f32 v19, v16;
	v9 =	vmul.f32 v12, v9;
	v15 =	vshra.s32 v8, $0x1  }
0x1e7: {  	v7 =	vmul.f32 v14, v7;
	v14 =	vshra.s32 v10, $0x1;
	v12 =	vadd.s32 $0x1FBD1DF5, v15  }
0x1e8: {  	v11 =	vadd.f32 v13, v11;
	v13 =	vadd.s32 $0x1FBD1DF5, v14;
	(erf) = vrcp.f32 v12  }
0x1e9: {  	(erf) = vrcp.f32 v13  }
0x1ea: {  	v7 =	vadd.f32 v7, v9  }
0x1eb: {  	v9 =	vshra.s32 v11, $0x1  }
0x1ec: {  	v9 =	vadd.s32 $0x1FBD1DF5, v9;
	v14 =	vshra.s32 v7, $0x1  }
0x1ed: {  	(erf) = vrcp.f32 v9;
	v14 =	vadd.s32 $0x1FBD1DF5, v14  }
0x1ee: {  	(erf) = vrcp.f32 v14;
	_ =	sdelay $0x2  }
0x1ef: {  	v15 =	vpop (erf)  }
0x1f0: {  	v15 =	vmul.f32 v15, v8;
	v16 =	vpop (erf)  }
0x1f1: {  	v16 =	vmul.f32 v16, v10;
	_ =	sdelay $0x1  }
0x1f2: {  	v12 =	vadd.f32 v12, v15  }
0x1f3: {  	v13 =	vadd.f32 v13, v16;
	v15 =	vpop (erf)  }
0x1f4: {  	v12 =	vmul.f32 $5.000000000e-01, v12;
	v15 =	vmul.f32 v15, v11;
	v16 =	vpop (erf)  }
0x1f5: {  	v13 =	vmul.f32 $5.000000000e-01, v13;
	v16 =	vmul.f32 v16, v7  }
0x1f6: {  	(erf) = vrcp.f32 v12;
	v9 =	vadd.f32 v9, v15  }
0x1f7: {  	(erf) = vrcp.f32 v13;
	v14 =	vadd.f32 v14, v16  }
0x1f8: {  	v9 =	vmul.f32 $5.000000000e-01, v9  }
0x1f9: {  	v14 =	vmul.f32 $5.000000000e-01, v14  }
0x1fa: {  	(erf) = vrcp.f32 v9  }
0x1fb: {  	(erf) = vrcp.f32 v14;
	_ =	sdelay $0x3  }
0x1fc: {  	v15 =	vpop (erf)  }
0x1fd: {  	v8 =	vmul.f32 v15, v8;
	v15 =	vpop (erf)  }
0x1fe: {  	v10 =	vmul.f32 v15, v10  }
0x1ff: {  	v8 =	vadd.f32 v8, v12  }
0x200: {  	v10 =	vadd.f32 v10, v13;
	v12 =	vpop (erf)  }
0x201: {  	v8 =	vmul.f32 $5.000000000e-01, v8;
	v11 =	vmul.f32 v12, v11;
	v12 =	vpop (erf)  }
0x202: {  	v10 =	vmul.f32 $5.000000000e-01, v10;
	v7 =	vmul.f32 v12, v7  }
0x203: {  	v8 =	vmul.f32 $-1.000000000e+01, v8;
	v9 =	vadd.f32 v11, v9  }
0x204: {  	v10 =	vmul.f32 $-1.000000000e+01, v10;
	v7 =	vadd.f32 v7, v14  }
0x205: {  	v8 =	vmul.f32 $1.442695020e+00, v8;
	v9 =	vmul.f32 $5.000000000e-01, v9  }
0x206: {  	v10 =	vmul.f32 $1.442695020e+00, v10;
	v7 =	vmul.f32 $5.000000000e-01, v7  }
0x207: {  	(erf) = vpow2.f32 v8;
	v9 =	vmul.f32 $-1.000000000e+01, v9  }
0x208: {  	(erf) = vpow2.f32 v10  }
0x209: {  	v7 =	vmul.f32 $-1.000000000e+01, v7;
	v8 =	vmul.f32 $1.442695020e+00, v9;
	_ =	sdelay $0x1  }
0x20a: {  	v7 =	vmul.f32 $1.442695020e+00, v7;
	(erf) = vpow2.f32 v8;
	_ =	sdelay $0x1  }
0x20b: {  	(erf) = vpow2.f32 v7;
	_ =	sdelay $0x3  }
0x20c: {  	v7 =	vpop (erf)  }
0x20d: {  	v8 =	vpop (erf)  }
0x20e: {  	v9 =	vadd.f32 v8, v7  }
0x20f: {  	v10 =	vpop (erf)  }
0x210: {  	v9 =	vadd.f32 v10, v9  }
0x211: {  	v11 =	vpop (erf)  }
0x212: {  	v9 =	vadd.f32 v11, v9;
	_ =	sdelay $0x1  }
0x213: {  	(erf) = vrcp.f32 v9;
	_ =	sdelay $0x8  }
0x214: {  	v9 =	vpop (erf)  }
0x215: {  	v7 =	vmul.f32 v9, v7  }
0x216: {  	v8 =	vmul.f32 v9, v8  }
0x217: {  	v10 =	vmul.f32 v9, v10;
	[tilespmem:v3+s30+$0x0] =	vst.idx.msk $0xffff, v7  }
0x218: {  	v3 =	vmul.f32 v9, v11;
	[tilespmem:v4+s30+$0x0] =	vst.idx.msk $0xffff, v8  }
0x219: {  	[tilespmem:v6+s30+$0x0] =	vst.idx.msk $0xffff, v10  }
0x21a: {  	s3 =	simm.s32 $0x0;
	[tilespmem:v5+s30+$0x0] =	vst.idx.msk $0xffff, v3  }
0x21b: {  	[hbm4b:s14+s3] =	stream.linear.scatter [tilespmem:s30], [sflag:$0x3], $0x4000, $0x38;
	[tilespmem:$0x1C180] =	vst v63  }
0x21c: {  	_ =	swait.ge [sflag:s22], $0x4000  }
0x21d: {  	[sflag:s22] =	ssyncset.done $0x0  }
0x21e: {  	[sflag:s22] =	ssyncadd.s32 $0xFFFFC000  }
0x21f: {  	[tilespmem:s25], [sflag:$0x2] =	stream.linear.gather [hbm4b:s15+s3], $0x4000, $0x38;
	[tilespmem:$0x1C180] =	vst v63  }
0x220: {  	_ = 	snop  }
0x221: {  	[tilespmem:s26], [sflag:$0x2] =	stream.linear.gather [hbm4b:s16+s3], $0x4000, $0x38;
	[tilespmem:$0x1C180] =	vst v63  }
0x222: {  	_ = 	snop  }
0x223: {  	[tilespmem:s28], [sflag:$0x2] =	stream.linear.gather [hbm4b:s17+s3], $0x4000, $0x38;
	[tilespmem:$0x1C180] =	vst v63  }
0x224: {  	_ =	swait.ge [sflag:s29], $0x4000  }
0x225: {  	v3 =	vmov s3;
	[sflag:s29] =	ssyncset.done $0x0  }
0x226: {  	v3 =	vshll.u32 v3, $0x7;
	[sflag:s29] =	ssyncadd.s32 $0xFFFFC000  }
0x227: {  	v3 =	vor.u32 v0, v3;
	_ =	swait.ge [sflag:s29], $0x4000  }
0x228: {  	v5 =	vor.u32 $0x4, v3;
	[sflag:s29] =	ssyncset.done $0x0  }
0x229: {  	[sflag:s29] =	ssyncadd.s32 $0xFFFFC000  }
0x22a: {  	_ =	swait.ge [sflag:s29], $0x4000  }
0x22b: {  	[sflag:s29] =	ssyncset.done $0x0  }
0x22c: {  	v4 =	vor.u32 $0x1, v3;
	[sflag:s29] =	ssyncadd.s32 $0xFFFFC000  }
0x22d: {  	v7 =	vld.idx.msk [tilespmem:v5+s2+$0x0], $0xffff;
	_ =	sdelay $0x1  }
0x22e: {  	v11 =	vld.idx.msk [tilespmem:v3+s24+$0x0], $0xffff;
	v5 =	vor.u32 $0x3, v3  }
0x22f: {  	v15 =	vld.idx.msk [tilespmem:v3+s23+$0x0], $0xffff  }
0x230: {  	v6 =	vor.u32 $0x2, v3;
	v13 =	vld.idx.msk [tilespmem:v4+s23+$0x0], $0xffff  }
0x231: {  	v10 =	vld.idx.msk [tilespmem:v4+s24+$0x0], $0xffff;
	v8 =	vshll.u32 v7, $0x1  }
0x232: {  	v16 =	vld.idx.msk [tilespmem:v4+s2+$0x0], $0xffff;
	v9 =	vadd.s32 $0xBA, v8  }
0x233: {  	v12 =	vld.idx.msk [tilespmem:v5+s2+$0x0], $0xffff;
	v14 =	vadd.s32 $0x7C, v8  }
0x234: {  	v7 =	vld.idx.msk [tilespmem:v3+s2+$0x0], $0xffff;
	v17 =	vadd.s32 $0x7D, v8  }
0x235: {  	v26 =	vld.idx.msk [tilespmem:v6+s2+$0x0], $0xffff;
	v18 =	vor.u32 $0x1, v8  }
0x236: {  	v20 =	vadd.s32 $0x3E, v8;
	v19 =	vld.idx.msk [tilespmem:v8+s21+$0x0], $0xffff  }
0x237: {  	v21 =	vadd.s32 $0x3F, v8;
	v27 =	vld.idx.msk [tilespmem:v9+s21+$0x0], $0xffff  }
0x238: {  	v12 =	vshll.u32 v12, $0x1;
	v24 =	vld.idx.msk [tilespmem:v14+s21+$0x0], $0xffff  }
0x239: {  	v28 =	vshll.u32 v7, $0x1;
	v22 =	vld.idx.msk [tilespmem:v17+s21+$0x0], $0xffff  }
0x23a: {  	v9 =	vadd.s32 $0xBA, v12;
	v14 =	vld.idx.msk [tilespmem:v18+s21+$0x0], $0xffff  }
0x23b: {  	v23 =	vadd.s32 $0x7C, v12;
	v20 =	vld.idx.msk [tilespmem:v20+s21+$0x0], $0xffff  }
0x23c: {  	v7 =	vor.u32 $0x1, v12;
	v17 =	vld.idx.msk [tilespmem:v21+s21+$0x0], $0xffff  }
0x23d: {  	v18 =	vadd.s32 $0xBA, v28;
	v25 =	vld.idx.msk [tilespmem:v12+s21+$0x0], $0xffff  }
0x23e: {  	v29 =	vadd.s32 $0xBB, v28;
	v33 =	vld.idx.msk [tilespmem:v28+s21+$0x0], $0xffff  }
0x23f: {  	v60 =	vadd.s32 $0x7C, v28;
	v31 =	vld.idx.msk [tilespmem:v9+s21+$0x0], $0xffff  }
0x240: {  	v9 =	vadd.s32 $0x7D, v28;
	v30 =	vld.idx.msk [tilespmem:v23+s21+$0x0], $0xffff  }
0x241: {  	v63 =	vor.u32 $0x1, v28;
	v21 =	vld.idx.msk [tilespmem:v7+s21+$0x0], $0xffff  }
0x242: {  	v23 =	vadd.s32 $0x3E, v12;
	v61 =	vld.idx.msk [tilespmem:v18+s21+$0x0], $0xffff  }
0x243: {  	v18 =	vshll.u32 v16, $0x1;
	v62 =	vld.idx.msk [tilespmem:v29+s21+$0x0], $0xffff  }
0x244: {  	v39 =	vadd.s32 $0x3E, v28;
	v34 =	vld.idx.msk [tilespmem:v60+s21+$0x0], $0xffff  }
0x245: {  	v26 =	vshll.u32 v26, $0x1;
	v37 =	vadd.s32 $0x3F, v28;
	v35 =	vld.idx.msk [tilespmem:v9+s21+$0x0], $0xffff  }
0x246: {  	v8 =	vadd.s32 $0xBB, v8;
	v36 =	vadd.s32 $0x3F, v12;
	v7 =	vmul.f32 v10, v13;
	v32 =	vld.idx.msk [tilespmem:v63+s21+$0x0], $0xffff  }
0x247: {  	v16 =	vadd.s32 $0xBB, v12;
	v28 =	vadd.s32 $0x7D, v12;
	v12 =	vmul.f32 v10, v15;
	v23 =	vld.idx.msk [tilespmem:v23+s21+$0x0], $0xffff  }
0x248: {  	s3 =	simm.s32 $0x10;
	v38 =	vor.u32 $0x1, v18;
	v29 =	vld.idx.msk [tilespmem:v18+s21+$0x0], $0xffff;
	v9 =	vmul.f32 v61, v7;
	v10 =	vmul.f32 v62, v7  }
.LBB2_6:
0x249: {  	p0 =	sne.s32 s3, $0x70;
	v39 =	vld.idx.msk [tilespmem:v39+s21+$0x0], $0xffff;
	v40 =	vadd.s32 $0x3E, v18;
	v31 =	vmul.f32 v31, v7;
	v27 =	vmul.f32 v27, v7  }
0x24a: {  	v41 =	vadd.s32 $0x3F, v18;
	v37 =	vld.idx.msk [tilespmem:v37+s21+$0x0], $0xffff;
	v34 =	vmul.f32 v34, v12;
	v35 =	vmul.f32 v35, v12  }
0x24b: {  	v15 =	vmul.f32 v11, v15;
	v43 =	vadd.s32 $0x3E, v26;
	v24 =	vmul.f32 v24, v12;
	v42 =	vld.idx.msk [tilespmem:v26+s21+$0x0], $0xffff  }
0x24c: {  	v44 =	vor.u32 $0x1, v26;
	v30 =	vmul.f32 v30, v12;
	v22 =	vmul.f32 v22, v12;
	v36 =	vld.idx.msk [tilespmem:v36+s21+$0x0], $0xffff  }
0x24d: {  	v11 =	vmul.f32 v11, v13;
	v13 =	vmul.f32 v33, v15;
	v33 =	vld.idx.msk [tilespmem:v38+s21+$0x0], $0xffff;
	v38 =	vadd.s32 $0x3F, v26  }
0x24e: {  	v45 =	vadd.s32 $0xBA, v26;
	v25 =	vmul.f32 v25, v15;
	v19 =	vmul.f32 v19, v15;
	v40 =	vld.idx.msk [tilespmem:v40+s21+$0x0], $0xffff  }
0x24f: {  	v46 =	vadd.s32 $0x7C, v18;
	v32 =	vmul.f32 v32, v15;
	v39 =	vmul.f32 v39, v11;
	v41 =	vld.idx.msk [tilespmem:v41+s21+$0x0], $0xffff  }
0x250: {  	v47 =	vadd.s32 $0x7D, v18;
	v29 =	vmul.f32 v29, v15;
	v37 =	vmul.f32 v37, v11;
	v43 =	vld.idx.msk [tilespmem:v43+s21+$0x0], $0xffff  }
0x251: {  	v48 =	vadd.s32 $0x7C, v26;
	v20 =	vmul.f32 v20, v11;
	v42 =	vmul.f32 v42, v15;
	v44 =	vld.idx.msk [tilespmem:v44+s21+$0x0], $0xffff  }
0x252: {  	v49 =	vadd.s32 $0x7D, v26;
	v14 =	vmul.f32 v14, v15;
	v17 =	vmul.f32 v17, v11;
	v38 =	vld.idx.msk [tilespmem:v38+s21+$0x0], $0xffff  }
0x253: {  	v23 =	vmul.f32 v23, v11;
	v21 =	vmul.f32 v21, v15;
	v26 =	vadd.s32 $0xBB, v26;
	v28 =	vld.idx.msk [tilespmem:v28+s21+$0x0], $0xffff  }
0x254: {  	v50 =	vadd.s32 $0xBA, v18;
	v36 =	vmul.f32 v36, v11;
	v40 =	vmul.f32 v40, v11;
	v46 =	vld.idx.msk [tilespmem:v46+s21+$0x0], $0xffff  }
0x255: {  	v18 =	vadd.s32 $0xBB, v18;
	v33 =	vmul.f32 v33, v15;
	v41 =	vmul.f32 v41, v11;
	v47 =	vld.idx.msk [tilespmem:v47+s21+$0x0], $0xffff  }
0x256: {  	v13 =	vadd.f32 v39, v13;
	v32 =	vadd.f32 v37, v32;
	v39 =	vmul.f32 v43, v11;
	v37 =	vld.idx.msk [tilespmem:v48+s21+$0x0], $0xffff  }
0x257: {  	v19 =	vadd.f32 v20, v19;
	v14 =	vadd.f32 v17, v14;
	v15 =	vmul.f32 v44, v15;
	v43 =	vld.idx.msk [tilespmem:v49+s21+$0x0], $0xffff  }
0x258: {  	v17 =	vadd.f32 v23, v25;
	v20 =	vadd.f32 v36, v21;
	v11 =	vmul.f32 v38, v11;
	v16 =	vld.idx.msk [tilespmem:v16+s21+$0x0], $0xffff  }
0x259: {  	v23 =	vadd.f32 v40, v29;
	v25 =	vadd.f32 v41, v33;
	v28 =	vmul.f32 v28, v12;
	v21 =	vld.idx.msk [tilespmem:v50+s21+$0x0], $0xffff  }
0x25a: {  	v33 =	vadd.f32 v39, v42;
	v29 =	vmul.f32 v46, v12;
	v11 =	vadd.f32 v11, v15;
	v18 =	vld.idx.msk [tilespmem:v18+s21+$0x0], $0xffff  }
0x25b: {  	v13 =	vadd.f32 v34, v13;
	v15 =	vadd.f32 v35, v32;
	v32 =	vmul.f32 v47, v12;
	v34 =	vld.idx.msk [tilespmem:v45+s21+$0x0], $0xffff  }
0x25c: {  	v19 =	vadd.f32 v24, v19;
	v14 =	vadd.f32 v22, v14;
	v35 =	vmul.f32 v37, v12;
	v26 =	vld.idx.msk [tilespmem:v26+s21+$0x0], $0xffff  }
0x25d: {  	v17 =	vadd.f32 v30, v17;
	v20 =	vadd.f32 v28, v20;
	v12 =	vmul.f32 v43, v12  }
0x25e: {  	v22 =	vadd.f32 v29, v23;
	v23 =	vadd.f32 v32, v25;
	v16 =	vmul.f32 v16, v7  }
0x25f: {  	v24 =	vadd.f32 v35, v33;
	v21 =	vmul.f32 v21, v7;
	v11 =	vadd.f32 v12, v11  }
0x260: {  	v9 =	vadd.f32 v9, v13;
	v10 =	vadd.f32 v10, v15;
	v12 =	vmul.f32 v18, v7;
	v8 =	vld.idx.msk [tilespmem:v8+s21+$0x0], $0xffff  }
0x261: {  	v15 =	vadd.f32 v31, v17;
	v17 =	vadd.f32 v27, v19;
	v13 =	vmul.f32 v34, v7  }
0x262: {  	v16 =	vadd.f32 v16, v20;
	v18 =	vadd.f32 v21, v22;
	v19 =	vmul.f32 v26, v7  }
0x263: {  	v12 =	vadd.f32 v12, v23;
	v13 =	vadd.f32 v13, v24  }
0x264: {  	v15 =	vsub.f32 v9, v15;
	v11 =	vadd.f32 v19, v11  }
0x265: {  	v16 =	vsub.f32 v10, v16;
	v18 =	vsub.f32 v9, v18  }
0x266: {  	v7 =	vmul.f32 v8, v7;
	v8 =	vsub.f32 v10, v12;
	v12 =	vsub.f32 v9, v13  }
0x267: {  	v19 =	vmul.f32 v16, v2;
	v11 =	vsub.f32 v10, v11;
	v13 =	vmul.f32 v15, v1  }
0x268: {  	v7 =	vadd.f32 v7, v14;
	v14 =	vmul.f32 v18, v1;
	v20 =	vmul.f32 v8, v2  }
0x269: {  	v9 =	vsub.f32 v9, v17;
	v21 =	vmul.f32 v12, v1;
	v22 =	vmul.f32 v11, v2  }
0x26a: {  	v14 =	vmul.f32 v14, v18;
	v8 =	vmul.f32 v20, v8;
	v7 =	vsub.f32 v10, v7  }
0x26b: {  	v10 =	vmul.f32 v21, v12;
	v11 =	vmul.f32 v22, v11  }
0x26c: {  	v12 =	vmul.f32 v9, v1;
	v8 =	vadd.f32 v8, v14;
	v14 =	vmul.f32 v7, v2  }
0x26d: {  	v10 =	vadd.f32 v11, v10;
	v11 =	vmul.f32 v13, v15;
	v13 =	vmul.f32 v19, v16  }
0x26e: {  	v9 =	vmul.f32 v12, v9;
	v15 =	vshra.s32 v8, $0x1;
	v7 =	vmul.f32 v14, v7  }
0x26f: {  	v14 =	vshra.s32 v10, $0x1;
	v11 =	vadd.f32 v13, v11;
	v12 =	vadd.s32 $0x1FBD1DF5, v15  }
0x270: {  	v13 =	vadd.s32 $0x1FBD1DF5, v14;
	v7 =	vadd.f32 v7, v9;
	(erf) = vrcp.f32 v12  }
0x271: {  	v9 =	vshra.s32 v11, $0x1;
	(erf) = vrcp.f32 v13  }
0x272: {  	v9 =	vadd.s32 $0x1FBD1DF5, v9;
	v14 =	vshra.s32 v7, $0x1  }
0x273: {  	v14 =	vadd.s32 $0x1FBD1DF5, v14;
	(erf) = vrcp.f32 v9  }
0x274: {  	(erf) = vrcp.f32 v14;
	_ =	sdelay $0x4  }
0x275: {  	v15 =	vpop (erf)  }
0x276: {  	v17 =	vmul.f32 v15, v8;
	v16 =	vpop (erf)  }
0x277: {  	v18 =	vmul.f32 v16, v10  }
0x278: {  	v12 =	vadd.f32 v12, v17;
	v15 =	vpop (erf)  }
0x279: {  	v13 =	vadd.f32 v13, v18;
	v15 =	vmul.f32 v15, v11;
	v16 =	vpop (erf)  }
0x27a: {  	v12 =	vmul.f32 $5.000000000e-01, v12;
	v16 =	vmul.f32 v16, v7  }
0x27b: {  	v13 =	vmul.f32 $5.000000000e-01, v13;
	v9 =	vadd.f32 v9, v15  }
0x27c: {  	v14 =	vadd.f32 v14, v16;
	(erf) = vrcp.f32 v12  }
0x27d: {  	v9 =	vmul.f32 $5.000000000e-01, v9;
	(erf) = vrcp.f32 v13  }
0x27e: {  	v14 =	vmul.f32 $5.000000000e-01, v14  }
0x27f: {  	(erf) = vrcp.f32 v9  }
0x280: {  	(erf) = vrcp.f32 v14;
	_ =	sdelay $0x4  }
0x281: {  	v15 =	vpop (erf)  }
0x282: {  	v8 =	vmul.f32 v15, v8;
	v15 =	vpop (erf)  }
0x283: {  	v10 =	vmul.f32 v15, v10  }
0x284: {  	v8 =	vadd.f32 v8, v12;
	v12 =	vpop (erf)  }
0x285: {  	v10 =	vadd.f32 v10, v13;
	v11 =	vmul.f32 v12, v11;
	v12 =	vpop (erf)  }
0x286: {  	v8 =	vmul.f32 $5.000000000e-01, v8;
	v7 =	vmul.f32 v12, v7  }
0x287: {  	v10 =	vmul.f32 $5.000000000e-01, v10;
	v9 =	vadd.f32 v11, v9  }
0x288: {  	v8 =	vmul.f32 $-1.000000000e+01, v8;
	v7 =	vadd.f32 v7, v14  }
0x289: {  	v10 =	vmul.f32 $-1.000000000e+01, v10;
	v9 =	vmul.f32 $5.000000000e-01, v9  }
0x28a: {  	v8 =	vmul.f32 $1.442695020e+00, v8;
	v7 =	vmul.f32 $5.000000000e-01, v7  }
0x28b: {  	v10 =	vmul.f32 $1.442695020e+00, v10;
	v9 =	vmul.f32 $-1.000000000e+01, v9  }
0x28c: {  	v7 =	vmul.f32 $-1.000000000e+01, v7;
	(erf) = vpow2.f32 v8  }
0x28d: {  	v8 =	vmul.f32 $1.442695020e+00, v9;
	(erf) = vpow2.f32 v10;
	_ =	sdelay $0x1  }
0x28e: {  	v7 =	vmul.f32 $1.442695020e+00, v7;
	(erf) = vpow2.f32 v8;
	_ =	sdelay $0x1  }
0x28f: {  	(erf) = vpow2.f32 v7;
	_ =	sdelay $0x3  }
0x290: {  	v7 =	vpop (erf)  }
0x291: {  	v8 =	vpop (erf)  }
0x292: {  	v9 =	vadd.f32 v8, v7  }
0x293: {  	v10 =	vpop (erf)  }
0x294: {  	v9 =	vadd.f32 v10, v9  }
0x295: {  	v11 =	vpop (erf)  }
0x296: {  	v9 =	vadd.f32 v11, v9;
	_ =	sdelay $0x1  }
0x297: {  	(erf) = vrcp.f32 v9;
	_ =	sdelay $0x8  }
0x298: {  	v9 =	vmov s3;
	v12 =	vpop (erf)  }
0x299: {  	v9 =	vshll.u32 v9, $0x7;
	v7 =	vmul.f32 v12, v7;
	v11 =	vmul.f32 v12, v11  }
0x29a: {  	v9 =	vor.u32 v0, v9;
	v8 =	vmul.f32 v12, v8;
	v10 =	vmul.f32 v12, v10  }
0x29b: {  	[tilespmem:v3+s30+$0x0] =	vst.idx.msk $0xffff, v7;
	v3 =	vmov v9  }
0x29c: {  	[tilespmem:v4+s30+$0x0] =	vst.idx.msk $0xffff, v8;
	v4 =	vor.u32 $0x1, v3  }
0x29d: {  	[tilespmem:v6+s30+$0x0] =	vst.idx.msk $0xffff, v10  }
0x29e: {  	[tilespmem:v5+s30+$0x0] =	vst.idx.msk $0xffff, v11  }
0x29f: {  	v7 =	vor.u32 $0x4, v3;
	v11 =	vld.idx.msk [tilespmem:v9+s24+$0x0], $0xffff  }
0x2a0: {  	v15 =	vld.idx.msk [tilespmem:v9+s23+$0x0], $0xffff  }
0x2a1: {  	v6 =	vor.u32 $0x2, v3;
	v13 =	vld.idx.msk [tilespmem:v4+s23+$0x0], $0xffff  }
0x2a2: {  	v5 =	vor.u32 $0x3, v3;
	v10 =	vld.idx.msk [tilespmem:v4+s24+$0x0], $0xffff  }
0x2a3: {  	v8 =	vld.idx.msk [tilespmem:v9+s2+$0x0], $0xffff  }
0x2a4: {  	v7 =	vld.idx.msk [tilespmem:v7+s2+$0x0], $0xffff  }
0x2a5: {  	v9 =	vld.idx.msk [tilespmem:v4+s2+$0x0], $0xffff  }
0x2a6: {  	v12 =	vld.idx.msk [tilespmem:v6+s2+$0x0], $0xffff  }
0x2a7: {  	v14 =	vld.idx.msk [tilespmem:v5+s2+$0x0], $0xffff;
	_ =	sdelay $0x2  }
0x2a8: {  	v28 =	vshll.u32 v7, $0x1  }
0x2a9: {  	v7 =	vadd.s32 $0xBA, v28  }
0x2aa: {  	v16 =	vadd.s32 $0x7C, v28  }
0x2ab: {  	v17 =	vadd.s32 $0x7D, v28  }
0x2ac: {  	v18 =	vor.u32 $0x1, v28  }
0x2ad: {  	v20 =	vadd.s32 $0x3E, v28;
	v19 =	vld.idx.msk [tilespmem:v28+s21+$0x0], $0xffff  }
0x2ae: {  	v21 =	vadd.s32 $0x3F, v28;
	v27 =	vld.idx.msk [tilespmem:v7+s21+$0x0], $0xffff  }
0x2af: {  	v32 =	vshll.u32 v14, $0x1;
	v24 =	vld.idx.msk [tilespmem:v16+s21+$0x0], $0xffff  }
0x2b0: {  	v7 =	vadd.s32 $0xBA, v32;
	v22 =	vld.idx.msk [tilespmem:v17+s21+$0x0], $0xffff  }
0x2b1: {  	v16 =	vadd.s32 $0x7C, v32;
	v14 =	vld.idx.msk [tilespmem:v18+s21+$0x0], $0xffff  }
0x2b2: {  	v33 =	vshll.u32 v8, $0x1;
	v8 =	vor.u32 $0x1, v32;
	v20 =	vld.idx.msk [tilespmem:v20+s21+$0x0], $0xffff  }
0x2b3: {  	v18 =	vadd.s32 $0xBA, v33;
	v17 =	vld.idx.msk [tilespmem:v21+s21+$0x0], $0xffff  }
0x2b4: {  	v23 =	vadd.s32 $0xBB, v33;
	v25 =	vld.idx.msk [tilespmem:v32+s21+$0x0], $0xffff  }
0x2b5: {  	v26 =	vadd.s32 $0x7C, v33;
	v31 =	vld.idx.msk [tilespmem:v7+s21+$0x0], $0xffff  }
0x2b6: {  	v7 =	vadd.s32 $0x7D, v33;
	v30 =	vld.idx.msk [tilespmem:v16+s21+$0x0], $0xffff  }
0x2b7: {  	v21 =	vld.idx.msk [tilespmem:v8+s21+$0x0], $0xffff;
	v8 =	vadd.s32 $0x3E, v32  }
0x2b8: {  	v36 =	vld.idx.msk [tilespmem:v18+s21+$0x0], $0xffff;
	v18 =	vshll.u32 v9, $0x1  }
0x2b9: {  	v38 =	vld.idx.msk [tilespmem:v23+s21+$0x0], $0xffff  }
0x2ba: {  	v40 =	vor.u32 $0x1, v33;
	v34 =	vld.idx.msk [tilespmem:v26+s21+$0x0], $0xffff  }
.Ltmp2:
0x2bb: {  	v39 =	vadd.s32 $0x3E, v33;
	v35 =	vld.idx.msk [tilespmem:v7+s21+$0x0], $0xffff;
	(pc) =	sbr.rel @p0 .LBB2_6-.Ltmp2, $4  }
0x2bc: {  	v37 =	vadd.s32 $0x3F, v33;
	v7 =	vmul.f32 v10, v13;
	v23 =	vld.idx.msk [tilespmem:v8+s21+$0x0], $0xffff  }
0x2bd: {  	v16 =	vadd.s32 $0xBB, v32;
	v26 =	vshll.u32 v12, $0x1;
	v8 =	vadd.s32 $0xBB, v28;
	v29 =	vld.idx.msk [tilespmem:v18+s21+$0x0], $0xffff  }
0x2be: {  	v28 =	vadd.s32 $0x7D, v32;
	v9 =	vmul.f32 v36, v7;
	v36 =	vadd.s32 $0x3F, v32;
	v33 =	vld.idx.msk [tilespmem:v33+s21+$0x0], $0xffff  }
0x2bf: {  	s3 =	sadd.s32 $0x10, s3;
	v12 =	vmul.f32 v10, v15;
	v10 =	vmul.f32 v38, v7;
	v38 =	vor.u32 $0x1, v18;
	v32 =	vld.idx.msk [tilespmem:v40+s21+$0x0], $0xffff  }
0x2c0: {  	_ =	sdelay $0x3  }
0x2c1: {  	v39 =	vld.idx.msk [tilespmem:v39+s21+$0x0], $0xffff  }
0x2c2: {  	v40 =	vadd.s32 $0x3E, v18;
	v41 =	vadd.s32 $0x3F, v18;
	v37 =	vld.idx.msk [tilespmem:v37+s21+$0x0], $0xffff  }
0x2c3: {  	v15 =	vmul.f32 v11, v15;
	v42 =	vadd.s32 $0x3E, v26;
	v43 =	vld.idx.msk [tilespmem:v26+s21+$0x0], $0xffff;
	v44 =	vor.u32 $0x1, v26  }
0x2c4: {  	v36 =	vld.idx.msk [tilespmem:v36+s21+$0x0], $0xffff;
	v11 =	vmul.f32 v11, v13;
	v52 =	vadd.s32 $0x3F, v26;
	v45 =	vadd.s32 $0xBA, v26  }
0x2c5: {  	v38 =	vld.idx.msk [tilespmem:v38+s21+$0x0], $0xffff;
	v46 =	vadd.s32 $0x7C, v18;
	v34 =	vmul.f32 v34, v12;
	v35 =	vmul.f32 v35, v12  }
0x2c6: {  	v47 =	vadd.s32 $0x7D, v18;
	v28 =	vld.idx.msk [tilespmem:v28+s21+$0x0], $0xffff;
	v24 =	vmul.f32 v24, v12;
	v30 =	vmul.f32 v30, v12  }
0x2c7: {  	v48 =	vadd.s32 $0x7C, v26;
	v22 =	vmul.f32 v22, v12;
	v25 =	vmul.f32 v25, v15;
	v40 =	vld.idx.msk [tilespmem:v40+s21+$0x0], $0xffff  }
0x2c8: {  	v49 =	vadd.s32 $0x7D, v26;
	v19 =	vmul.f32 v19, v15;
	v29 =	vmul.f32 v29, v15;
	v41 =	vld.idx.msk [tilespmem:v41+s21+$0x0], $0xffff  }
0x2c9: {  	v26 =	vadd.s32 $0xBB, v26;
	v20 =	vmul.f32 v20, v11;
	v14 =	vmul.f32 v14, v15;
	v42 =	vld.idx.msk [tilespmem:v42+s21+$0x0], $0xffff  }
0x2ca: {  	v50 =	vadd.s32 $0xBA, v18;
	v17 =	vmul.f32 v17, v11;
	v23 =	vmul.f32 v23, v11;
	v44 =	vld.idx.msk [tilespmem:v44+s21+$0x0], $0xffff  }
0x2cb: {  	v18 =	vadd.s32 $0xBB, v18;
	v21 =	vmul.f32 v21, v15;
	v13 =	vmul.f32 v33, v15;
	v33 =	vld.idx.msk [tilespmem:v52+s21+$0x0], $0xffff  }
0x2cc: {  	v32 =	vmul.f32 v32, v15;
	v19 =	vadd.f32 v20, v19;
	v39 =	vmul.f32 v39, v11;
	v46 =	vld.idx.msk [tilespmem:v46+s21+$0x0], $0xffff  }
0x2cd: {  	v14 =	vadd.f32 v17, v14;
	v37 =	vmul.f32 v37, v11;
	v43 =	vmul.f32 v43, v15;
	v47 =	vld.idx.msk [tilespmem:v47+s21+$0x0], $0xffff  }
0x2ce: {  	v20 =	vadd.f32 v23, v25;
	v36 =	vmul.f32 v36, v11;
	v38 =	vmul.f32 v38, v15;
	v54 =	vld.idx.msk [tilespmem:v48+s21+$0x0], $0xffff  }
0x2cf: {  	v17 =	vld.idx.msk [tilespmem:v49+s21+$0x0], $0xffff;
	v28 =	vmul.f32 v28, v12;
	v19 =	vadd.f32 v24, v19;
	v14 =	vadd.f32 v22, v14  }
0x2d0: {  	v13 =	vadd.f32 v39, v13;
	v40 =	vmul.f32 v40, v11;
	v41 =	vmul.f32 v41, v11  }
0x2d1: {  	v16 =	vld.idx.msk [tilespmem:v16+s21+$0x0], $0xffff;
	v32 =	vadd.f32 v37, v32;
	v53 =	vmul.f32 v42, v11;
	v15 =	vmul.f32 v44, v15  }
0x2d2: {  	v21 =	vadd.f32 v36, v21;
	v11 =	vmul.f32 v33, v11;
	v55 =	vmul.f32 v46, v12  }
0x2d3: {  	v13 =	vadd.f32 v34, v13;
	v57 =	vmul.f32 v47, v12;
	v59 =	vmul.f32 v54, v12  }
0x2d4: {  	v58 =	vld.idx.msk [tilespmem:v45+s21+$0x0], $0xffff;
	v12 =	vmul.f32 v17, v12;
	v17 =	vadd.f32 v30, v20;
	v20 =	vadd.f32 v28, v21  }
0x2d5: {  	v9 =	vadd.f32 v9, v13;
	v23 =	vadd.f32 v40, v29;
	v29 =	vld.idx.msk [tilespmem:v50+s21+$0x0], $0xffff  }
0x2d6: {  	v16 =	vmul.f32 v16, v7;
	v25 =	vadd.f32 v41, v38;
	v11 =	vadd.f32 v11, v15;
	v15 =	vld.idx.msk [tilespmem:v18+s21+$0x0], $0xffff  }
0x2d7: {  	v22 =	vld.idx.msk [tilespmem:v26+s21+$0x0], $0xffff;
	v56 =	vadd.f32 v53, v43;
	v18 =	vadd.f32 v35, v32  }
0x2d8: {  	v31 =	vmul.f32 v31, v7;
	v16 =	vadd.f32 v16, v20;
	v21 =	vadd.f32 v55, v23  }
0x2d9: {  	v13 =	vmul.f32 v58, v7;
	v23 =	vadd.f32 v57, v25;
	v25 =	vadd.f32 v59, v56  }
0x2da: {  	v27 =	vmul.f32 v27, v7;
	v8 =	vld.idx.msk [tilespmem:v8+s21+$0x0], $0xffff;
	v11 =	vadd.f32 v12, v11;
	v10 =	vadd.f32 v10, v18  }
0x2db: {  	v13 =	vadd.f32 v13, v25;
	v24 =	vmul.f32 v29, v7;
	v12 =	vmul.f32 v15, v7  }
0x2dc: {  	v15 =	vadd.f32 v31, v17;
	v17 =	vadd.f32 v27, v19;
	v19 =	vmul.f32 v22, v7  }
0x2dd: {  	v18 =	vadd.f32 v24, v21;
	v12 =	vadd.f32 v12, v23  }
0x2de: {  	v11 =	vadd.f32 v19, v11;
	v15 =	vsub.f32 v9, v15  }
0x2df: {  	v7 =	vmul.f32 v8, v7;
	v18 =	vsub.f32 v9, v18;
	v8 =	vsub.f32 v10, v12  }
0x2e0: {  	v12 =	vsub.f32 v9, v13;
	v11 =	vsub.f32 v10, v11;
	v13 =	vmul.f32 v15, v1  }
0x2e1: {  	v7 =	vadd.f32 v7, v14;
	v14 =	vmul.f32 v18, v1;
	v20 =	vmul.f32 v8, v2  }
0x2e2: {  	v16 =	vsub.f32 v10, v16;
	v21 =	vmul.f32 v12, v1;
	v22 =	vmul.f32 v11, v2  }
0x2e3: {  	v9 =	vsub.f32 v9, v17;
	v14 =	vmul.f32 v14, v18;
	v8 =	vmul.f32 v20, v8  }
0x2e4: {  	v7 =	vsub.f32 v10, v7;
	v10 =	vmul.f32 v21, v12;
	v11 =	vmul.f32 v22, v11  }
0x2e5: {  	v19 =	vmul.f32 v16, v2;
	v12 =	vmul.f32 v9, v1;
	v8 =	vadd.f32 v8, v14  }
0x2e6: {  	v14 =	vmul.f32 v7, v2;
	v10 =	vadd.f32 v11, v10;
	v11 =	vmul.f32 v13, v15  }
0x2e7: {  	v13 =	vmul.f32 v19, v16;
	v9 =	vmul.f32 v12, v9;
	v15 =	vshra.s32 v8, $0x1  }
0x2e8: {  	v7 =	vmul.f32 v14, v7;
	v14 =	vshra.s32 v10, $0x1;
	v12 =	vadd.s32 $0x1FBD1DF5, v15  }
0x2e9: {  	v11 =	vadd.f32 v13, v11;
	v13 =	vadd.s32 $0x1FBD1DF5, v14;
	(erf) = vrcp.f32 v12  }
0x2ea: {  	(erf) = vrcp.f32 v13  }
0x2eb: {  	v7 =	vadd.f32 v7, v9  }
0x2ec: {  	v9 =	vshra.s32 v11, $0x1  }
0x2ed: {  	v9 =	vadd.s32 $0x1FBD1DF5, v9;
	v14 =	vshra.s32 v7, $0x1  }
0x2ee: {  	(erf) = vrcp.f32 v9;
	v14 =	vadd.s32 $0x1FBD1DF5, v14  }
0x2ef: {  	(erf) = vrcp.f32 v14;
	_ =	sdelay $0x2  }
0x2f0: {  	v15 =	vpop (erf)  }
0x2f1: {  	v15 =	vmul.f32 v15, v8;
	v16 =	vpop (erf)  }
0x2f2: {  	v16 =	vmul.f32 v16, v10;
	_ =	sdelay $0x1  }
0x2f3: {  	v12 =	vadd.f32 v12, v15  }
0x2f4: {  	v13 =	vadd.f32 v13, v16;
	v15 =	vpop (erf)  }
0x2f5: {  	v12 =	vmul.f32 $5.000000000e-01, v12;
	v15 =	vmul.f32 v15, v11;
	v16 =	vpop (erf)  }
0x2f6: {  	v13 =	vmul.f32 $5.000000000e-01, v13;
	v16 =	vmul.f32 v16, v7  }
0x2f7: {  	(erf) = vrcp.f32 v12;
	v9 =	vadd.f32 v9, v15  }
0x2f8: {  	(erf) = vrcp.f32 v13;
	v14 =	vadd.f32 v14, v16  }
0x2f9: {  	v9 =	vmul.f32 $5.000000000e-01, v9  }
0x2fa: {  	v14 =	vmul.f32 $5.000000000e-01, v14  }
0x2fb: {  	(erf) = vrcp.f32 v9  }
0x2fc: {  	(erf) = vrcp.f32 v14;
	_ =	sdelay $0x3  }
0x2fd: {  	v15 =	vpop (erf)  }
0x2fe: {  	v8 =	vmul.f32 v15, v8;
	v15 =	vpop (erf)  }
0x2ff: {  	v10 =	vmul.f32 v15, v10  }
0x300: {  	v8 =	vadd.f32 v8, v12  }
0x301: {  	v10 =	vadd.f32 v10, v13;
	v12 =	vpop (erf)  }
0x302: {  	v8 =	vmul.f32 $5.000000000e-01, v8;
	v11 =	vmul.f32 v12, v11;
	v12 =	vpop (erf)  }
0x303: {  	v10 =	vmul.f32 $5.000000000e-01, v10;
	v7 =	vmul.f32 v12, v7  }
0x304: {  	v8 =	vmul.f32 $-1.000000000e+01, v8;
	v9 =	vadd.f32 v11, v9  }
0x305: {  	v10 =	vmul.f32 $-1.000000000e+01, v10;
	v7 =	vadd.f32 v7, v14  }
0x306: {  	v8 =	vmul.f32 $1.442695020e+00, v8;
	v9 =	vmul.f32 $5.000000000e-01, v9  }
0x307: {  	v10 =	vmul.f32 $1.442695020e+00, v10;
	v7 =	vmul.f32 $5.000000000e-01, v7  }
0x308: {  	(erf) = vpow2.f32 v8;
	v9 =	vmul.f32 $-1.000000000e+01, v9  }
0x309: {  	(erf) = vpow2.f32 v10  }
0x30a: {  	v7 =	vmul.f32 $-1.000000000e+01, v7;
	v8 =	vmul.f32 $1.442695020e+00, v9;
	_ =	sdelay $0x1  }
0x30b: {  	v7 =	vmul.f32 $1.442695020e+00, v7;
	(erf) = vpow2.f32 v8;
	_ =	sdelay $0x1  }
0x30c: {  	(erf) = vpow2.f32 v7;
	_ =	sdelay $0x3  }
0x30d: {  	v7 =	vpop (erf)  }
0x30e: {  	v8 =	vpop (erf)  }
0x30f: {  	v9 =	vadd.f32 v8, v7  }
0x310: {  	v10 =	vpop (erf)  }
0x311: {  	v9 =	vadd.f32 v10, v9  }
0x312: {  	v11 =	vpop (erf)  }
0x313: {  	v9 =	vadd.f32 v11, v9;
	_ =	sdelay $0x1  }
0x314: {  	(erf) = vrcp.f32 v9;
	_ =	sdelay $0x8  }
0x315: {  	v9 =	vpop (erf)  }
0x316: {  	v7 =	vmul.f32 v9, v7  }
0x317: {  	v8 =	vmul.f32 v9, v8  }
0x318: {  	v10 =	vmul.f32 v9, v10;
	[tilespmem:v3+s30+$0x0] =	vst.idx.msk $0xffff, v7  }
0x319: {  	v3 =	vmul.f32 v9, v11;
	[tilespmem:v4+s30+$0x0] =	vst.idx.msk $0xffff, v8  }
0x31a: {  	[tilespmem:v6+s30+$0x0] =	vst.idx.msk $0xffff, v10  }
0x31b: {  	s3 =	simm.s32 $0x0;
	[tilespmem:v5+s30+$0x0] =	vst.idx.msk $0xffff, v3  }
0x31c: {  	[hbm4b:s18+s3] =	stream.linear.scatter [tilespmem:s30], [sflag:$0x3], $0x4000, $0x38;
	[tilespmem:$0x1C180] =	vst v63  }
0x31d: {  	_ =	swait.ge [sflag:s22], $0x4000  }
0x31e: {  	[sflag:s22] =	ssyncset.done $0x0  }
0x31f: {  	[sflag:s22] =	ssyncadd.s32 $0xFFFFC000  }
0x320: {  	_ =	swait.ge [sflag:s31], $0x4000  }
0x321: {  	v3 =	vmov s3;
	[sflag:s31] =	ssyncset.done $0x0  }
0x322: {  	v3 =	vshll.u32 v3, $0x7;
	[sflag:s31] =	ssyncadd.s32 $0xFFFFC000  }
0x323: {  	v3 =	vor.u32 v0, v3;
	_ =	swait.ge [sflag:s31], $0x4000  }
0x324: {  	v5 =	vor.u32 $0x4, v3;
	[sflag:s31] =	ssyncset.done $0x0  }
0x325: {  	[sflag:s31] =	ssyncadd.s32 $0xFFFFC000  }
0x326: {  	_ =	swait.ge [sflag:s31], $0x4000  }
0x327: {  	[sflag:s31] =	ssyncset.done $0x0  }
0x328: {  	v4 =	vor.u32 $0x1, v3;
	[sflag:s31] =	ssyncadd.s32 $0xFFFFC000  }
0x329: {  	v7 =	vld.idx.msk [tilespmem:v5+s25+$0x0], $0xffff;
	_ =	sdelay $0x1  }
0x32a: {  	v11 =	vld.idx.msk [tilespmem:v3+s28+$0x0], $0xffff;
	v5 =	vor.u32 $0x3, v3  }
0x32b: {  	v15 =	vld.idx.msk [tilespmem:v3+s26+$0x0], $0xffff  }
0x32c: {  	v6 =	vor.u32 $0x2, v3;
	v13 =	vld.idx.msk [tilespmem:v4+s26+$0x0], $0xffff  }
0x32d: {  	v10 =	vld.idx.msk [tilespmem:v4+s28+$0x0], $0xffff;
	v8 =	vshll.u32 v7, $0x1  }
0x32e: {  	v16 =	vld.idx.msk [tilespmem:v4+s25+$0x0], $0xffff;
	v9 =	vadd.s32 $0xBA, v8  }
0x32f: {  	v12 =	vld.idx.msk [tilespmem:v5+s25+$0x0], $0xffff;
	v14 =	vadd.s32 $0x7C, v8  }
0x330: {  	v7 =	vld.idx.msk [tilespmem:v3+s25+$0x0], $0xffff;
	v17 =	vadd.s32 $0x7D, v8  }
0x331: {  	v26 =	vld.idx.msk [tilespmem:v6+s25+$0x0], $0xffff;
	v18 =	vor.u32 $0x1, v8  }
0x332: {  	v20 =	vadd.s32 $0x3E, v8;
	v19 =	vld.idx.msk [tilespmem:v8+s21+$0x0], $0xffff  }
0x333: {  	v21 =	vadd.s32 $0x3F, v8;
	v27 =	vld.idx.msk [tilespmem:v9+s21+$0x0], $0xffff  }
0x334: {  	v12 =	vshll.u32 v12, $0x1;
	v24 =	vld.idx.msk [tilespmem:v14+s21+$0x0], $0xffff  }
0x335: {  	v28 =	vshll.u32 v7, $0x1;
	v22 =	vld.idx.msk [tilespmem:v17+s21+$0x0], $0xffff  }
0x336: {  	v9 =	vadd.s32 $0xBA, v12;
	v14 =	vld.idx.msk [tilespmem:v18+s21+$0x0], $0xffff  }
0x337: {  	v23 =	vadd.s32 $0x7C, v12;
	v20 =	vld.idx.msk [tilespmem:v20+s21+$0x0], $0xffff  }
0x338: {  	v7 =	vor.u32 $0x1, v12;
	v17 =	vld.idx.msk [tilespmem:v21+s21+$0x0], $0xffff  }
0x339: {  	v18 =	vadd.s32 $0xBA, v28;
	v25 =	vld.idx.msk [tilespmem:v12+s21+$0x0], $0xffff  }
0x33a: {  	v29 =	vadd.s32 $0xBB, v28;
	v33 =	vld.idx.msk [tilespmem:v28+s21+$0x0], $0xffff  }
0x33b: {  	v60 =	vadd.s32 $0x7C, v28;
	v31 =	vld.idx.msk [tilespmem:v9+s21+$0x0], $0xffff  }
0x33c: {  	v9 =	vadd.s32 $0x7D, v28;
	v30 =	vld.idx.msk [tilespmem:v23+s21+$0x0], $0xffff  }
0x33d: {  	v63 =	vor.u32 $0x1, v28;
	v21 =	vld.idx.msk [tilespmem:v7+s21+$0x0], $0xffff  }
0x33e: {  	v23 =	vadd.s32 $0x3E, v12;
	v61 =	vld.idx.msk [tilespmem:v18+s21+$0x0], $0xffff  }
0x33f: {  	v18 =	vshll.u32 v16, $0x1;
	v62 =	vld.idx.msk [tilespmem:v29+s21+$0x0], $0xffff  }
0x340: {  	v39 =	vadd.s32 $0x3E, v28;
	v34 =	vld.idx.msk [tilespmem:v60+s21+$0x0], $0xffff  }
0x341: {  	v26 =	vshll.u32 v26, $0x1;
	v37 =	vadd.s32 $0x3F, v28;
	v35 =	vld.idx.msk [tilespmem:v9+s21+$0x0], $0xffff  }
0x342: {  	v8 =	vadd.s32 $0xBB, v8;
	v36 =	vadd.s32 $0x3F, v12;
	v7 =	vmul.f32 v10, v13;
	v32 =	vld.idx.msk [tilespmem:v63+s21+$0x0], $0xffff  }
0x343: {  	v16 =	vadd.s32 $0xBB, v12;
	v28 =	vadd.s32 $0x7D, v12;
	v12 =	vmul.f32 v10, v15;
	v23 =	vld.idx.msk [tilespmem:v23+s21+$0x0], $0xffff  }
0x344: {  	s3 =	simm.s32 $0x10;
	v38 =	vor.u32 $0x1, v18;
	v29 =	vld.idx.msk [tilespmem:v18+s21+$0x0], $0xffff;
	v9 =	vmul.f32 v61, v7;
	v10 =	vmul.f32 v62, v7  }
.LBB2_8:
0x345: {  	p0 =	sne.s32 s3, $0x70;
	v39 =	vld.idx.msk [tilespmem:v39+s21+$0x0], $0xffff;
	v40 =	vadd.s32 $0x3E, v18;
	v31 =	vmul.f32 v31, v7;
	v27 =	vmul.f32 v27, v7  }
0x346: {  	v41 =	vadd.s32 $0x3F, v18;
	v37 =	vld.idx.msk [tilespmem:v37+s21+$0x0], $0xffff;
	v34 =	vmul.f32 v34, v12;
	v35 =	vmul.f32 v35, v12  }
0x347: {  	v15 =	vmul.f32 v11, v15;
	v43 =	vadd.s32 $0x3E, v26;
	v24 =	vmul.f32 v24, v12;
	v42 =	vld.idx.msk [tilespmem:v26+s21+$0x0], $0xffff  }
0x348: {  	v44 =	vor.u32 $0x1, v26;
	v30 =	vmul.f32 v30, v12;
	v22 =	vmul.f32 v22, v12;
	v36 =	vld.idx.msk [tilespmem:v36+s21+$0x0], $0xffff  }
0x349: {  	v11 =	vmul.f32 v11, v13;
	v13 =	vmul.f32 v33, v15;
	v33 =	vld.idx.msk [tilespmem:v38+s21+$0x0], $0xffff;
	v38 =	vadd.s32 $0x3F, v26  }
0x34a: {  	v45 =	vadd.s32 $0xBA, v26;
	v25 =	vmul.f32 v25, v15;
	v19 =	vmul.f32 v19, v15;
	v40 =	vld.idx.msk [tilespmem:v40+s21+$0x0], $0xffff  }
0x34b: {  	v46 =	vadd.s32 $0x7C, v18;
	v32 =	vmul.f32 v32, v15;
	v39 =	vmul.f32 v39, v11;
	v41 =	vld.idx.msk [tilespmem:v41+s21+$0x0], $0xffff  }
0x34c: {  	v47 =	vadd.s32 $0x7D, v18;
	v29 =	vmul.f32 v29, v15;
	v37 =	vmul.f32 v37, v11;
	v43 =	vld.idx.msk [tilespmem:v43+s21+$0x0], $0xffff  }
0x34d: {  	v48 =	vadd.s32 $0x7C, v26;
	v20 =	vmul.f32 v20, v11;
	v42 =	vmul.f32 v42, v15;
	v44 =	vld.idx.msk [tilespmem:v44+s21+$0x0], $0xffff  }
0x34e: {  	v49 =	vadd.s32 $0x7D, v26;
	v14 =	vmul.f32 v14, v15;
	v17 =	vmul.f32 v17, v11;
	v38 =	vld.idx.msk [tilespmem:v38+s21+$0x0], $0xffff  }
0x34f: {  	v23 =	vmul.f32 v23, v11;
	v21 =	vmul.f32 v21, v15;
	v26 =	vadd.s32 $0xBB, v26;
	v28 =	vld.idx.msk [tilespmem:v28+s21+$0x0], $0xffff  }
0x350: {  	v50 =	vadd.s32 $0xBA, v18;
	v36 =	vmul.f32 v36, v11;
	v40 =	vmul.f32 v40, v11;
	v46 =	vld.idx.msk [tilespmem:v46+s21+$0x0], $0xffff  }
0x351: {  	v18 =	vadd.s32 $0xBB, v18;
	v33 =	vmul.f32 v33, v15;
	v41 =	vmul.f32 v41, v11;
	v47 =	vld.idx.msk [tilespmem:v47+s21+$0x0], $0xffff  }
0x352: {  	v13 =	vadd.f32 v39, v13;
	v32 =	vadd.f32 v37, v32;
	v39 =	vmul.f32 v43, v11;
	v37 =	vld.idx.msk [tilespmem:v48+s21+$0x0], $0xffff  }
0x353: {  	v19 =	vadd.f32 v20, v19;
	v14 =	vadd.f32 v17, v14;
	v15 =	vmul.f32 v44, v15;
	v43 =	vld.idx.msk [tilespmem:v49+s21+$0x0], $0xffff  }
0x354: {  	v17 =	vadd.f32 v23, v25;
	v20 =	vadd.f32 v36, v21;
	v11 =	vmul.f32 v38, v11;
	v16 =	vld.idx.msk [tilespmem:v16+s21+$0x0], $0xffff  }
0x355: {  	v23 =	vadd.f32 v40, v29;
	v25 =	vadd.f32 v41, v33;
	v28 =	vmul.f32 v28, v12;
	v21 =	vld.idx.msk [tilespmem:v50+s21+$0x0], $0xffff  }
0x356: {  	v33 =	vadd.f32 v39, v42;
	v29 =	vmul.f32 v46, v12;
	v11 =	vadd.f32 v11, v15;
	v18 =	vld.idx.msk [tilespmem:v18+s21+$0x0], $0xffff  }
0x357: {  	v13 =	vadd.f32 v34, v13;
	v15 =	vadd.f32 v35, v32;
	v32 =	vmul.f32 v47, v12;
	v34 =	vld.idx.msk [tilespmem:v45+s21+$0x0], $0xffff  }
0x358: {  	v19 =	vadd.f32 v24, v19;
	v14 =	vadd.f32 v22, v14;
	v35 =	vmul.f32 v37, v12;
	v26 =	vld.idx.msk [tilespmem:v26+s21+$0x0], $0xffff  }
0x359: {  	v17 =	vadd.f32 v30, v17;
	v20 =	vadd.f32 v28, v20;
	v12 =	vmul.f32 v43, v12  }
0x35a: {  	v22 =	vadd.f32 v29, v23;
	v23 =	vadd.f32 v32, v25;
	v16 =	vmul.f32 v16, v7  }
0x35b: {  	v24 =	vadd.f32 v35, v33;
	v21 =	vmul.f32 v21, v7;
	v11 =	vadd.f32 v12, v11  }
0x35c: {  	v9 =	vadd.f32 v9, v13;
	v10 =	vadd.f32 v10, v15;
	v12 =	vmul.f32 v18, v7;
	v8 =	vld.idx.msk [tilespmem:v8+s21+$0x0], $0xffff  }
0x35d: {  	v15 =	vadd.f32 v31, v17;
	v17 =	vadd.f32 v27, v19;
	v13 =	vmul.f32 v34, v7  }
0x35e: {  	v16 =	vadd.f32 v16, v20;
	v18 =	vadd.f32 v21, v22;
	v19 =	vmul.f32 v26, v7  }
0x35f: {  	v12 =	vadd.f32 v12, v23;
	v13 =	vadd.f32 v13, v24  }
0x360: {  	v15 =	vsub.f32 v9, v15;
	v11 =	vadd.f32 v19, v11  }
0x361: {  	v16 =	vsub.f32 v10, v16;
	v18 =	vsub.f32 v9, v18  }
0x362: {  	v7 =	vmul.f32 v8, v7;
	v8 =	vsub.f32 v10, v12;
	v12 =	vsub.f32 v9, v13  }
0x363: {  	v19 =	vmul.f32 v16, v2;
	v11 =	vsub.f32 v10, v11;
	v13 =	vmul.f32 v15, v1  }
0x364: {  	v7 =	vadd.f32 v7, v14;
	v14 =	vmul.f32 v18, v1;
	v20 =	vmul.f32 v8, v2  }
0x365: {  	v9 =	vsub.f32 v9, v17;
	v21 =	vmul.f32 v12, v1;
	v22 =	vmul.f32 v11, v2  }
0x366: {  	v14 =	vmul.f32 v14, v18;
	v8 =	vmul.f32 v20, v8;
	v7 =	vsub.f32 v10, v7  }
0x367: {  	v10 =	vmul.f32 v21, v12;
	v11 =	vmul.f32 v22, v11  }
0x368: {  	v12 =	vmul.f32 v9, v1;
	v8 =	vadd.f32 v8, v14;
	v14 =	vmul.f32 v7, v2  }
0x369: {  	v10 =	vadd.f32 v11, v10;
	v11 =	vmul.f32 v13, v15;
	v13 =	vmul.f32 v19, v16  }
0x36a: {  	v9 =	vmul.f32 v12, v9;
	v15 =	vshra.s32 v8, $0x1;
	v7 =	vmul.f32 v14, v7  }
0x36b: {  	v14 =	vshra.s32 v10, $0x1;
	v11 =	vadd.f32 v13, v11;
	v12 =	vadd.s32 $0x1FBD1DF5, v15  }
0x36c: {  	v13 =	vadd.s32 $0x1FBD1DF5, v14;
	v7 =	vadd.f32 v7, v9;
	(erf) = vrcp.f32 v12  }
0x36d: {  	v9 =	vshra.s32 v11, $0x1;
	(erf) = vrcp.f32 v13  }
0x36e: {  	v9 =	vadd.s32 $0x1FBD1DF5, v9;
	v14 =	vshra.s32 v7, $0x1  }
0x36f: {  	v14 =	vadd.s32 $0x1FBD1DF5, v14;
	(erf) = vrcp.f32 v9  }
0x370: {  	(erf) = vrcp.f32 v14;
	_ =	sdelay $0x4  }
0x371: {  	v15 =	vpop (erf)  }
0x372: {  	v17 =	vmul.f32 v15, v8;
	v16 =	vpop (erf)  }
0x373: {  	v18 =	vmul.f32 v16, v10  }
0x374: {  	v12 =	vadd.f32 v12, v17;
	v15 =	vpop (erf)  }
0x375: {  	v13 =	vadd.f32 v13, v18;
	v15 =	vmul.f32 v15, v11;
	v16 =	vpop (erf)  }
0x376: {  	v12 =	vmul.f32 $5.000000000e-01, v12;
	v16 =	vmul.f32 v16, v7  }
0x377: {  	v13 =	vmul.f32 $5.000000000e-01, v13;
	v9 =	vadd.f32 v9, v15  }
0x378: {  	v14 =	vadd.f32 v14, v16;
	(erf) = vrcp.f32 v12  }
0x379: {  	v9 =	vmul.f32 $5.000000000e-01, v9;
	(erf) = vrcp.f32 v13  }
0x37a: {  	v14 =	vmul.f32 $5.000000000e-01, v14  }
0x37b: {  	(erf) = vrcp.f32 v9  }
0x37c: {  	(erf) = vrcp.f32 v14;
	_ =	sdelay $0x4  }
0x37d: {  	v15 =	vpop (erf)  }
0x37e: {  	v8 =	vmul.f32 v15, v8;
	v15 =	vpop (erf)  }
0x37f: {  	v10 =	vmul.f32 v15, v10  }
0x380: {  	v8 =	vadd.f32 v8, v12;
	v12 =	vpop (erf)  }
0x381: {  	v10 =	vadd.f32 v10, v13;
	v11 =	vmul.f32 v12, v11;
	v12 =	vpop (erf)  }
0x382: {  	v8 =	vmul.f32 $5.000000000e-01, v8;
	v7 =	vmul.f32 v12, v7  }
0x383: {  	v10 =	vmul.f32 $5.000000000e-01, v10;
	v9 =	vadd.f32 v11, v9  }
0x384: {  	v8 =	vmul.f32 $-1.000000000e+01, v8;
	v7 =	vadd.f32 v7, v14  }
0x385: {  	v10 =	vmul.f32 $-1.000000000e+01, v10;
	v9 =	vmul.f32 $5.000000000e-01, v9  }
0x386: {  	v8 =	vmul.f32 $1.442695020e+00, v8;
	v7 =	vmul.f32 $5.000000000e-01, v7  }
0x387: {  	v10 =	vmul.f32 $1.442695020e+00, v10;
	v9 =	vmul.f32 $-1.000000000e+01, v9  }
0x388: {  	v7 =	vmul.f32 $-1.000000000e+01, v7;
	(erf) = vpow2.f32 v8  }
0x389: {  	v8 =	vmul.f32 $1.442695020e+00, v9;
	(erf) = vpow2.f32 v10;
	_ =	sdelay $0x1  }
0x38a: {  	v7 =	vmul.f32 $1.442695020e+00, v7;
	(erf) = vpow2.f32 v8;
	_ =	sdelay $0x1  }
0x38b: {  	(erf) = vpow2.f32 v7;
	_ =	sdelay $0x3  }
0x38c: {  	v7 =	vpop (erf)  }
0x38d: {  	v8 =	vpop (erf)  }
0x38e: {  	v9 =	vadd.f32 v8, v7  }
0x38f: {  	v10 =	vpop (erf)  }
0x390: {  	v9 =	vadd.f32 v10, v9  }
0x391: {  	v11 =	vpop (erf)  }
0x392: {  	v9 =	vadd.f32 v11, v9;
	_ =	sdelay $0x1  }
0x393: {  	(erf) = vrcp.f32 v9;
	_ =	sdelay $0x8  }
0x394: {  	v9 =	vmov s3;
	v12 =	vpop (erf)  }
0x395: {  	v9 =	vshll.u32 v9, $0x7;
	v7 =	vmul.f32 v12, v7;
	v11 =	vmul.f32 v12, v11  }
0x396: {  	v9 =	vor.u32 v0, v9;
	v8 =	vmul.f32 v12, v8;
	v10 =	vmul.f32 v12, v10  }
0x397: {  	[tilespmem:v3+s30+$0x0] =	vst.idx.msk $0xffff, v7;
	v3 =	vmov v9  }
0x398: {  	[tilespmem:v4+s30+$0x0] =	vst.idx.msk $0xffff, v8;
	v4 =	vor.u32 $0x1, v3  }
0x399: {  	[tilespmem:v6+s30+$0x0] =	vst.idx.msk $0xffff, v10  }
0x39a: {  	[tilespmem:v5+s30+$0x0] =	vst.idx.msk $0xffff, v11  }
0x39b: {  	v7 =	vor.u32 $0x4, v3;
	v11 =	vld.idx.msk [tilespmem:v9+s28+$0x0], $0xffff  }
0x39c: {  	v15 =	vld.idx.msk [tilespmem:v9+s26+$0x0], $0xffff  }
0x39d: {  	v6 =	vor.u32 $0x2, v3;
	v13 =	vld.idx.msk [tilespmem:v4+s26+$0x0], $0xffff  }
0x39e: {  	v5 =	vor.u32 $0x3, v3;
	v10 =	vld.idx.msk [tilespmem:v4+s28+$0x0], $0xffff  }
0x39f: {  	v8 =	vld.idx.msk [tilespmem:v9+s25+$0x0], $0xffff  }
0x3a0: {  	v7 =	vld.idx.msk [tilespmem:v7+s25+$0x0], $0xffff  }
0x3a1: {  	v9 =	vld.idx.msk [tilespmem:v4+s25+$0x0], $0xffff  }
0x3a2: {  	v12 =	vld.idx.msk [tilespmem:v6+s25+$0x0], $0xffff  }
0x3a3: {  	v14 =	vld.idx.msk [tilespmem:v5+s25+$0x0], $0xffff;
	_ =	sdelay $0x2  }
0x3a4: {  	v28 =	vshll.u32 v7, $0x1  }
0x3a5: {  	v7 =	vadd.s32 $0xBA, v28  }
0x3a6: {  	v16 =	vadd.s32 $0x7C, v28  }
0x3a7: {  	v17 =	vadd.s32 $0x7D, v28  }
0x3a8: {  	v18 =	vor.u32 $0x1, v28  }
0x3a9: {  	v20 =	vadd.s32 $0x3E, v28;
	v19 =	vld.idx.msk [tilespmem:v28+s21+$0x0], $0xffff  }
0x3aa: {  	v21 =	vadd.s32 $0x3F, v28;
	v27 =	vld.idx.msk [tilespmem:v7+s21+$0x0], $0xffff  }
0x3ab: {  	v32 =	vshll.u32 v14, $0x1;
	v24 =	vld.idx.msk [tilespmem:v16+s21+$0x0], $0xffff  }
0x3ac: {  	v7 =	vadd.s32 $0xBA, v32;
	v22 =	vld.idx.msk [tilespmem:v17+s21+$0x0], $0xffff  }
0x3ad: {  	v16 =	vadd.s32 $0x7C, v32;
	v14 =	vld.idx.msk [tilespmem:v18+s21+$0x0], $0xffff  }
0x3ae: {  	v33 =	vshll.u32 v8, $0x1;
	v8 =	vor.u32 $0x1, v32;
	v20 =	vld.idx.msk [tilespmem:v20+s21+$0x0], $0xffff  }
0x3af: {  	v18 =	vadd.s32 $0xBA, v33;
	v17 =	vld.idx.msk [tilespmem:v21+s21+$0x0], $0xffff  }
0x3b0: {  	v23 =	vadd.s32 $0xBB, v33;
	v25 =	vld.idx.msk [tilespmem:v32+s21+$0x0], $0xffff  }
0x3b1: {  	v26 =	vadd.s32 $0x7C, v33;
	v31 =	vld.idx.msk [tilespmem:v7+s21+$0x0], $0xffff  }
0x3b2: {  	v7 =	vadd.s32 $0x7D, v33;
	v30 =	vld.idx.msk [tilespmem:v16+s21+$0x0], $0xffff  }
0x3b3: {  	v21 =	vld.idx.msk [tilespmem:v8+s21+$0x0], $0xffff;
	v8 =	vadd.s32 $0x3E, v32  }
0x3b4: {  	v36 =	vld.idx.msk [tilespmem:v18+s21+$0x0], $0xffff;
	v18 =	vshll.u32 v9, $0x1  }
0x3b5: {  	v38 =	vld.idx.msk [tilespmem:v23+s21+$0x0], $0xffff  }
0x3b6: {  	v40 =	vor.u32 $0x1, v33;
	v34 =	vld.idx.msk [tilespmem:v26+s21+$0x0], $0xffff  }
.Ltmp3:
0x3b7: {  	v39 =	vadd.s32 $0x3E, v33;
	v35 =	vld.idx.msk [tilespmem:v7+s21+$0x0], $0xffff;
	(pc) =	sbr.rel @p0 .LBB2_8-.Ltmp3, $4  }
0x3b8: {  	v37 =	vadd.s32 $0x3F, v33;
	v7 =	vmul.f32 v10, v13;
	v23 =	vld.idx.msk [tilespmem:v8+s21+$0x0], $0xffff  }
0x3b9: {  	v16 =	vadd.s32 $0xBB, v32;
	v26 =	vshll.u32 v12, $0x1;
	v8 =	vadd.s32 $0xBB, v28;
	v29 =	vld.idx.msk [tilespmem:v18+s21+$0x0], $0xffff  }
0x3ba: {  	v28 =	vadd.s32 $0x7D, v32;
	v9 =	vmul.f32 v36, v7;
	v36 =	vadd.s32 $0x3F, v32;
	v33 =	vld.idx.msk [tilespmem:v33+s21+$0x0], $0xffff  }
0x3bb: {  	s3 =	sadd.s32 $0x10, s3;
	v12 =	vmul.f32 v10, v15;
	v10 =	vmul.f32 v38, v7;
	v38 =	vor.u32 $0x1, v18;
	v32 =	vld.idx.msk [tilespmem:v40+s21+$0x0], $0xffff  }
0x3bc: {  	_ =	sdelay $0x3  }
0x3bd: {  	v39 =	vld.idx.msk [tilespmem:v39+s21+$0x0], $0xffff  }
0x3be: {  	v40 =	vadd.s32 $0x3E, v18;
	v31 =	vmul.f32 v31, v7;
	v37 =	vld.idx.msk [tilespmem:v37+s21+$0x0], $0xffff  }
0x3bf: {  	v27 =	vmul.f32 v27, v7;
	v41 =	vadd.s32 $0x3F, v18;
	v15 =	vmul.f32 v11, v15;
	v43 =	vld.idx.msk [tilespmem:v26+s21+$0x0], $0xffff  }
0x3c0: {  	v42 =	vadd.s32 $0x3E, v26;
	v44 =	vor.u32 $0x1, v26;
	v36 =	vld.idx.msk [tilespmem:v36+s21+$0x0], $0xffff;
	v56 =	vmul.f32 v11, v13  }
0x3c1: {  	v58 =	vadd.s32 $0x3F, v26;
	v38 =	vld.idx.msk [tilespmem:v38+s21+$0x0], $0xffff;
	v45 =	vadd.s32 $0xBA, v26;
	v34 =	vmul.f32 v34, v12  }
0x3c2: {  	v46 =	vadd.s32 $0x7C, v18;
	v28 =	vld.idx.msk [tilespmem:v28+s21+$0x0], $0xffff;
	v35 =	vmul.f32 v35, v12;
	v24 =	vmul.f32 v24, v12  }
0x3c3: {  	v47 =	vadd.s32 $0x7D, v18;
	v16 =	vld.idx.msk [tilespmem:v16+s21+$0x0], $0xffff;
	v30 =	vmul.f32 v30, v12;
	v22 =	vmul.f32 v22, v12  }
0x3c4: {  	v48 =	vadd.s32 $0x7C, v26;
	v8 =	vld.idx.msk [tilespmem:v8+s21+$0x0], $0xffff;
	v25 =	vmul.f32 v25, v15;
	v19 =	vmul.f32 v19, v15  }
0x3c5: {  	v49 =	vadd.s32 $0x7D, v26;
	v29 =	vmul.f32 v29, v15;
	v20 =	vmul.f32 v20, v56;
	v40 =	vld.idx.msk [tilespmem:v40+s21+$0x0], $0xffff  }
0x3c6: {  	v59 =	vadd.s32 $0xBB, v26;
	v14 =	vmul.f32 v14, v15;
	v17 =	vmul.f32 v17, v56;
	v41 =	vld.idx.msk [tilespmem:v41+s21+$0x0], $0xffff  }
0x3c7: {  	v50 =	vadd.s32 $0xBA, v18;
	v23 =	vmul.f32 v23, v56;
	v21 =	vmul.f32 v21, v15;
	v42 =	vld.idx.msk [tilespmem:v42+s21+$0x0], $0xffff  }
0x3c8: {  	v60 =	vadd.s32 $0xBB, v18;
	v57 =	vmul.f32 v33, v15;
	v32 =	vmul.f32 v32, v15;
	v44 =	vld.idx.msk [tilespmem:v44+s21+$0x0], $0xffff  }
0x3c9: {  	v19 =	vadd.f32 v20, v19;
	v39 =	vmul.f32 v39, v56;
	v37 =	vmul.f32 v37, v56;
	v33 =	vld.idx.msk [tilespmem:v58+s21+$0x0], $0xffff  }
0x3ca: {  	v14 =	vadd.f32 v17, v14;
	v43 =	vmul.f32 v43, v15;
	v36 =	vmul.f32 v36, v56;
	v46 =	vld.idx.msk [tilespmem:v46+s21+$0x0], $0xffff  }
0x3cb: {  	v38 =	vmul.f32 v38, v15;
	v47 =	vld.idx.msk [tilespmem:v47+s21+$0x0], $0xffff;
	v28 =	vmul.f32 v28, v12;
	v19 =	vadd.f32 v24, v19  }
0x3cc: {  	v62 =	vld.idx.msk [tilespmem:v48+s21+$0x0], $0xffff;
	v16 =	vmul.f32 v16, v7;
	v13 =	vadd.f32 v39, v57;
	v32 =	vadd.f32 v37, v32  }
0x3cd: {  	v63 =	vld.idx.msk [tilespmem:v49+s21+$0x0], $0xffff;
	v14 =	vadd.f32 v22, v14;
	v21 =	vadd.f32 v36, v21;
	v36 =	vmul.f32 v8, v7  }
0x3ce: {  	v49 =	vld.idx.msk [tilespmem:v50+s21+$0x0], $0xffff;
	v13 =	vadd.f32 v34, v13;
	v53 =	vadd.f32 v35, v32;
	v40 =	vmul.f32 v40, v56  }
0x3cf: {  	v52 =	vld.idx.msk [tilespmem:v60+s21+$0x0], $0xffff;
	v60 =	vadd.f32 v28, v21;
	v41 =	vmul.f32 v41, v56;
	v61 =	vmul.f32 v42, v56  }
0x3d0: {  	v55 =	vld.idx.msk [tilespmem:v45+s21+$0x0], $0xffff;
	v15 =	vmul.f32 v44, v15;
	v11 =	vmul.f32 v33, v56;
	v42 =	vadd.f32 v23, v25  }
0x3d1: {  	v57 =	vld.idx.msk [tilespmem:v59+s21+$0x0], $0xffff;
	v50 =	vmul.f32 v46, v12;
	v54 =	vmul.f32 v47, v12;
	v9 =	vadd.f32 v9, v13  }
0x3d2: {  	v56 =	vmul.f32 v62, v12;
	v10 =	vadd.f32 v10, v53;
	v16 =	vadd.f32 v16, v60  }
0x3d3: {  	v58 =	vmul.f32 v63, v12;
	v44 =	vadd.f32 v40, v29;
	v48 =	vadd.f32 v41, v38  }
0x3d4: {  	v63 =	vmul.f32 v49, v7;
	v51 =	vadd.f32 v61, v43;
	v11 =	vadd.f32 v11, v15  }
0x3d5: {  	v59 =	vadd.f32 v30, v42;
	v29 =	vmul.f32 v52, v7;
	v30 =	vmul.f32 v55, v7  }
0x3d6: {  	v35 =	vmul.f32 v57, v7;
	v7 =	vadd.f32 v36, v14;
	v16 =	vsub.f32 v10, v16  }
0x3d7: {  	v61 =	vadd.f32 v50, v44;
	v62 =	vadd.f32 v54, v48  }
0x3d8: {  	v28 =	vadd.f32 v56, v51;
	v11 =	vadd.f32 v58, v11  }
0x3d9: {  	v32 =	vadd.f32 v31, v59;
	v34 =	vadd.f32 v63, v61  }
0x3da: {  	v12 =	vadd.f32 v29, v62;
	v13 =	vadd.f32 v30, v28  }
0x3db: {  	v11 =	vadd.f32 v35, v11;
	v15 =	vsub.f32 v9, v32  }
0x3dc: {  	v40 =	vmul.f32 v16, v2;
	v18 =	vsub.f32 v9, v34;
	v37 =	vsub.f32 v10, v12  }
0x3dd: {  	v38 =	vsub.f32 v9, v13;
	v11 =	vsub.f32 v10, v11;
	v39 =	vmul.f32 v15, v1  }
0x3de: {  	v33 =	vadd.f32 v27, v19;
	v41 =	vmul.f32 v18, v1;
	v42 =	vmul.f32 v37, v2  }
0x3df: {  	v7 =	vsub.f32 v10, v7;
	v43 =	vmul.f32 v38, v1;
	v44 =	vmul.f32 v11, v2  }
0x3e0: {  	v9 =	vsub.f32 v9, v33;
	v14 =	vmul.f32 v41, v18;
	v8 =	vmul.f32 v42, v37  }
0x3e1: {  	v45 =	vmul.f32 v43, v38;
	v11 =	vmul.f32 v44, v11  }
0x3e2: {  	v1 =	vmul.f32 v9, v1;
	v2 =	vmul.f32 v7, v2;
	v8 =	vadd.f32 v8, v14  }
0x3e3: {  	v47 =	vmul.f32 v40, v16;
	v46 =	vmul.f32 v39, v15;
	v10 =	vadd.f32 v11, v45  }
0x3e4: {  	v1 =	vmul.f32 v1, v9;
	v2 =	vmul.f32 v2, v7;
	v48 =	vshra.s32 v8, $0x1  }
0x3e5: {  	v11 =	vadd.f32 v47, v46;
	v50 =	vshra.s32 v10, $0x1;
	v49 =	vadd.s32 $0x1FBD1DF5, v48  }
0x3e6: {  	v1 =	vadd.f32 v2, v1;
	v9 =	vadd.s32 $0x1FBD1DF5, v50;
	(erf) = vrcp.f32 v49  }
0x3e7: {  	v2 =	vshra.s32 v11, $0x1;
	(erf) = vrcp.f32 v9  }
0x3e8: {  	v51 =	vshra.s32 v1, $0x1;
	v2 =	vadd.s32 $0x1FBD1DF5, v2  }
0x3e9: {  	v12 =	vadd.s32 $0x1FBD1DF5, v51;
	(erf) = vrcp.f32 v2  }
0x3ea: {  	(erf) = vrcp.f32 v12;
	_ =	sdelay $0x4  }
0x3eb: {  	v52 =	vpop (erf)  }
0x3ec: {  	v13 =	vmul.f32 v52, v8;
	v53 =	vpop (erf)  }
0x3ed: {  	v14 =	vmul.f32 v53, v10  }
0x3ee: {  	v54 =	vpop (erf);
	v7 =	vadd.f32 v49, v13  }
0x3ef: {  	v13 =	vmul.f32 v54, v11;
	v55 =	vpop (erf);
	v9 =	vadd.f32 v9, v14  }
0x3f0: {  	v14 =	vmul.f32 v55, v1;
	v7 =	vmul.f32 $5.000000000e-01, v7  }
0x3f1: {  	v2 =	vadd.f32 v2, v13;
	v9 =	vmul.f32 $5.000000000e-01, v9  }
0x3f2: {  	v12 =	vadd.f32 v12, v14;
	(erf) = vrcp.f32 v7  }
0x3f3: {  	v2 =	vmul.f32 $5.000000000e-01, v2;
	(erf) = vrcp.f32 v9  }
0x3f4: {  	v12 =	vmul.f32 $5.000000000e-01, v12  }
0x3f5: {  	(erf) = vrcp.f32 v2  }
0x3f6: {  	(erf) = vrcp.f32 v12;
	_ =	sdelay $0x4  }
0x3f7: {  	v56 =	vpop (erf)  }
0x3f8: {  	v8 =	vmul.f32 v56, v8;
	v57 =	vpop (erf)  }
0x3f9: {  	v10 =	vmul.f32 v57, v10  }
0x3fa: {  	v58 =	vpop (erf);
	v7 =	vadd.f32 v8, v7  }
0x3fb: {  	v8 =	vmul.f32 v58, v11;
	v59 =	vpop (erf);
	v9 =	vadd.f32 v10, v9  }
0x3fc: {  	v1 =	vmul.f32 v59, v1;
	v7 =	vmul.f32 $5.000000000e-01, v7  }
0x3fd: {  	v2 =	vadd.f32 v8, v2;
	v9 =	vmul.f32 $5.000000000e-01, v9  }
0x3fe: {  	v1 =	vadd.f32 v1, v12;
	v7 =	vmul.f32 $-1.000000000e+01, v7  }
0x3ff: {  	v2 =	vmul.f32 $5.000000000e-01, v2;
	v60 =	vmul.f32 $-1.000000000e+01, v9  }
0x400: {  	v1 =	vmul.f32 $5.000000000e-01, v1;
	v7 =	vmul.f32 $1.442695020e+00, v7  }
0x401: {  	v2 =	vmul.f32 $-1.000000000e+01, v2;
	v8 =	vmul.f32 $1.442695020e+00, v60  }
0x402: {  	v1 =	vmul.f32 $-1.000000000e+01, v1;
	(erf) = vpow2.f32 v7  }
0x403: {  	v2 =	vmul.f32 $1.442695020e+00, v2;
	(erf) = vpow2.f32 v8;
	_ =	sdelay $0x1  }
0x404: {  	v1 =	vmul.f32 $1.442695020e+00, v1;
	(erf) = vpow2.f32 v2;
	_ =	sdelay $0x1  }
0x405: {  	(erf) = vpow2.f32 v1;
	_ =	sdelay $0x3  }
0x406: {  	v1 =	vpop (erf)  }
0x407: {  	v2 =	vpop (erf)  }
0x408: {  	v61 =	vadd.f32 v2, v1  }
0x409: {  	v62 =	vpop (erf)  }
0x40a: {  	v7 =	vadd.f32 v62, v61  }
0x40b: {  	v63 =	vpop (erf)  }
0x40c: {  	v7 =	vadd.f32 v63, v7;
	_ =	sdelay $0x1  }
0x40d: {  	(erf) = vrcp.f32 v7;
	_ =	sdelay $0x8  }
0x40e: {  	v7 =	vpop (erf)  }
0x40f: {  	v1 =	vmul.f32 v7, v1  }
0x410: {  	v2 =	vmul.f32 v7, v2  }
0x411: {  	v8 =	vmul.f32 v7, v62;
	[tilespmem:v3+s30+$0x0] =	vst.idx.msk $0xffff, v1  }
0x412: {  	s0 =	sadd.s32 $0x1, s0;
	v1 =	vmul.f32 v7, v63;
	[tilespmem:v4+s30+$0x0] =	vst.idx.msk $0xffff, v2  }
0x413: {  	p0 =	sne.s32 s0, s20;
	[tilespmem:v6+s30+$0x0] =	vst.idx.msk $0xffff, v8  }
.Ltmp4:
0x414: {  	[tilespmem:v5+s30+$0x0] =	vst.idx.msk $0xffff, v1;
	(pc) =	sbr.rel @p0 .LBB2_1-.Ltmp4, $4  }
0x415: {  	[hbm4b:s19+s2] =	stream.linear.scatter [tilespmem:s30], [sflag:$0x3], $0x4000, $0x38;
	[tilespmem:$0x1C180] =	vst v63  }
0x416: {  	_ =	swait.ge [sflag:s22], $0x4000  }
0x417: {  	[sflag:s22] =	ssyncset.done $0x0  }
0x418: {  	[sflag:s22] =	ssyncadd.s32 $0xFFFFC000  }
0x419: {  	_ =	sfence.sel $0x180000  }
0x41a: {  	[bflag:$0x0] =	sbarrier.arrive $0xFFFF  }
0x41b: {  	_ =	strace $0x90000047  }
0x41c: {  	s0 =	stileid.u32;
	[bflag:$0x2] =	sbarrier.arrive $0xFFFF  }
0x41d: {  	p0 =	sne.s32 s0, $0x0;
	s0 =	rddreg [dreg:$0x2]  }
0x41e: {  	s0 =	sadd.s32 @!p0 $0x100000, s0  }
0x41f: {  	[sflag:s0] =	ssyncadd.tile.s32 @!p0 $0x1;
	_ =	shalt  }
.Lfunc_end2:
_tile_overlayer_lowered:
.L_overlay_start_2:
0x420: {  	(tag) =	ssettag $0x2  }
0x421: {  	s0 =	rddreg [dreg:$0x0];
	s2 =	stileid.u32  }
0x422: {  	s1 =	rddreg [dreg:$0x1];
	p0 =	sne.s32 s2, $0x0  }
0x423: {  	s3 =	rddreg [dreg:$0x2];
	[bflag:$0x3] =	sbarrier.arrive $0xFFFF;
	s2 =	simm.s32 @!p0 $0x1C03  }
0x424: {  	[timem:s3], [sflag:s2] =	dma.local @!p0 [hbm:s0], s1  }
0x425: {  	s0 =	simm.s32 @!p0 $0x3  }
0x426: {  	_ =	swait.ge @!p0 [sflag:s0], s1  }
0x427: {  	s1 =	ssub.s32 @!p0 $0x0, s1;
	[sflag:s0] =	ssyncset.done @!p0 $0x0  }
0x428: {  	[sflag:s0] =	ssyncadd.s32 @!p0 s1  }
0x429: {  	[bflag:$0x3] =	sbarrier.arrive $0xFFFF  }
0x42a: {  	_ =	shalt  }

</sc_bundles>
